<compile_context>
chip_gen: v7x
topology: tpu7x:2x2x1
jax: 0.10.2.dev20260603
libtpu: 0.0.44.dev20260713+nightly
codegen_flags: <defaults>
</compile_context>

<pallas_src>
import functools
import jax
import jax.numpy as jnp
from jax import lax
from jax.experimental import pallas as pl
from jax.experimental.pallas import tpu as pltpu
from jax.experimental.pallas import tpu_sc as plsc

f32 = jnp.float32
i32 = jnp.int32

N = 10000
D = 128
HD = 64
GAMMA = 0.1
E = 320000
EK = 200000

NC = 2
NS = 16
NW = NC * NS
CH = 128

NPAD = 10240
NPD = 10112
RPD = NPD // NS
BLK = 1024
GRID = NPAD // BLK

NCH_M = 79
NCH_K = 49
EPT_M = NCH_M * CH
EPT_K = NCH_K * CH
EP_M = EPT_M * NW
EP_K = EPT_K * NW

_mesh = plsc.VectorSubcoreMesh(core_axis_name="c", subcore_axis_name="s")



@functools.partial(
    pl.kernel,
    out_type=jax.ShapeDtypeStruct((2, 4, NPAD, 16), f32),
    mesh=_mesh,
    scratch_types=[
        pltpu.VMEM((CH,), i32),
        pltpu.VMEM((CH, 16), f32),
        pltpu.VMEM((RPD, 16), f32),
        pltpu.VMEM_SHARED((NPD, 16), f32),
        pltpu.VMEM_SHARED((NPD, 16), f32),
    ],
    compiler_params=pltpu.CompilerParams(use_tc_tiling_on_sc=False),
)
def _deg_kernel(srcm, dstm, srck, dstk, out,
                ib, ones_v, zb, a0, a1):
    cid = lax.axis_index("c")
    sid = lax.axis_index("s")
    wid = cid * NS + sid
    row0 = sid * RPD

    def _fill(r, _):
        ones_v[r, pl.ds(0, 16)] = jnp.ones((16,), f32)
        return 0
    lax.fori_loop(0, CH, _fill, 0)

    def _zfill(r, _):
        zb[r, pl.ds(0, 16)] = jnp.zeros((16,), f32)
        return 0
    lax.fori_loop(0, RPD, _zfill, 0)

    for p, (arrs, nch, ept) in enumerate(
            (((srcm, dstm), NCH_M, EPT_M), ((srck, dstk), NCH_K, EPT_K))):
        pltpu.sync_copy(zb, a0.at[pl.ds(row0, RPD)])
        pltpu.sync_copy(zb, a1.at[pl.ds(row0, RPD)])
        plsc.subcore_barrier()
        base = wid * ept
        for arr, acc in zip(arrs, (a0, a1)):

            def _body(i, _):
                pltpu.sync_copy(arr.at[pl.ds(base + i * CH, CH)], ib)
                pltpu.sync_copy(ones_v, acc.at[ib], add=True)
                return 0
            lax.fori_loop(0, nch, _body, 0)
        plsc.subcore_barrier()
        for q, acc in enumerate((a0, a1)):
            pltpu.sync_copy(acc.at[pl.ds(row0, RPD)],
                            out.at[cid, 2 * p + q, pl.ds(row0, RPD)])
            @pl.when(sid == NS - 1)
            def _tail():
                pltpu.sync_copy(zb.at[pl.ds(0, NPAD - NPD)],
                                out.at[cid, 2 * p + q, pl.ds(NPD, NPAD - NPD)])


@functools.partial(
    pl.kernel,
    out_type=(jax.ShapeDtypeStruct((2, NPAD, HD), f32),
              jax.ShapeDtypeStruct((2, NPAD, HD), f32)),
    mesh=_mesh,
    scratch_types=[
        pltpu.VMEM((CH, HD), f32),
        pltpu.VMEM((CH,), i32),
        pltpu.VMEM((CH,), i32),
        pltpu.VMEM((RPD, HD), f32),
        pltpu.VMEM_SHARED((NPD, HD), f32),
        pltpu.VMEM_SHARED((NPD, HD), f32),
        pltpu.SemaphoreType.DMA,
    ],
    compiler_params=pltpu.CompilerParams(use_tc_tiling_on_sc=False),
)
def _agg_kernel(hsm, hsk, srcm, dstm, srck, dstk, outm, outk,
                rows_v, si, di, zb, accm, acck, sem):
    cid = lax.axis_index("c")
    sid = lax.axis_index("s")
    wid = cid * NS + sid
    row0 = sid * RPD

    def _zfill(r, _):
        for q in range(HD // 16):
            zb[r, pl.ds(q * 16, 16)] = jnp.zeros((16,), f32)
        return 0
    lax.fori_loop(0, RPD, _zfill, 0)
    pltpu.sync_copy(zb, accm.at[pl.ds(row0, RPD)])
    pltpu.sync_copy(zb, acck.at[pl.ds(row0, RPD)])
    plsc.subcore_barrier()

    for tab, sa, da, acc, nch, ept in (
            (hsm, srcm, dstm, accm, NCH_M, EPT_M),
            (hsk, srck, dstk, acck, NCH_K, EPT_K)):
        base = wid * ept

        def _body(i, _):
            off = base + i * CH
            pltpu.sync_copy(sa.at[pl.ds(off, CH)], si)
            gd = pltpu.async_copy(tab.at[si], rows_v, sem)
            pltpu.sync_copy(da.at[pl.ds(off, CH)], di)
            gd.wait()
            pltpu.sync_copy(rows_v, acc.at[di], add=True)
            return 0
        lax.fori_loop(0, nch, _body, 0)
    plsc.subcore_barrier()

    pltpu.sync_copy(accm.at[pl.ds(row0, RPD)], outm.at[cid, pl.ds(row0, RPD)])
    pltpu.sync_copy(acck.at[pl.ds(row0, RPD)], outk.at[cid, pl.ds(row0, RPD)])

    @pl.when(sid == NS - 1)
    def _tail():
        pltpu.sync_copy(zb.at[pl.ds(0, NPAD - NPD)],
                        outm.at[cid, pl.ds(NPD, NPAD - NPD)])
        pltpu.sync_copy(zb.at[pl.ds(0, NPAD - NPD)],
                        outk.at[cid, pl.ds(NPD, NPAD - NPD)])



def _invs_body(d_ref, iom_ref, iim_ref, iok_ref, iik_ref, swm_ref):
    d = d_ref[...]
    dm_o = (d[0, 0] + d[1, 0])[:, 0:1]
    dm_i = (d[0, 1] + d[1, 1])[:, 0:1]
    dk_o = (d[0, 2] + d[1, 2])[:, 0:1]
    dk_i = (d[0, 3] + d[1, 3])[:, 0:1]
    iom = lax.rsqrt(dm_o + 1.0)
    iim = lax.rsqrt(dm_i + 1.0)
    iok_ref[...] = jnp.where(dk_o > 0, lax.rsqrt(jnp.maximum(dk_o, 1.0)), 0.0)
    iik_ref[...] = jnp.where(dk_i > 0, lax.rsqrt(jnp.maximum(dk_i, 1.0)), 0.0)
    iom_ref[...] = iom
    iim_ref[...] = iim
    swm_ref[...] = iom * iim


def _invs(deg):
    shp = jax.ShapeDtypeStruct((NPAD, 1), f32)
    return pl.pallas_call(
        _invs_body,
        grid=(GRID,),
        in_specs=[pl.BlockSpec((2, 4, BLK, 16), lambda i: (0, 0, i, 0))],
        out_specs=[pl.BlockSpec((BLK, 1), lambda i: (i, 0))] * 5,
        out_shape=(shp,) * 5,
    )(deg)


def _kA_body(x_ref, w_ref, sr_ref, dr_ref, b_ref, db_ref, iom_ref, iok_ref,
             h_ref, hsm_ref, hsk_ref, s_ref, dk_ref):
    x = x_ref[...]
    h = jnp.dot(x, w_ref[...], preferred_element_type=f32)
    s = jax.nn.sigmoid(jnp.dot(x, sr_ref[...], preferred_element_type=f32)
                       + b_ref[...])
    dk = jnp.dot(x, dr_ref[...], preferred_element_type=f32) + db_ref[...]
    h_ref[...] = h
    hsm_ref[...] = h * iom_ref[...]
    hsk_ref[...] = h * iok_ref[...]
    s_ref[...] = s
    dk_ref[...] = dk


def _mm_specs(din):
    full = lambda shape: pl.BlockSpec(shape, lambda i: (0,) * len(shape))
    return [
        pl.BlockSpec((BLK, din), lambda i: (i, 0)),
        full((din, HD)),
        full((din, HD)),
        full((din, HD)),
        full((1, HD)),
        full((1, HD)),
        pl.BlockSpec((BLK, 1), lambda i: (i, 0)),
        pl.BlockSpec((BLK, 1), lambda i: (i, 0)),
    ]


_ROWOUT = [pl.BlockSpec((BLK, HD), lambda i: (i, 0))] * 5
_SHP5 = (jax.ShapeDtypeStruct((NPAD, HD), f32),) * 5


def _kA(x, w, sr, dr, b, db, iom, iok):
    return pl.pallas_call(
        _kA_body,
        grid=(GRID,),
        in_specs=_mm_specs(x.shape[1]),
        out_specs=_ROWOUT,
        out_shape=_SHP5,
    )(x, w, sr, dr, b, db, iom, iok)


def _combine(am_ref, ak_ref, h_ref, s_ref, dk_ref, iim_ref, iik_ref, swm_ref):
    am = am_ref[0] + am_ref[1]
    ak = ak_ref[0] + ak_ref[1]
    h = h_ref[...]
    s = s_ref[...]
    h_main = iim_ref[...] * am + swm_ref[...] * h
    tmp_knn = iik_ref[...] * ak
    return s * h_main + (1.0 - s) * tmp_knn + GAMMA * dk_ref[...] * h


def _kBA_body(am_ref, ak_ref, h_ref, s_ref, dk_ref, iim_ref, iik_ref, swm_ref,
              w_ref, sr_ref, dr_ref, b_ref, db_ref, iom_ref, iok_ref,
              h2_ref, hsm_ref, hsk_ref, s2_ref, dk2_ref):
    x2 = _combine(am_ref, ak_ref, h_ref, s_ref, dk_ref,
                  iim_ref, iik_ref, swm_ref)
    h2 = jnp.dot(x2, w_ref[...], preferred_element_type=f32)
    s2 = jax.nn.sigmoid(jnp.dot(x2, sr_ref[...], preferred_element_type=f32)
                        + b_ref[...])
    dk2 = jnp.dot(x2, dr_ref[...], preferred_element_type=f32) + db_ref[...]
    h2_ref[...] = h2
    hsm_ref[...] = h2 * iom_ref[...]
    hsk_ref[...] = h2 * iok_ref[...]
    s2_ref[...] = s2
    dk2_ref[...] = dk2


def _comb_specs():
    return [
        pl.BlockSpec((2, BLK, HD), lambda i: (0, i, 0)),
        pl.BlockSpec((2, BLK, HD), lambda i: (0, i, 0)),
        pl.BlockSpec((BLK, HD), lambda i: (i, 0)),
        pl.BlockSpec((BLK, HD), lambda i: (i, 0)),
        pl.BlockSpec((BLK, HD), lambda i: (i, 0)),
        pl.BlockSpec((BLK, 1), lambda i: (i, 0)),
        pl.BlockSpec((BLK, 1), lambda i: (i, 0)),
        pl.BlockSpec((BLK, 1), lambda i: (i, 0)),
    ]


def _kBA(am, ak, h, s, dk, iim, iik, swm, w, sr, dr, b, db, iom, iok):
    full = lambda shape: pl.BlockSpec(shape, lambda i: (0,) * len(shape))
    in_specs = _comb_specs() + [
        full((HD, HD)), full((HD, HD)), full((HD, HD)),
        full((1, HD)), full((1, HD)),
        pl.BlockSpec((BLK, 1), lambda i: (i, 0)),
        pl.BlockSpec((BLK, 1), lambda i: (i, 0)),
    ]
    return pl.pallas_call(
        _kBA_body,
        grid=(GRID,),
        in_specs=in_specs,
        out_specs=_ROWOUT,
        out_shape=_SHP5,
    )(am, ak, h, s, dk, iim, iik, swm, w, sr, dr, b, db, iom, iok)


def _kB_body(am_ref, ak_ref, h_ref, s_ref, dk_ref, iim_ref, iik_ref, swm_ref,
             out_ref):
    out_ref[...] = _combine(am_ref, ak_ref, h_ref, s_ref, dk_ref,
                            iim_ref, iik_ref, swm_ref)


def _kB(am, ak, h, s, dk, iim, iik, swm):
    return pl.pallas_call(
        _kB_body,
        grid=(GRID,),
        in_specs=_comb_specs(),
        out_specs=pl.BlockSpec((BLK, HD), lambda i: (i, 0)),
        out_shape=jax.ShapeDtypeStruct((NPAD, HD), f32),
    )(am, ak, h, s, dk, iim, iik, swm)



def _pad_edges(idx, ep):
    return jnp.concatenate([idx, jnp.full((ep - idx.shape[0],), N, i32)])


def kernel(feat, edge_index, knn_edge_index, W0, W1, scores0, scores1,
           bias0, bias1, Dk0, Dk1, Dbias0, Dbias1):
    featp = jnp.pad(feat, ((0, NPAD - N), (0, 0)))
    srcm = _pad_edges(edge_index[0], EP_M)
    dstm = _pad_edges(edge_index[1], EP_M)
    srck = _pad_edges(knn_edge_index[0], EP_K)
    dstk = _pad_edges(knn_edge_index[1], EP_K)

    deg = _deg_kernel(srcm, dstm, srck, dstk)
    iom, iim, iok, iik, swm = _invs(deg)

    sr0 = jnp.broadcast_to(scores0, (D, HD))
    dr0 = jnp.broadcast_to(Dk0, (D, HD))
    sr1 = jnp.broadcast_to(scores1, (HD, HD))
    dr1 = jnp.broadcast_to(Dk1, (HD, HD))
    b0 = jnp.broadcast_to(bias0.reshape(1, 1), (1, HD))
    db0 = jnp.broadcast_to(Dbias0.reshape(1, 1), (1, HD))
    b1 = jnp.broadcast_to(bias1.reshape(1, 1), (1, HD))
    db1 = jnp.broadcast_to(Dbias1.reshape(1, 1), (1, HD))

    h1, hs1m, hs1k, s1, dk1 = _kA(featp, W0, sr0, dr0, b0, db0, iom, iok)
    am1, ak1 = _agg_kernel(hs1m, hs1k, srcm, dstm, srck, dstk)
    h2, hs2m, hs2k, s2, dk2 = _kBA(am1, ak1, h1, s1, dk1, iim, iik, swm,
                                   W1, sr1, dr1, b1, db1, iom, iok)
    am2, ak2 = _agg_kernel(hs2m, hs2k, srcm, dstm, srck, dstk)
    x3 = _kB(am2, ak2, h2, s2, dk2, iim, iik, swm)
    return x3[:N]

# --- scband reference (transcript-rebuilt; emitter-appended) ---
"""Pipeline reference for scband-sim-pgcn-12463995093672 (READ-ONLY COPY).

The authoritative reference and input builder live on the scoring server;
editing this copy changes nothing except your own understanding.
"""

import jax, jax.numpy as jnp
import numpy as np

N = 10000
D = 128
H = 64
O = 64
E = 320000
EK = 200000
GAMMA = 0.1


def _xavier(k, shape):
    fan_in, fan_out = shape
    limit = (6.0 / (fan_in + fan_out)) ** 0.5
    return jax.random.uniform(k, shape, jnp.float32, -limit, limit)


def setup_inputs(seed: int = 0) -> dict:
    key = jax.random.key(seed)
    ks = jax.random.split(key, 12)
    feat = jax.random.normal(ks[0], (N, D), jnp.float32)
    edge_index = jax.random.randint(ks[1], (2, E), 0, N, dtype=jnp.int32)
    knn_edge_index = jax.random.randint(ks[2], (2, EK), 0, N, dtype=jnp.int32)
    W0 = _xavier(ks[3], (D, H))
    W1 = _xavier(ks[4], (H, O))
    scores0 = _xavier(ks[5], (D, 1))
    scores1 = _xavier(ks[6], (H, 1))
    Dk0 = _xavier(ks[7], (D, 1))
    Dk1 = _xavier(ks[8], (H, 1))
    bias0 = jnp.zeros((1,), jnp.float32)
    bias1 = jnp.zeros((1,), jnp.float32)
    Dbias0 = jnp.zeros((1,), jnp.float32)
    Dbias1 = jnp.zeros((1,), jnp.float32)
    return {"feat": feat, "edge_index": edge_index, "knn_edge_index": knn_edge_index,
            "W0": W0, "W1": W1, "scores0": scores0, "scores1": scores1,
            "bias0": bias0, "bias1": bias1, "Dk0": Dk0, "Dk1": Dk1,
            "Dbias0": Dbias0, "Dbias1": Dbias1}


def _gcn_prop(h, src, dst, num_nodes):
    ones = jnp.ones(src.shape[0], h.dtype)
    deg_out = jax.ops.segment_sum(ones, src, num_segments=num_nodes)
    deg_in = jax.ops.segment_sum(ones, dst, num_segments=num_nodes)
    inv_out = jnp.where(deg_out > 0, deg_out ** -0.5, 0.0)
    inv_in = jnp.where(deg_in > 0, deg_in ** -0.5, 0.0)
    msg = h[src] * (inv_out[src] * inv_in[dst])[:, None]
    return jax.ops.segment_sum(msg, dst, num_segments=num_nodes)


def _gcn_conv(feat, W, edge_index, add_self_loop, num_nodes):
    h = feat @ W
    src, dst = edge_index[0], edge_index[1]
    if add_self_loop:
        loop = jnp.arange(num_nodes, dtype=src.dtype)
        src = jnp.concatenate([src, loop])
        dst = jnp.concatenate([dst, loop])
    return _gcn_prop(h, src, dst, num_nodes)


def reference(feat, edge_index, knn_edge_index, W0, W1, scores0, scores1,
              bias0, bias1, Dk0, Dk1, Dbias0, Dbias1):
    # SimPGCN forward (eval mode: dropout is identity; acts=[None, None] -> identity)
    x = feat
    layer_params = [(W0, scores0, bias0, Dk0, Dbias0),
                    (W1, scores1, bias1, Dk1, Dbias1)]
    for (W, sc, b, Dk_w, Db) in layer_params:
        s = jax.nn.sigmoid(x @ sc + b)          # [N, 1]
        Dk = x @ Dk_w + Db                      # [N, 1]
        tmp = x @ W                             # self-feature branch (no bias)
        tmp_knn = _gcn_conv(x, W, knn_edge_index, False, N)  # knn graph, no self loop
        h_main = _gcn_conv(x, W, edge_index, True, N)        # main graph, self loop
        x = s * h_main + (1.0 - s) * tmp_knn + GAMMA * Dk * tmp
    return x

if __name__ == "__main__":
    import jax
    _d = setup_inputs()
    print(jax.jit(kernel)(*tuple(_d.values())))

</pallas_src>

<mosaic_0001>
#map = affine_map<(d0, d1) -> (0, 0)>
#map1 = affine_map<(d0, d1) -> (0)>
#map2 = affine_map<(d0, d1) -> (0, 0, 0)>
module attributes {stable_mosaic.version = 14 : i64} {
  func.func @_agg_kernel(%arg0: i32, %arg1: i32, %arg2: memref<10240x64xf32, #tpu.memory_space<hbm>>, %arg3: memref<10240x64xf32, #tpu.memory_space<hbm>>, %arg4: memref<323584xi32, #tpu.memory_space<hbm>>, %arg5: memref<323584xi32, #tpu.memory_space<hbm>>, %arg6: memref<200704xi32, #tpu.memory_space<hbm>>, %arg7: memref<200704xi32, #tpu.memory_space<hbm>>, %arg8: memref<2x10240x64xf32, #tpu.memory_space<hbm>>, %arg9: memref<2x10240x64xf32, #tpu.memory_space<hbm>>, %arg10: memref<128x64xf32, #tpu.memory_space<vmem>>, %arg11: memref<128xi32, #tpu.memory_space<vmem>>, %arg12: memref<128xi32, #tpu.memory_space<vmem>>, %arg13: memref<632x64xf32, #tpu.memory_space<vmem>>, %arg14: memref<10112x64xf32, #tpu.memory_space<vmem_shared>>, %arg15: memref<10112x64xf32, #tpu.memory_space<vmem_shared>>, %arg16: memref<!tpu.dma_semaphore, #tpu.memory_space<semaphore_mem>>) attributes {dimension_semantics = [#tpu.dimension_semantics<core_parallel>, #tpu.dimension_semantics<subcore_parallel>], iteration_bounds = array<i64: 2, 16>, scalar_prefetch = 0 : i64, scratch_operands = 7 : i64, tpu.core_type = #tpu.core_type<sc_vector_subcore>, window_params = [{transform_indices = #map}, {transform_indices = #map}, {transform_indices = #map1}, {transform_indices = #map1}, {transform_indices = #map1}, {transform_indices = #map1}, {transform_indices = #map2}, {transform_indices = #map2}]} {
    %mul3A = arith.constant 16 : i32
    %mul3A_0 = arith.muli %arg0, %mul3A : i32
    %add3A = arith.addi %mul3A_0, %arg1 : i32
    %mul3A_1 = arith.constant 632 : i32
    %mul3A_2 = arith.muli %arg1, %mul3A_1 : i32
    %scan3A = arith.constant 0 : i32
    %scan3A_3 = arith.constant 0 : i32
    %scan3A_4 = arith.constant 632 : i32
    %scan3A_5 = arith.addi %scan3A_3, %scan3A_4 : i32
    %scan3A_6 = arith.constant 1 : i32
    %scan3A_7 = scf.for %scan3A_30 = %scan3A_3 to %scan3A_5 step %scan3A_6 iter_args(%scan3A_31 = %scan3A) -> (i32)  : i32 {
      %broadcast_in_dim3A = arith.constant 0.000000e+00 : f32
      %broadcast_in_dim3A_32 = vector.broadcast %broadcast_in_dim3A : f32 to vector<16xf32>
      %swap3A = arith.index_cast %scan3A_30 : i32 to index
      %swap3A_33 = arith.constant 0 : index
      %swap3A_34 = tpu.vector_load %arg13[%swap3A, %swap3A_33] {strides = array<i32>} : memref<632x64xf32, #tpu.memory_space<vmem>>, vector<1x16xf32>,
      %swap3A_35 = vector.shape_cast %swap3A_34 : vector<1x16xf32> to vector<16xf32>
      %swap3A_36 = vector.shape_cast %broadcast_in_dim3A_32 : vector<16xf32> to vector<1x16xf32>
      tpu.vector_store %arg13[%swap3A, %swap3A_33], %swap3A_36 {strides = array<i32>} : memref<632x64xf32, #tpu.memory_space<vmem>>, vector<1x16xf32>,
      %broadcast_in_dim3A_37 = arith.constant 0.000000e+00 : f32
      %broadcast_in_dim3A_38 = vector.broadcast %broadcast_in_dim3A_37 : f32 to vector<16xf32>
      %swap3A_39 = arith.index_cast %scan3A_30 : i32 to index
      %swap3A_40 = arith.constant 16 : index
      %swap3A_41 = tpu.vector_load %arg13[%swap3A_39, %swap3A_40] {strides = array<i32>} : memref<632x64xf32, #tpu.memory_space<vmem>>, vector<1x16xf32>,
      %swap3A_42 = vector.shape_cast %swap3A_41 : vector<1x16xf32> to vector<16xf32>
      %swap3A_43 = vector.shape_cast %broadcast_in_dim3A_38 : vector<16xf32> to vector<1x16xf32>
      tpu.vector_store %arg13[%swap3A_39, %swap3A_40], %swap3A_43 {strides = array<i32>} : memref<632x64xf32, #tpu.memory_space<vmem>>, vector<1x16xf32>,
      %broadcast_in_dim3A_44 = arith.constant 0.000000e+00 : f32
      %broadcast_in_dim3A_45 = vector.broadcast %broadcast_in_dim3A_44 : f32 to vector<16xf32>
      %swap3A_46 = arith.index_cast %scan3A_30 : i32 to index
      %swap3A_47 = arith.constant 32 : index
      %swap3A_48 = tpu.vector_load %arg13[%swap3A_46, %swap3A_47] {strides = array<i32>} : memref<632x64xf32, #tpu.memory_space<vmem>>, vector<1x16xf32>,
      %swap3A_49 = vector.shape_cast %swap3A_48 : vector<1x16xf32> to vector<16xf32>
      %swap3A_50 = vector.shape_cast %broadcast_in_dim3A_45 : vector<16xf32> to vector<1x16xf32>
      tpu.vector_store %arg13[%swap3A_46, %swap3A_47], %swap3A_50 {strides = array<i32>} : memref<632x64xf32, #tpu.memory_space<vmem>>, vector<1x16xf32>,
      %broadcast_in_dim3A_51 = arith.constant 0.000000e+00 : f32
      %broadcast_in_dim3A_52 = vector.broadcast %broadcast_in_dim3A_51 : f32 to vector<16xf32>
      %swap3A_53 = arith.index_cast %scan3A_30 : i32 to index
      %swap3A_54 = arith.constant 48 : index
      %swap3A_55 = tpu.vector_load %arg13[%swap3A_53, %swap3A_54] {strides = array<i32>} : memref<632x64xf32, #tpu.memory_space<vmem>>, vector<1x16xf32>,
      %swap3A_56 = vector.shape_cast %swap3A_55 : vector<1x16xf32> to vector<16xf32>
      %swap3A_57 = vector.shape_cast %broadcast_in_dim3A_52 : vector<16xf32> to vector<1x16xf32>
      tpu.vector_store %arg13[%swap3A_53, %swap3A_54], %swap3A_57 {strides = array<i32>} : memref<632x64xf32, #tpu.memory_space<vmem>>, vector<1x16xf32>,
      %scan3A_58 = arith.constant 0 : i32
      scf.yield %scan3A_58 : i32
    }
    %scan3A_8 = arith.constant 632 : i32
    "tpu.region"() ({
      %run_scoped3A = tpu.sem_alloc : memref<!tpu.dma_semaphore, #tpu.memory_space<semaphore_mem>>
      %dma_start3A = arith.constant 0 : i32
      %dma_start3A_30 = tpu.memref_slice %arg14[%mul3A_2, %dma_start3A] : memref<10112x64xf32, #tpu.memory_space<vmem_shared>> -> memref<632x64xf32, #tpu.memory_space<vmem_shared>>
      %dma_start3A_31 = arith.constant 0 : i32
      %dma_start3A_32 = tpu.memref_slice %arg14[%mul3A_2, %dma_start3A_31] : memref<10112x64xf32, #tpu.memory_space<vmem_shared>> -> memref<632x64xf32, #tpu.memory_space<vmem_shared>>
      tpu.enqueue_dma source(%arg13 : memref<632x64xf32, #tpu.memory_space<vmem>>) target(%dma_start3A_32 : memref<632x64xf32, #tpu.memory_space<vmem_shared>>) target_semaphore(%run_scoped3A : memref<!tpu.dma_semaphore, #tpu.memory_space<semaphore_mem>>)
      %dma_wait3A = arith.constant 0 : i32
      %dma_wait3A_33 = tpu.memref_slice %arg14[%mul3A_2, %dma_wait3A] : memref<10112x64xf32, #tpu.memory_space<vmem_shared>> -> memref<632x64xf32, #tpu.memory_space<vmem_shared>>
      %dma_wait3A_34 = arith.constant 0 : i32
      %dma_wait3A_35 = tpu.memref_slice %arg14[%mul3A_2, %dma_wait3A_34] : memref<10112x64xf32, #tpu.memory_space<vmem_shared>> -> memref<632x64xf32, #tpu.memory_space<vmem_shared>>
      tpu.wait_dma2 semaphore(%run_scoped3A : memref<!tpu.dma_semaphore, #tpu.memory_space<semaphore_mem>>) src(%arg13 : memref<632x64xf32, #tpu.memory_space<vmem>>) dst(%dma_wait3A_35 : memref<632x64xf32, #tpu.memory_space<vmem_shared>>)
      tpu.yield
    }) : () -> ()
    "tpu.region"() ({
      %run_scoped3A = tpu.sem_alloc : memref<!tpu.dma_semaphore, #tpu.memory_space<semaphore_mem>>
      %dma_start3A = arith.constant 0 : i32
      %dma_start3A_30 = tpu.memref_slice %arg15[%mul3A_2, %dma_start3A] : memref<10112x64xf32, #tpu.memory_space<vmem_shared>> -> memref<632x64xf32, #tpu.memory_space<vmem_shared>>
      %dma_start3A_31 = arith.constant 0 : i32
      %dma_start3A_32 = tpu.memref_slice %arg15[%mul3A_2, %dma_start3A_31] : memref<10112x64xf32, #tpu.memory_space<vmem_shared>> -> memref<632x64xf32, #tpu.memory_space<vmem_shared>>
      tpu.enqueue_dma source(%arg13 : memref<632x64xf32, #tpu.memory_space<vmem>>) target(%dma_start3A_32 : memref<632x64xf32, #tpu.memory_space<vmem_shared>>) target_semaphore(%run_scoped3A : memref<!tpu.dma_semaphore, #tpu.memory_space<semaphore_mem>>)
      %dma_wait3A = arith.constant 0 : i32
      %dma_wait3A_33 = tpu.memref_slice %arg15[%mul3A_2, %dma_wait3A] : memref<10112x64xf32, #tpu.memory_space<vmem_shared>> -> memref<632x64xf32, #tpu.memory_space<vmem_shared>>
      %dma_wait3A_34 = arith.constant 0 : i32
      %dma_wait3A_35 = tpu.memref_slice %arg15[%mul3A_2, %dma_wait3A_34] : memref<10112x64xf32, #tpu.memory_space<vmem_shared>> -> memref<632x64xf32, #tpu.memory_space<vmem_shared>>
      tpu.wait_dma2 semaphore(%run_scoped3A : memref<!tpu.dma_semaphore, #tpu.memory_space<semaphore_mem>>) src(%arg13 : memref<632x64xf32, #tpu.memory_space<vmem>>) dst(%dma_wait3A_35 : memref<632x64xf32, #tpu.memory_space<vmem_shared>>)
      tpu.yield
    }) : () -> ()
    %barrier3A = arith.constant 0 : index
    tpu.barrier barrier_id(%barrier3A)
    %mul3A_9 = arith.constant 10112 : i32
    %mul3A_10 = arith.muli %add3A, %mul3A_9 : i32
    %scan3A_11 = arith.constant 0 : i32
    %scan3A_12 = arith.constant 0 : i32
    %scan3A_13 = arith.constant 79 : i32
    %scan3A_14 = arith.addi %scan3A_12, %scan3A_13 : i32
    %scan3A_15 = arith.constant 1 : i32
    %scan3A_16 = scf.for %scan3A_30 = %scan3A_12 to %scan3A_14 step %scan3A_15 iter_args(%scan3A_31 = %scan3A_11) -> (i32)  : i32 {
      %mul3A_32 = arith.constant 128 : i32
      %mul3A_33 = arith.muli %scan3A_30, %mul3A_32 : i32
      %add3A_34 = arith.addi %mul3A_10, %mul3A_33 : i32
      "tpu.region"() ({
        %run_scoped3A = tpu.sem_alloc : memref<!tpu.dma_semaphore, #tpu.memory_space<semaphore_mem>>
        %dma_start3A_40 = tpu.memref_slice %arg4[%add3A_34] : memref<323584xi32, #tpu.memory_space<hbm>> -> memref<128xi32, #tpu.memory_space<hbm>>
        %dma_start3A_41 = tpu.memref_slice %arg4[%add3A_34] : memref<323584xi32, #tpu.memory_space<hbm>> -> memref<128xi32, #tpu.memory_space<hbm>>
        tpu.enqueue_dma source(%dma_start3A_41 : memref<128xi32, #tpu.memory_space<hbm>>) target(%arg11 : memref<128xi32, #tpu.memory_space<vmem>>) target_semaphore(%run_scoped3A : memref<!tpu.dma_semaphore, #tpu.memory_space<semaphore_mem>>)
        %dma_wait3A_42 = tpu.memref_slice %arg4[%add3A_34] : memref<323584xi32, #tpu.memory_space<hbm>> -> memref<128xi32, #tpu.memory_space<hbm>>
        %dma_wait3A_43 = tpu.memref_slice %arg4[%add3A_34] : memref<323584xi32, #tpu.memory_space<hbm>> -> memref<128xi32, #tpu.memory_space<hbm>>
        tpu.wait_dma2 semaphore(%run_scoped3A : memref<!tpu.dma_semaphore, #tpu.memory_space<semaphore_mem>>) src(%dma_wait3A_43 : memref<128xi32, #tpu.memory_space<hbm>>) dst(%arg11 : memref<128xi32, #tpu.memory_space<vmem>>)
        tpu.yield
      }) : () -> ()
      %dma_start3A = arith.constant 0 : i32
      %dma_start3A_35 = arith.constant 0 : i32
      %dma_start3A_36 = tpu.memref_slice %arg2[%dma_start3A, %dma_start3A_35] : memref<10240x64xf32, #tpu.memory_space<hbm>> -> memref<10240x64xf32, #tpu.memory_space<hbm>>
      tpu.enqueue_indirect_dma source(%dma_start3A_36 : memref<10240x64xf32, #tpu.memory_space<hbm>>) target(%arg10 : memref<128x64xf32, #tpu.memory_space<vmem>>) offsets(%arg11 : memref<128xi32, #tpu.memory_space<vmem>>) semaphore(%arg16 : memref<!tpu.dma_semaphore, #tpu.memory_space<semaphore_mem>>)
      "tpu.region"() ({
        %run_scoped3A = tpu.sem_alloc : memref<!tpu.dma_semaphore, #tpu.memory_space<semaphore_mem>>
        %dma_start3A_40 = tpu.memref_slice %arg5[%add3A_34] : memref<323584xi32, #tpu.memory_space<hbm>> -> memref<128xi32, #tpu.memory_space<hbm>>
        %dma_start3A_41 = tpu.memref_slice %arg5[%add3A_34] : memref<323584xi32, #tpu.memory_space<hbm>> -> memref<128xi32, #tpu.memory_space<hbm>>
        tpu.enqueue_dma source(%dma_start3A_41 : memref<128xi32, #tpu.memory_space<hbm>>) target(%arg12 : memref<128xi32, #tpu.memory_space<vmem>>) target_semaphore(%run_scoped3A : memref<!tpu.dma_semaphore, #tpu.memory_space<semaphore_mem>>)
        %dma_wait3A_42 = tpu.memref_slice %arg5[%add3A_34] : memref<323584xi32, #tpu.memory_space<hbm>> -> memref<128xi32, #tpu.memory_space<hbm>>
        %dma_wait3A_43 = tpu.memref_slice %arg5[%add3A_34] : memref<323584xi32, #tpu.memory_space<hbm>> -> memref<128xi32, #tpu.memory_space<hbm>>
        tpu.wait_dma2 semaphore(%run_scoped3A : memref<!tpu.dma_semaphore, #tpu.memory_space<semaphore_mem>>) src(%dma_wait3A_43 : memref<128xi32, #tpu.memory_space<hbm>>) dst(%arg12 : memref<128xi32, #tpu.memory_space<vmem>>)
        tpu.yield
      }) : () -> ()
      %dma_wait3A = arith.constant 0 : i32
      %dma_wait3A_37 = arith.constant 0 : i32
      %dma_wait3A_38 = tpu.memref_slice %arg2[%dma_wait3A, %dma_wait3A_37] : memref<10240x64xf32, #tpu.memory_space<hbm>> -> memref<10240x64xf32, #tpu.memory_space<hbm>>
      tpu.wait_indirect_dma semaphore(%arg16 : memref<!tpu.dma_semaphore, #tpu.memory_space<semaphore_mem>>) src(%dma_wait3A_38 : memref<10240x64xf32, #tpu.memory_space<hbm>>) dst(%arg10 : memref<128x64xf32, #tpu.memory_space<vmem>>)
      "tpu.region"() ({
        %run_scoped3A = tpu.sem_alloc : memref<!tpu.dma_semaphore, #tpu.memory_space<semaphore_mem>>
        %dma_start3A_40 = arith.constant 0 : i32
        %dma_start3A_41 = arith.constant 0 : i32
        %dma_start3A_42 = tpu.memref_slice %arg14[%dma_start3A_40, %dma_start3A_41] : memref<10112x64xf32, #tpu.memory_space<vmem_shared>> -> memref<10112x64xf32, #tpu.memory_space<vmem_shared>>
        tpu.enqueue_indirect_dma source(%arg10 : memref<128x64xf32, #tpu.memory_space<vmem>>) target(%dma_start3A_42 : memref<10112x64xf32, #tpu.memory_space<vmem_shared>>) offsets(%arg12 : memref<128xi32, #tpu.memory_space<vmem>>) semaphore(%run_scoped3A : memref<!tpu.dma_semaphore, #tpu.memory_space<semaphore_mem>>) {add = true}
        %dma_wait3A_43 = arith.constant 0 : i32
        %dma_wait3A_44 = arith.constant 0 : i32
        %dma_wait3A_45 = tpu.memref_slice %arg14[%dma_wait3A_43, %dma_wait3A_44] : memref<10112x64xf32, #tpu.memory_space<vmem_shared>> -> memref<10112x64xf32, #tpu.memory_space<vmem_shared>>
        tpu.wait_indirect_dma semaphore(%run_scoped3A : memref<!tpu.dma_semaphore, #tpu.memory_space<semaphore_mem>>) src(%arg10 : memref<128x64xf32, #tpu.memory_space<vmem>>) dst(%dma_wait3A_45 : memref<10112x64xf32, #tpu.memory_space<vmem_shared>>)
        tpu.yield
      }) : () -> ()
      %scan3A_39 = arith.constant 0 : i32
      scf.yield %scan3A_39 : i32
    }
    %scan3A_17 = arith.constant 79 : i32
    %mul3A_18 = arith.constant 6272 : i32
    %mul3A_19 = arith.muli %add3A, %mul3A_18 : i32
    %scan3A_20 = arith.constant 0 : i32
    %scan3A_21 = arith.constant 0 : i32
    %scan3A_22 = arith.constant 49 : i32
    %scan3A_23 = arith.addi %scan3A_21, %scan3A_22 : i32
    %scan3A_24 = arith.constant 1 : i32
    %scan3A_25 = scf.for %scan3A_30 = %scan3A_21 to %scan3A_23 step %scan3A_24 iter_args(%scan3A_31 = %scan3A_20) -> (i32)  : i32 {
      %mul3A_32 = arith.constant 128 : i32
      %mul3A_33 = arith.muli %scan3A_30, %mul3A_32 : i32
      %add3A_34 = arith.addi %mul3A_19, %mul3A_33 : i32
      "tpu.region"() ({
        %run_scoped3A = tpu.sem_alloc : memref<!tpu.dma_semaphore, #tpu.memory_space<semaphore_mem>>
        %dma_start3A_40 = tpu.memref_slice %arg6[%add3A_34] : memref<200704xi32, #tpu.memory_space<hbm>> -> memref<128xi32, #tpu.memory_space<hbm>>
        %dma_start3A_41 = tpu.memref_slice %arg6[%add3A_34] : memref<200704xi32, #tpu.memory_space<hbm>> -> memref<128xi32, #tpu.memory_space<hbm>>
        tpu.enqueue_dma source(%dma_start3A_41 : memref<128xi32, #tpu.memory_space<hbm>>) target(%arg11 : memref<128xi32, #tpu.memory_space<vmem>>) target_semaphore(%run_scoped3A : memref<!tpu.dma_semaphore, #tpu.memory_space<semaphore_mem>>)
        %dma_wait3A_42 = tpu.memref_slice %arg6[%add3A_34] : memref<200704xi32, #tpu.memory_space<hbm>> -> memref<128xi32, #tpu.memory_space<hbm>>
        %dma_wait3A_43 = tpu.memref_slice %arg6[%add3A_34] : memref<200704xi32, #tpu.memory_space<hbm>> -> memref<128xi32, #tpu.memory_space<hbm>>
        tpu.wait_dma2 semaphore(%run_scoped3A : memref<!tpu.dma_semaphore, #tpu.memory_space<semaphore_mem>>) src(%dma_wait3A_43 : memref<128xi32, #tpu.memory_space<hbm>>) dst(%arg11 : memref<128xi32, #tpu.memory_space<vmem>>)
        tpu.yield
      }) : () -> ()
      %dma_start3A = arith.constant 0 : i32
      %dma_start3A_35 = arith.constant 0 : i32
      %dma_start3A_36 = tpu.memref_slice %arg3[%dma_start3A, %dma_start3A_35] : memref<10240x64xf32, #tpu.memory_space<hbm>> -> memref<10240x64xf32, #tpu.memory_space<hbm>>
      tpu.enqueue_indirect_dma source(%dma_start3A_36 : memref<10240x64xf32, #tpu.memory_space<hbm>>) target(%arg10 : memref<128x64xf32, #tpu.memory_space<vmem>>) offsets(%arg11 : memref<128xi32, #tpu.memory_space<vmem>>) semaphore(%arg16 : memref<!tpu.dma_semaphore, #tpu.memory_space<semaphore_mem>>)
      "tpu.region"() ({
        %run_scoped3A = tpu.sem_alloc : memref<!tpu.dma_semaphore, #tpu.memory_space<semaphore_mem>>
        %dma_start3A_40 = tpu.memref_slice %arg7[%add3A_34] : memref<200704xi32, #tpu.memory_space<hbm>> -> memref<128xi32, #tpu.memory_space<hbm>>
        %dma_start3A_41 = tpu.memref_slice %arg7[%add3A_34] : memref<200704xi32, #tpu.memory_space<hbm>> -> memref<128xi32, #tpu.memory_space<hbm>>
        tpu.enqueue_dma source(%dma_start3A_41 : memref<128xi32, #tpu.memory_space<hbm>>) target(%arg12 : memref<128xi32, #tpu.memory_space<vmem>>) target_semaphore(%run_scoped3A : memref<!tpu.dma_semaphore, #tpu.memory_space<semaphore_mem>>)
        %dma_wait3A_42 = tpu.memref_slice %arg7[%add3A_34] : memref<200704xi32, #tpu.memory_space<hbm>> -> memref<128xi32, #tpu.memory_space<hbm>>
        %dma_wait3A_43 = tpu.memref_slice %arg7[%add3A_34] : memref<200704xi32, #tpu.memory_space<hbm>> -> memref<128xi32, #tpu.memory_space<hbm>>
        tpu.wait_dma2 semaphore(%run_scoped3A : memref<!tpu.dma_semaphore, #tpu.memory_space<semaphore_mem>>) src(%dma_wait3A_43 : memref<128xi32, #tpu.memory_space<hbm>>) dst(%arg12 : memref<128xi32, #tpu.memory_space<vmem>>)
        tpu.yield
      }) : () -> ()
      %dma_wait3A = arith.constant 0 : i32
      %dma_wait3A_37 = arith.constant 0 : i32
      %dma_wait3A_38 = tpu.memref_slice %arg3[%dma_wait3A, %dma_wait3A_37] : memref<10240x64xf32, #tpu.memory_space<hbm>> -> memref<10240x64xf32, #tpu.memory_space<hbm>>
      tpu.wait_indirect_dma semaphore(%arg16 : memref<!tpu.dma_semaphore, #tpu.memory_space<semaphore_mem>>) src(%dma_wait3A_38 : memref<10240x64xf32, #tpu.memory_space<hbm>>) dst(%arg10 : memref<128x64xf32, #tpu.memory_space<vmem>>)
      "tpu.region"() ({
        %run_scoped3A = tpu.sem_alloc : memref<!tpu.dma_semaphore, #tpu.memory_space<semaphore_mem>>
        %dma_start3A_40 = arith.constant 0 : i32
        %dma_start3A_41 = arith.constant 0 : i32
        %dma_start3A_42 = tpu.memref_slice %arg15[%dma_start3A_40, %dma_start3A_41] : memref<10112x64xf32, #tpu.memory_space<vmem_shared>> -> memref<10112x64xf32, #tpu.memory_space<vmem_shared>>
        tpu.enqueue_indirect_dma source(%arg10 : memref<128x64xf32, #tpu.memory_space<vmem>>) target(%dma_start3A_42 : memref<10112x64xf32, #tpu.memory_space<vmem_shared>>) offsets(%arg12 : memref<128xi32, #tpu.memory_space<vmem>>) semaphore(%run_scoped3A : memref<!tpu.dma_semaphore, #tpu.memory_space<semaphore_mem>>) {add = true}
        %dma_wait3A_43 = arith.constant 0 : i32
        %dma_wait3A_44 = arith.constant 0 : i32
        %dma_wait3A_45 = tpu.memref_slice %arg15[%dma_wait3A_43, %dma_wait3A_44] : memref<10112x64xf32, #tpu.memory_space<vmem_shared>> -> memref<10112x64xf32, #tpu.memory_space<vmem_shared>>
        tpu.wait_indirect_dma semaphore(%run_scoped3A : memref<!tpu.dma_semaphore, #tpu.memory_space<semaphore_mem>>) src(%arg10 : memref<128x64xf32, #tpu.memory_space<vmem>>) dst(%dma_wait3A_45 : memref<10112x64xf32, #tpu.memory_space<vmem_shared>>)
        tpu.yield
      }) : () -> ()
      %scan3A_39 = arith.constant 0 : i32
      scf.yield %scan3A_39 : i32
    }
    %scan3A_26 = arith.constant 49 : i32
    %barrier3A_27 = arith.constant 0 : index
    tpu.barrier barrier_id(%barrier3A_27)
    "tpu.region"() ({
      %run_scoped3A = tpu.sem_alloc : memref<!tpu.dma_semaphore, #tpu.memory_space<semaphore_mem>>
      %dma_start3A = arith.constant 0 : i32
      %dma_start3A_30 = tpu.memref_slice %arg8[%arg0, %mul3A_2, %dma_start3A] : memref<2x10240x64xf32, #tpu.memory_space<hbm>> -> memref<1x632x64xf32, #tpu.memory_space<hbm>>
      %dma_start3A_31 = tpu.memref_squeeze %dma_start3A_30 : memref<1x632x64xf32, #tpu.memory_space<hbm>> -> memref<632x64xf32, #tpu.memory_space<hbm>>
      %dma_start3A_32 = arith.constant 0 : i32
      %dma_start3A_33 = tpu.memref_slice %arg14[%mul3A_2, %dma_start3A_32] : memref<10112x64xf32, #tpu.memory_space<vmem_shared>> -> memref<632x64xf32, #tpu.memory_space<vmem_shared>>
      tpu.enqueue_dma source(%dma_start3A_33 : memref<632x64xf32, #tpu.memory_space<vmem_shared>>) target(%dma_start3A_31 : memref<632x64xf32, #tpu.memory_space<hbm>>) target_semaphore(%run_scoped3A : memref<!tpu.dma_semaphore, #tpu.memory_space<semaphore_mem>>)
      %dma_wait3A = arith.constant 0 : i32
      %dma_wait3A_34 = tpu.memref_slice %arg8[%arg0, %mul3A_2, %dma_wait3A] : memref<2x10240x64xf32, #tpu.memory_space<hbm>> -> memref<1x632x64xf32, #tpu.memory_space<hbm>>
      %dma_wait3A_35 = tpu.memref_squeeze %dma_wait3A_34 : memref<1x632x64xf32, #tpu.memory_space<hbm>> -> memref<632x64xf32, #tpu.memory_space<hbm>>
      %dma_wait3A_36 = arith.constant 0 : i32
      %dma_wait3A_37 = tpu.memref_slice %arg14[%mul3A_2, %dma_wait3A_36] : memref<10112x64xf32, #tpu.memory_space<vmem_shared>> -> memref<632x64xf32, #tpu.memory_space<vmem_shared>>
      tpu.wait_dma2 semaphore(%run_scoped3A : memref<!tpu.dma_semaphore, #tpu.memory_space<semaphore_mem>>) src(%dma_wait3A_37 : memref<632x64xf32, #tpu.memory_space<vmem_shared>>) dst(%dma_wait3A_35 : memref<632x64xf32, #tpu.memory_space<hbm>>)
      tpu.yield
    }) : () -> ()
    "tpu.region"() ({
      %run_scoped3A = tpu.sem_alloc : memref<!tpu.dma_semaphore, #tpu.memory_space<semaphore_mem>>
      %dma_start3A = arith.constant 0 : i32
      %dma_start3A_30 = tpu.memref_slice %arg9[%arg0, %mul3A_2, %dma_start3A] : memref<2x10240x64xf32, #tpu.memory_space<hbm>> -> memref<1x632x64xf32, #tpu.memory_space<hbm>>
      %dma_start3A_31 = tpu.memref_squeeze %dma_start3A_30 : memref<1x632x64xf32, #tpu.memory_space<hbm>> -> memref<632x64xf32, #tpu.memory_space<hbm>>
      %dma_start3A_32 = arith.constant 0 : i32
      %dma_start3A_33 = tpu.memref_slice %arg15[%mul3A_2, %dma_start3A_32] : memref<10112x64xf32, #tpu.memory_space<vmem_shared>> -> memref<632x64xf32, #tpu.memory_space<vmem_shared>>
      tpu.enqueue_dma source(%dma_start3A_33 : memref<632x64xf32, #tpu.memory_space<vmem_shared>>) target(%dma_start3A_31 : memref<632x64xf32, #tpu.memory_space<hbm>>) target_semaphore(%run_scoped3A : memref<!tpu.dma_semaphore, #tpu.memory_space<semaphore_mem>>)
      %dma_wait3A = arith.constant 0 : i32
      %dma_wait3A_34 = tpu.memref_slice %arg9[%arg0, %mul3A_2, %dma_wait3A] : memref<2x10240x64xf32, #tpu.memory_space<hbm>> -> memref<1x632x64xf32, #tpu.memory_space<hbm>>
      %dma_wait3A_35 = tpu.memref_squeeze %dma_wait3A_34 : memref<1x632x64xf32, #tpu.memory_space<hbm>> -> memref<632x64xf32, #tpu.memory_space<hbm>>
      %dma_wait3A_36 = arith.constant 0 : i32
      %dma_wait3A_37 = tpu.memref_slice %arg15[%mul3A_2, %dma_wait3A_36] : memref<10112x64xf32, #tpu.memory_space<vmem_shared>> -> memref<632x64xf32, #tpu.memory_space<vmem_shared>>
      tpu.wait_dma2 semaphore(%run_scoped3A : memref<!tpu.dma_semaphore, #tpu.memory_space<semaphore_mem>>) src(%dma_wait3A_37 : memref<632x64xf32, #tpu.memory_space<vmem_shared>>) dst(%dma_wait3A_35 : memref<632x64xf32, #tpu.memory_space<hbm>>)
      tpu.yield
    }) : () -> ()
    %eq3A = arith.constant 15 : i32
    %eq3A_28 = arith.cmpi eq, %arg1, %eq3A : i32
    %convert_element_type3A = arith.extui %eq3A_28 : i1 to i32
    %cond3A = arith.constant 0 : i32
    %cond3A_29 = arith.cmpi ne, %convert_element_type3A, %cond3A : i32
    scf.if %cond3A_29 {
      "tpu.region"() ({
        %run_scoped3A = tpu.sem_alloc : memref<!tpu.dma_semaphore, #tpu.memory_space<semaphore_mem>>
        %dma_start3A = arith.constant 0 : i32
        %dma_start3A_30 = arith.constant 0 : i32
        %dma_start3A_31 = tpu.memref_slice %arg13[%dma_start3A, %dma_start3A_30] : memref<632x64xf32, #tpu.memory_space<vmem>> -> memref<128x64xf32, #tpu.memory_space<vmem>>
        %dma_start3A_32 = arith.constant 10112 : i32
        %dma_start3A_33 = arith.constant 0 : i32
        %dma_start3A_34 = tpu.memref_slice %arg8[%arg0, %dma_start3A_32, %dma_start3A_33] : memref<2x10240x64xf32, #tpu.memory_space<hbm>> -> memref<1x128x64xf32, #tpu.memory_space<hbm>>
        %dma_start3A_35 = tpu.memref_squeeze %dma_start3A_34 : memref<1x128x64xf32, #tpu.memory_space<hbm>> -> memref<128x64xf32, #tpu.memory_space<hbm>>
        %dma_start3A_36 = arith.constant 10112 : i32
        %dma_start3A_37 = arith.constant 0 : i32
        %dma_start3A_38 = tpu.memref_slice %arg8[%arg0, %dma_start3A_36, %dma_start3A_37] : memref<2x10240x64xf32, #tpu.memory_space<hbm>> -> memref<1x128x64xf32, #tpu.memory_space<hbm>>
        %dma_start3A_39 = tpu.memref_squeeze %dma_start3A_38 : memref<1x128x64xf32, #tpu.memory_space<hbm>> -> memref<128x64xf32, #tpu.memory_space<hbm>>
        %dma_start3A_40 = arith.constant 0 : i32
        %dma_start3A_41 = arith.constant 0 : i32
        %dma_start3A_42 = tpu.memref_slice %arg13[%dma_start3A_40, %dma_start3A_41] : memref<632x64xf32, #tpu.memory_space<vmem>> -> memref<128x64xf32, #tpu.memory_space<vmem>>
        tpu.enqueue_dma source(%dma_start3A_42 : memref<128x64xf32, #tpu.memory_space<vmem>>) target(%dma_start3A_39 : memref<128x64xf32, #tpu.memory_space<hbm>>) target_semaphore(%run_scoped3A : memref<!tpu.dma_semaphore, #tpu.memory_space<semaphore_mem>>)
        %dma_wait3A = arith.constant 0 : i32
        %dma_wait3A_43 = arith.constant 0 : i32
        %dma_wait3A_44 = tpu.memref_slice %arg13[%dma_wait3A, %dma_wait3A_43] : memref<632x64xf32, #tpu.memory_space<vmem>> -> memref<128x64xf32, #tpu.memory_space<vmem>>
        %dma_wait3A_45 = arith.constant 10112 : i32
        %dma_wait3A_46 = arith.constant 0 : i32
        %dma_wait3A_47 = tpu.memref_slice %arg8[%arg0, %dma_wait3A_45, %dma_wait3A_46] : memref<2x10240x64xf32, #tpu.memory_space<hbm>> -> memref<1x128x64xf32, #tpu.memory_space<hbm>>
        %dma_wait3A_48 = tpu.memref_squeeze %dma_wait3A_47 : memref<1x128x64xf32, #tpu.memory_space<hbm>> -> memref<128x64xf32, #tpu.memory_space<hbm>>
        %dma_wait3A_49 = arith.constant 10112 : i32
        %dma_wait3A_50 = arith.constant 0 : i32
        %dma_wait3A_51 = tpu.memref_slice %arg8[%arg0, %dma_wait3A_49, %dma_wait3A_50] : memref<2x10240x64xf32, #tpu.memory_space<hbm>> -> memref<1x128x64xf32, #tpu.memory_space<hbm>>
        %dma_wait3A_52 = tpu.memref_squeeze %dma_wait3A_51 : memref<1x128x64xf32, #tpu.memory_space<hbm>> -> memref<128x64xf32, #tpu.memory_space<hbm>>
        %dma_wait3A_53 = arith.constant 0 : i32
        %dma_wait3A_54 = arith.constant 0 : i32
        %dma_wait3A_55 = tpu.memref_slice %arg13[%dma_wait3A_53, %dma_wait3A_54] : memref<632x64xf32, #tpu.memory_space<vmem>> -> memref<128x64xf32, #tpu.memory_space<vmem>>
        tpu.wait_dma2 semaphore(%run_scoped3A : memref<!tpu.dma_semaphore, #tpu.memory_space<semaphore_mem>>) src(%dma_wait3A_55 : memref<128x64xf32, #tpu.memory_space<vmem>>) dst(%dma_wait3A_52 : memref<128x64xf32, #tpu.memory_space<hbm>>)
        tpu.yield
      }) : () -> ()
      "tpu.region"() ({
        %run_scoped3A = tpu.sem_alloc : memref<!tpu.dma_semaphore, #tpu.memory_space<semaphore_mem>>
        %dma_start3A = arith.constant 0 : i32
        %dma_start3A_30 = arith.constant 0 : i32
        %dma_start3A_31 = tpu.memref_slice %arg13[%dma_start3A, %dma_start3A_30] : memref<632x64xf32, #tpu.memory_space<vmem>> -> memref<128x64xf32, #tpu.memory_space<vmem>>
        %dma_start3A_32 = arith.constant 10112 : i32
        %dma_start3A_33 = arith.constant 0 : i32
        %dma_start3A_34 = tpu.memref_slice %arg9[%arg0, %dma_start3A_32, %dma_start3A_33] : memref<2x10240x64xf32, #tpu.memory_space<hbm>> -> memref<1x128x64xf32, #tpu.memory_space<hbm>>
        %dma_start3A_35 = tpu.memref_squeeze %dma_start3A_34 : memref<1x128x64xf32, #tpu.memory_space<hbm>> -> memref<128x64xf32, #tpu.memory_space<hbm>>
        %dma_start3A_36 = arith.constant 10112 : i32
        %dma_start3A_37 = arith.constant 0 : i32
        %dma_start3A_38 = tpu.memref_slice %arg9[%arg0, %dma_start3A_36, %dma_start3A_37] : memref<2x10240x64xf32, #tpu.memory_space<hbm>> -> memref<1x128x64xf32, #tpu.memory_space<hbm>>
        %dma_start3A_39 = tpu.memref_squeeze %dma_start3A_38 : memref<1x128x64xf32, #tpu.memory_space<hbm>> -> memref<128x64xf32, #tpu.memory_space<hbm>>
        %dma_start3A_40 = arith.constant 0 : i32
        %dma_start3A_41 = arith.constant 0 : i32
        %dma_start3A_42 = tpu.memref_slice %arg13[%dma_start3A_40, %dma_start3A_41] : memref<632x64xf32, #tpu.memory_space<vmem>> -> memref<128x64xf32, #tpu.memory_space<vmem>>
        tpu.enqueue_dma source(%dma_start3A_42 : memref<128x64xf32, #tpu.memory_space<vmem>>) target(%dma_start3A_39 : memref<128x64xf32, #tpu.memory_space<hbm>>) target_semaphore(%run_scoped3A : memref<!tpu.dma_semaphore, #tpu.memory_space<semaphore_mem>>)
        %dma_wait3A = arith.constant 0 : i32
        %dma_wait3A_43 = arith.constant 0 : i32
        %dma_wait3A_44 = tpu.memref_slice %arg13[%dma_wait3A, %dma_wait3A_43] : memref<632x64xf32, #tpu.memory_space<vmem>> -> memref<128x64xf32, #tpu.memory_space<vmem>>
        %dma_wait3A_45 = arith.constant 10112 : i32
        %dma_wait3A_46 = arith.constant 0 : i32
        %dma_wait3A_47 = tpu.memref_slice %arg9[%arg0, %dma_wait3A_45, %dma_wait3A_46] : memref<2x10240x64xf32, #tpu.memory_space<hbm>> -> memref<1x128x64xf32, #tpu.memory_space<hbm>>
        %dma_wait3A_48 = tpu.memref_squeeze %dma_wait3A_47 : memref<1x128x64xf32, #tpu.memory_space<hbm>> -> memref<128x64xf32, #tpu.memory_space<hbm>>
        %dma_wait3A_49 = arith.constant 10112 : i32
        %dma_wait3A_50 = arith.constant 0 : i32
        %dma_wait3A_51 = tpu.memref_slice %arg9[%arg0, %dma_wait3A_49, %dma_wait3A_50] : memref<2x10240x64xf32, #tpu.memory_space<hbm>> -> memref<1x128x64xf32, #tpu.memory_space<hbm>>
        %dma_wait3A_52 = tpu.memref_squeeze %dma_wait3A_51 : memref<1x128x64xf32, #tpu.memory_space<hbm>> -> memref<128x64xf32, #tpu.memory_space<hbm>>
        %dma_wait3A_53 = arith.constant 0 : i32
        %dma_wait3A_54 = arith.constant 0 : i32
        %dma_wait3A_55 = tpu.memref_slice %arg13[%dma_wait3A_53, %dma_wait3A_54] : memref<632x64xf32, #tpu.memory_space<vmem>> -> memref<128x64xf32, #tpu.memory_space<vmem>>
        tpu.wait_dma2 semaphore(%run_scoped3A : memref<!tpu.dma_semaphore, #tpu.memory_space<semaphore_mem>>) src(%dma_wait3A_55 : memref<128x64xf32, #tpu.memory_space<vmem>>) dst(%dma_wait3A_52 : memref<128x64xf32, #tpu.memory_space<hbm>>)
        tpu.yield
      }) : () -> ()
    } else {
    }
    return
  }
}

#map = affine_map<(d0, d1) -> (0)>
#map1 = affine_map<(d0, d1) -> (0, 0, 0, 0)>
module attributes {stable_mosaic.version = 14 : i64} {
  func.func @_deg_kernel(%arg0: i32, %arg1: i32, %arg2: memref<323584xi32, #tpu.memory_space<hbm>>, %arg3: memref<323584xi32, #tpu.memory_space<hbm>>, %arg4: memref<200704xi32, #tpu.memory_space<hbm>>, %arg5: memref<200704xi32, #tpu.memory_space<hbm>>, %arg6: memref<2x4x10240x16xf32, #tpu.memory_space<hbm>>, %arg7: memref<128xi32, #tpu.memory_space<vmem>>, %arg8: memref<128x16xf32, #tpu.memory_space<vmem>>, %arg9: memref<632x16xf32, #tpu.memory_space<vmem>>, %arg10: memref<10112x16xf32, #tpu.memory_space<vmem_shared>>, %arg11: memref<10112x16xf32, #tpu.memory_space<vmem_shared>>) attributes {dimension_semantics = [#tpu.dimension_semantics<core_parallel>, #tpu.dimension_semantics<subcore_parallel>], iteration_bounds = array<i64: 2, 16>, scalar_prefetch = 0 : i64, scratch_operands = 5 : i64, tpu.core_type = #tpu.core_type<sc_vector_subcore>, window_params = [{transform_indices = #map}, {transform_indices = #map}, {transform_indices = #map}, {transform_indices = #map}, {transform_indices = #map1}]} {
    %mul3A = arith.constant 16 : i32
    %mul3A_0 = arith.muli %arg0, %mul3A : i32
    %add3A = arith.addi %mul3A_0, %arg1 : i32
    %mul3A_1 = arith.constant 632 : i32
    %mul3A_2 = arith.muli %arg1, %mul3A_1 : i32
    %scan3A = arith.constant 0 : i32
    %scan3A_3 = arith.constant 0 : i32
    %scan3A_4 = arith.constant 128 : i32
    %scan3A_5 = arith.addi %scan3A_3, %scan3A_4 : i32
    %scan3A_6 = arith.constant 1 : i32
    %scan3A_7 = scf.for %scan3A_71 = %scan3A_3 to %scan3A_5 step %scan3A_6 iter_args(%scan3A_72 = %scan3A) -> (i32)  : i32 {
      %broadcast_in_dim3A = arith.constant 1.000000e+00 : f32
      %broadcast_in_dim3A_73 = vector.broadcast %broadcast_in_dim3A : f32 to vector<16xf32>
      %swap3A = arith.index_cast %scan3A_71 : i32 to index
      %swap3A_74 = arith.constant 0 : index
      %swap3A_75 = tpu.vector_load %arg8[%swap3A, %swap3A_74] {strides = array<i32>} : memref<128x16xf32, #tpu.memory_space<vmem>>, vector<1x16xf32>,
      %swap3A_76 = vector.shape_cast %swap3A_75 : vector<1x16xf32> to vector<16xf32>
      %swap3A_77 = vector.shape_cast %broadcast_in_dim3A_73 : vector<16xf32> to vector<1x16xf32>
      tpu.vector_store %arg8[%swap3A, %swap3A_74], %swap3A_77 {strides = array<i32>} : memref<128x16xf32, #tpu.memory_space<vmem>>, vector<1x16xf32>,
      %scan3A_78 = arith.constant 0 : i32
      scf.yield %scan3A_78 : i32
    }
    %scan3A_8 = arith.constant 128 : i32
    %scan3A_9 = arith.constant 0 : i32
    %scan3A_10 = arith.constant 0 : i32
    %scan3A_11 = arith.constant 632 : i32
    %scan3A_12 = arith.addi %scan3A_10, %scan3A_11 : i32
    %scan3A_13 = arith.constant 1 : i32
    %scan3A_14 = scf.for %scan3A_71 = %scan3A_10 to %scan3A_12 step %scan3A_13 iter_args(%scan3A_72 = %scan3A_9) -> (i32)  : i32 {
      %broadcast_in_dim3A = arith.constant 0.000000e+00 : f32
      %broadcast_in_dim3A_73 = vector.broadcast %broadcast_in_dim3A : f32 to vector<16xf32>
      %swap3A = arith.index_cast %scan3A_71 : i32 to index
      %swap3A_74 = arith.constant 0 : index
      %swap3A_75 = tpu.vector_load %arg9[%swap3A, %swap3A_74] {strides = array<i32>} : memref<632x16xf32, #tpu.memory_space<vmem>>, vector<1x16xf32>,
      %swap3A_76 = vector.shape_cast %swap3A_75 : vector<1x16xf32> to vector<16xf32>
      %swap3A_77 = vector.shape_cast %broadcast_in_dim3A_73 : vector<16xf32> to vector<1x16xf32>
      tpu.vector_store %arg9[%swap3A, %swap3A_74], %swap3A_77 {strides = array<i32>} : memref<632x16xf32, #tpu.memory_space<vmem>>, vector<1x16xf32>,
      %scan3A_78 = arith.constant 0 : i32
      scf.yield %scan3A_78 : i32
    }
    %scan3A_15 = arith.constant 632 : i32
    "tpu.region"() ({
      %run_scoped3A_71 = tpu.sem_alloc : memref<!tpu.dma_semaphore, #tpu.memory_space<semaphore_mem>>
      %dma_start3A = arith.constant 0 : i32
      %dma_start3A_72 = tpu.memref_slice %arg10[%mul3A_2, %dma_start3A] : memref<10112x16xf32, #tpu.memory_space<vmem_shared>> -> memref<632x16xf32, #tpu.memory_space<vmem_shared>>
      %dma_start3A_73 = arith.constant 0 : i32
      %dma_start3A_74 = tpu.memref_slice %arg10[%mul3A_2, %dma_start3A_73] : memref<10112x16xf32, #tpu.memory_space<vmem_shared>> -> memref<632x16xf32, #tpu.memory_space<vmem_shared>>
      tpu.enqueue_dma source(%arg9 : memref<632x16xf32, #tpu.memory_space<vmem>>) target(%dma_start3A_74 : memref<632x16xf32, #tpu.memory_space<vmem_shared>>) target_semaphore(%run_scoped3A_71 : memref<!tpu.dma_semaphore, #tpu.memory_space<semaphore_mem>>)
      %dma_wait3A = arith.constant 0 : i32
      %dma_wait3A_75 = tpu.memref_slice %arg10[%mul3A_2, %dma_wait3A] : memref<10112x16xf32, #tpu.memory_space<vmem_shared>> -> memref<632x16xf32, #tpu.memory_space<vmem_shared>>
      %dma_wait3A_76 = arith.constant 0 : i32
      %dma_wait3A_77 = tpu.memref_slice %arg10[%mul3A_2, %dma_wait3A_76] : memref<10112x16xf32, #tpu.memory_space<vmem_shared>> -> memref<632x16xf32, #tpu.memory_space<vmem_shared>>
      tpu.wait_dma2 semaphore(%run_scoped3A_71 : memref<!tpu.dma_semaphore, #tpu.memory_space<semaphore_mem>>) src(%arg9 : memref<632x16xf32, #tpu.memory_space<vmem>>) dst(%dma_wait3A_77 : memref<632x16xf32, #tpu.memory_space<vmem_shared>>)
      tpu.yield
    }) : () -> ()
    "tpu.region"() ({
      %run_scoped3A_71 = tpu.sem_alloc : memref<!tpu.dma_semaphore, #tpu.memory_space<semaphore_mem>>
      %dma_start3A = arith.constant 0 : i32
      %dma_start3A_72 = tpu.memref_slice %arg11[%mul3A_2, %dma_start3A] : memref<10112x16xf32, #tpu.memory_space<vmem_shared>> -> memref<632x16xf32, #tpu.memory_space<vmem_shared>>
      %dma_start3A_73 = arith.constant 0 : i32
      %dma_start3A_74 = tpu.memref_slice %arg11[%mul3A_2, %dma_start3A_73] : memref<10112x16xf32, #tpu.memory_space<vmem_shared>> -> memref<632x16xf32, #tpu.memory_space<vmem_shared>>
      tpu.enqueue_dma source(%arg9 : memref<632x16xf32, #tpu.memory_space<vmem>>) target(%dma_start3A_74 : memref<632x16xf32, #tpu.memory_space<vmem_shared>>) target_semaphore(%run_scoped3A_71 : memref<!tpu.dma_semaphore, #tpu.memory_space<semaphore_mem>>)
      %dma_wait3A = arith.constant 0 : i32
      %dma_wait3A_75 = tpu.memref_slice %arg11[%mul3A_2, %dma_wait3A] : memref<10112x16xf32, #tpu.memory_space<vmem_shared>> -> memref<632x16xf32, #tpu.memory_space<vmem_shared>>
      %dma_wait3A_76 = arith.constant 0 : i32
      %dma_wait3A_77 = tpu.memref_slice %arg11[%mul3A_2, %dma_wait3A_76] : memref<10112x16xf32, #tpu.memory_space<vmem_shared>> -> memref<632x16xf32, #tpu.memory_space<vmem_shared>>
      tpu.wait_dma2 semaphore(%run_scoped3A_71 : memref<!tpu.dma_semaphore, #tpu.memory_space<semaphore_mem>>) src(%arg9 : memref<632x16xf32, #tpu.memory_space<vmem>>) dst(%dma_wait3A_77 : memref<632x16xf32, #tpu.memory_space<vmem_shared>>)
      tpu.yield
    }) : () -> ()
    %barrier3A = arith.constant 0 : index
    tpu.barrier barrier_id(%barrier3A)
    %mul3A_16 = arith.constant 10112 : i32
    %mul3A_17 = arith.muli %add3A, %mul3A_16 : i32
    %scan3A_18 = arith.constant 0 : i32
    %scan3A_19 = arith.constant 0 : i32
    %scan3A_20 = arith.constant 79 : i32
    %scan3A_21 = arith.addi %scan3A_19, %scan3A_20 : i32
    %scan3A_22 = arith.constant 1 : i32
    %scan3A_23 = scf.for %scan3A_71 = %scan3A_19 to %scan3A_21 step %scan3A_22 iter_args(%scan3A_72 = %scan3A_18) -> (i32)  : i32 {
      %mul3A_73 = arith.constant 128 : i32
      %mul3A_74 = arith.muli %scan3A_71, %mul3A_73 : i32
      %add3A_75 = arith.addi %mul3A_17, %mul3A_74 : i32
      "tpu.region"() ({
        %run_scoped3A_77 = tpu.sem_alloc : memref<!tpu.dma_semaphore, #tpu.memory_space<semaphore_mem>>
        %dma_start3A = tpu.memref_slice %arg2[%add3A_75] : memref<323584xi32, #tpu.memory_space<hbm>> -> memref<128xi32, #tpu.memory_space<hbm>>
        %dma_start3A_78 = tpu.memref_slice %arg2[%add3A_75] : memref<323584xi32, #tpu.memory_space<hbm>> -> memref<128xi32, #tpu.memory_space<hbm>>
        tpu.enqueue_dma source(%dma_start3A_78 : memref<128xi32, #tpu.memory_space<hbm>>) target(%arg7 : memref<128xi32, #tpu.memory_space<vmem>>) target_semaphore(%run_scoped3A_77 : memref<!tpu.dma_semaphore, #tpu.memory_space<semaphore_mem>>)
        %dma_wait3A = tpu.memref_slice %arg2[%add3A_75] : memref<323584xi32, #tpu.memory_space<hbm>> -> memref<128xi32, #tpu.memory_space<hbm>>
        %dma_wait3A_79 = tpu.memref_slice %arg2[%add3A_75] : memref<323584xi32, #tpu.memory_space<hbm>> -> memref<128xi32, #tpu.memory_space<hbm>>
        tpu.wait_dma2 semaphore(%run_scoped3A_77 : memref<!tpu.dma_semaphore, #tpu.memory_space<semaphore_mem>>) src(%dma_wait3A_79 : memref<128xi32, #tpu.memory_space<hbm>>) dst(%arg7 : memref<128xi32, #tpu.memory_space<vmem>>)
        tpu.yield
      }) : () -> ()
      "tpu.region"() ({
        %run_scoped3A_77 = tpu.sem_alloc : memref<!tpu.dma_semaphore, #tpu.memory_space<semaphore_mem>>
        %dma_start3A = arith.constant 0 : i32
        %dma_start3A_78 = arith.constant 0 : i32
        %dma_start3A_79 = tpu.memref_slice %arg10[%dma_start3A, %dma_start3A_78] : memref<10112x16xf32, #tpu.memory_space<vmem_shared>> -> memref<10112x16xf32, #tpu.memory_space<vmem_shared>>
        tpu.enqueue_indirect_dma source(%arg8 : memref<128x16xf32, #tpu.memory_space<vmem>>) target(%dma_start3A_79 : memref<10112x16xf32, #tpu.memory_space<vmem_shared>>) offsets(%arg7 : memref<128xi32, #tpu.memory_space<vmem>>) semaphore(%run_scoped3A_77 : memref<!tpu.dma_semaphore, #tpu.memory_space<semaphore_mem>>) {add = true}
        %dma_wait3A = arith.constant 0 : i32
        %dma_wait3A_80 = arith.constant 0 : i32
        %dma_wait3A_81 = tpu.memref_slice %arg10[%dma_wait3A, %dma_wait3A_80] : memref<10112x16xf32, #tpu.memory_space<vmem_shared>> -> memref<10112x16xf32, #tpu.memory_space<vmem_shared>>
        tpu.wait_indirect_dma semaphore(%run_scoped3A_77 : memref<!tpu.dma_semaphore, #tpu.memory_space<semaphore_mem>>) src(%arg8 : memref<128x16xf32, #tpu.memory_space<vmem>>) dst(%dma_wait3A_81 : memref<10112x16xf32, #tpu.memory_space<vmem_shared>>)
        tpu.yield
      }) : () -> ()
      %scan3A_76 = arith.constant 0 : i32
      scf.yield %scan3A_76 : i32
    }
    %scan3A_24 = arith.constant 79 : i32
    %scan3A_25 = arith.constant 0 : i32
    %scan3A_26 = arith.constant 0 : i32
    %scan3A_27 = arith.constant 79 : i32
    %scan3A_28 = arith.addi %scan3A_26, %scan3A_27 : i32
    %scan3A_29 = arith.constant 1 : i32
    %scan3A_30 = scf.for %scan3A_71 = %scan3A_26 to %scan3A_28 step %scan3A_29 iter_args(%scan3A_72 = %scan3A_25) -> (i32)  : i32 {
      %mul3A_73 = arith.constant 128 : i32
      %mul3A_74 = arith.muli %scan3A_71, %mul3A_73 : i32
      %add3A_75 = arith.addi %mul3A_17, %mul3A_74 : i32
      "tpu.region"() ({
        %run_scoped3A_77 = tpu.sem_alloc : memref<!tpu.dma_semaphore, #tpu.memory_space<semaphore_mem>>
        %dma_start3A = tpu.memref_slice %arg3[%add3A_75] : memref<323584xi32, #tpu.memory_space<hbm>> -> memref<128xi32, #tpu.memory_space<hbm>>
        %dma_start3A_78 = tpu.memref_slice %arg3[%add3A_75] : memref<323584xi32, #tpu.memory_space<hbm>> -> memref<128xi32, #tpu.memory_space<hbm>>
        tpu.enqueue_dma source(%dma_start3A_78 : memref<128xi32, #tpu.memory_space<hbm>>) target(%arg7 : memref<128xi32, #tpu.memory_space<vmem>>) target_semaphore(%run_scoped3A_77 : memref<!tpu.dma_semaphore, #tpu.memory_space<semaphore_mem>>)
        %dma_wait3A = tpu.memref_slice %arg3[%add3A_75] : memref<323584xi32, #tpu.memory_space<hbm>> -> memref<128xi32, #tpu.memory_space<hbm>>
        %dma_wait3A_79 = tpu.memref_slice %arg3[%add3A_75] : memref<323584xi32, #tpu.memory_space<hbm>> -> memref<128xi32, #tpu.memory_space<hbm>>
        tpu.wait_dma2 semaphore(%run_scoped3A_77 : memref<!tpu.dma_semaphore, #tpu.memory_space<semaphore_mem>>) src(%dma_wait3A_79 : memref<128xi32, #tpu.memory_space<hbm>>) dst(%arg7 : memref<128xi32, #tpu.memory_space<vmem>>)
        tpu.yield
      }) : () -> ()
      "tpu.region"() ({
        %run_scoped3A_77 = tpu.sem_alloc : memref<!tpu.dma_semaphore, #tpu.memory_space<semaphore_mem>>
        %dma_start3A = arith.constant 0 : i32
        %dma_start3A_78 = arith.constant 0 : i32
        %dma_start3A_79 = tpu.memref_slice %arg11[%dma_start3A, %dma_start3A_78] : memref<10112x16xf32, #tpu.memory_space<vmem_shared>> -> memref<10112x16xf32, #tpu.memory_space<vmem_shared>>
        tpu.enqueue_indirect_dma source(%arg8 : memref<128x16xf32, #tpu.memory_space<vmem>>) target(%dma_start3A_79 : memref<10112x16xf32, #tpu.memory_space<vmem_shared>>) offsets(%arg7 : memref<128xi32, #tpu.memory_space<vmem>>) semaphore(%run_scoped3A_77 : memref<!tpu.dma_semaphore, #tpu.memory_space<semaphore_mem>>) {add = true}
        %dma_wait3A = arith.constant 0 : i32
        %dma_wait3A_80 = arith.constant 0 : i32
        %dma_wait3A_81 = tpu.memref_slice %arg11[%dma_wait3A, %dma_wait3A_80] : memref<10112x16xf32, #tpu.memory_space<vmem_shared>> -> memref<10112x16xf32, #tpu.memory_space<vmem_shared>>
        tpu.wait_indirect_dma semaphore(%run_scoped3A_77 : memref<!tpu.dma_semaphore, #tpu.memory_space<semaphore_mem>>) src(%arg8 : memref<128x16xf32, #tpu.memory_space<vmem>>) dst(%dma_wait3A_81 : memref<10112x16xf32, #tpu.memory_space<vmem_shared>>)
        tpu.yield
      }) : () -> ()
      %scan3A_76 = arith.constant 0 : i32
      scf.yield %scan3A_76 : i32
    }
    %scan3A_31 = arith.constant 79 : i32
    %barrier3A_32 = arith.constant 0 : index
    tpu.barrier barrier_id(%barrier3A_32)
    %run_scoped3A = arith.constant 0 : i32
    "tpu.region"() ({
      %run_scoped3A_71 = tpu.sem_alloc : memref<!tpu.dma_semaphore, #tpu.memory_space<semaphore_mem>>
      %dma_start3A = arith.constant 0 : i32
      %dma_start3A_72 = tpu.memref_slice %arg6[%arg0, %run_scoped3A, %mul3A_2, %dma_start3A] : memref<2x4x10240x16xf32, #tpu.memory_space<hbm>> -> memref<1x1x632x16xf32, #tpu.memory_space<hbm>>
      %dma_start3A_73 = tpu.memref_squeeze %dma_start3A_72 : memref<1x1x632x16xf32, #tpu.memory_space<hbm>> -> memref<632x16xf32, #tpu.memory_space<hbm>>
      %dma_start3A_74 = arith.constant 0 : i32
      %dma_start3A_75 = tpu.memref_slice %arg10[%mul3A_2, %dma_start3A_74] : memref<10112x16xf32, #tpu.memory_space<vmem_shared>> -> memref<632x16xf32, #tpu.memory_space<vmem_shared>>
      tpu.enqueue_dma source(%dma_start3A_75 : memref<632x16xf32, #tpu.memory_space<vmem_shared>>) target(%dma_start3A_73 : memref<632x16xf32, #tpu.memory_space<hbm>>) target_semaphore(%run_scoped3A_71 : memref<!tpu.dma_semaphore, #tpu.memory_space<semaphore_mem>>)
      %dma_wait3A = arith.constant 0 : i32
      %dma_wait3A_76 = tpu.memref_slice %arg6[%arg0, %run_scoped3A, %mul3A_2, %dma_wait3A] : memref<2x4x10240x16xf32, #tpu.memory_space<hbm>> -> memref<1x1x632x16xf32, #tpu.memory_space<hbm>>
      %dma_wait3A_77 = tpu.memref_squeeze %dma_wait3A_76 : memref<1x1x632x16xf32, #tpu.memory_space<hbm>> -> memref<632x16xf32, #tpu.memory_space<hbm>>
      %dma_wait3A_78 = arith.constant 0 : i32
      %dma_wait3A_79 = tpu.memref_slice %arg10[%mul3A_2, %dma_wait3A_78] : memref<10112x16xf32, #tpu.memory_space<vmem_shared>> -> memref<632x16xf32, #tpu.memory_space<vmem_shared>>
      tpu.wait_dma2 semaphore(%run_scoped3A_71 : memref<!tpu.dma_semaphore, #tpu.memory_space<semaphore_mem>>) src(%dma_wait3A_79 : memref<632x16xf32, #tpu.memory_space<vmem_shared>>) dst(%dma_wait3A_77 : memref<632x16xf32, #tpu.memory_space<hbm>>)
      tpu.yield
    }) : () -> ()
    %eq3A = arith.constant 15 : i32
    %eq3A_33 = arith.cmpi eq, %arg1, %eq3A : i32
    %convert_element_type3A = arith.extui %eq3A_33 : i1 to i32
    %cond3A = arith.constant 0 : i32
    %cond3A_34 = arith.cmpi ne, %convert_element_type3A, %cond3A : i32
    scf.if %cond3A_34 {
      %run_scoped3A_71 = arith.constant 0 : i32
      "tpu.region"() ({
        %run_scoped3A_72 = tpu.sem_alloc : memref<!tpu.dma_semaphore, #tpu.memory_space<semaphore_mem>>
        %dma_start3A = arith.constant 0 : i32
        %dma_start3A_73 = arith.constant 0 : i32
        %dma_start3A_74 = tpu.memref_slice %arg9[%dma_start3A, %dma_start3A_73] : memref<632x16xf32, #tpu.memory_space<vmem>> -> memref<128x16xf32, #tpu.memory_space<vmem>>
        %dma_start3A_75 = arith.constant 10112 : i32
        %dma_start3A_76 = arith.constant 0 : i32
        %dma_start3A_77 = tpu.memref_slice %arg6[%arg0, %run_scoped3A_71, %dma_start3A_75, %dma_start3A_76] : memref<2x4x10240x16xf32, #tpu.memory_space<hbm>> -> memref<1x1x128x16xf32, #tpu.memory_space<hbm>>
        %dma_start3A_78 = tpu.memref_squeeze %dma_start3A_77 : memref<1x1x128x16xf32, #tpu.memory_space<hbm>> -> memref<128x16xf32, #tpu.memory_space<hbm>>
        %dma_start3A_79 = arith.constant 10112 : i32
        %dma_start3A_80 = arith.constant 0 : i32
        %dma_start3A_81 = tpu.memref_slice %arg6[%arg0, %run_scoped3A_71, %dma_start3A_79, %dma_start3A_80] : memref<2x4x10240x16xf32, #tpu.memory_space<hbm>> -> memref<1x1x128x16xf32, #tpu.memory_space<hbm>>
        %dma_start3A_82 = tpu.memref_squeeze %dma_start3A_81 : memref<1x1x128x16xf32, #tpu.memory_space<hbm>> -> memref<128x16xf32, #tpu.memory_space<hbm>>
        %dma_start3A_83 = arith.constant 0 : i32
        %dma_start3A_84 = arith.constant 0 : i32
        %dma_start3A_85 = tpu.memref_slice %arg9[%dma_start3A_83, %dma_start3A_84] : memref<632x16xf32, #tpu.memory_space<vmem>> -> memref<128x16xf32, #tpu.memory_space<vmem>>
        tpu.enqueue_dma source(%dma_start3A_85 : memref<128x16xf32, #tpu.memory_space<vmem>>) target(%dma_start3A_82 : memref<128x16xf32, #tpu.memory_space<hbm>>) target_semaphore(%run_scoped3A_72 : memref<!tpu.dma_semaphore, #tpu.memory_space<semaphore_mem>>)
        %dma_wait3A = arith.constant 0 : i32
        %dma_wait3A_86 = arith.constant 0 : i32
        %dma_wait3A_87 = tpu.memref_slice %arg9[%dma_wait3A, %dma_wait3A_86] : memref<632x16xf32, #tpu.memory_space<vmem>> -> memref<128x16xf32, #tpu.memory_space<vmem>>
        %dma_wait3A_88 = arith.constant 10112 : i32
        %dma_wait3A_89 = arith.constant 0 : i32
        %dma_wait3A_90 = tpu.memref_slice %arg6[%arg0, %run_scoped3A_71, %dma_wait3A_88, %dma_wait3A_89] : memref<2x4x10240x16xf32, #tpu.memory_space<hbm>> -> memref<1x1x128x16xf32, #tpu.memory_space<hbm>>
        %dma_wait3A_91 = tpu.memref_squeeze %dma_wait3A_90 : memref<1x1x128x16xf32, #tpu.memory_space<hbm>> -> memref<128x16xf32, #tpu.memory_space<hbm>>
        %dma_wait3A_92 = arith.constant 10112 : i32
        %dma_wait3A_93 = arith.constant 0 : i32
        %dma_wait3A_94 = tpu.memref_slice %arg6[%arg0, %run_scoped3A_71, %dma_wait3A_92, %dma_wait3A_93] : memref<2x4x10240x16xf32, #tpu.memory_space<hbm>> -> memref<1x1x128x16xf32, #tpu.memory_space<hbm>>
        %dma_wait3A_95 = tpu.memref_squeeze %dma_wait3A_94 : memref<1x1x128x16xf32, #tpu.memory_space<hbm>> -> memref<128x16xf32, #tpu.memory_space<hbm>>
        %dma_wait3A_96 = arith.constant 0 : i32
        %dma_wait3A_97 = arith.constant 0 : i32
        %dma_wait3A_98 = tpu.memref_slice %arg9[%dma_wait3A_96, %dma_wait3A_97] : memref<632x16xf32, #tpu.memory_space<vmem>> -> memref<128x16xf32, #tpu.memory_space<vmem>>
        tpu.wait_dma2 semaphore(%run_scoped3A_72 : memref<!tpu.dma_semaphore, #tpu.memory_space<semaphore_mem>>) src(%dma_wait3A_98 : memref<128x16xf32, #tpu.memory_space<vmem>>) dst(%dma_wait3A_95 : memref<128x16xf32, #tpu.memory_space<hbm>>)
        tpu.yield
      }) : () -> ()
    } else {
    }
    %run_scoped3A_35 = arith.constant 1 : i32
    "tpu.region"() ({
      %run_scoped3A_71 = tpu.sem_alloc : memref<!tpu.dma_semaphore, #tpu.memory_space<semaphore_mem>>
      %dma_start3A = arith.constant 0 : i32
      %dma_start3A_72 = tpu.memref_slice %arg6[%arg0, %run_scoped3A_35, %mul3A_2, %dma_start3A] : memref<2x4x10240x16xf32, #tpu.memory_space<hbm>> -> memref<1x1x632x16xf32, #tpu.memory_space<hbm>>
      %dma_start3A_73 = tpu.memref_squeeze %dma_start3A_72 : memref<1x1x632x16xf32, #tpu.memory_space<hbm>> -> memref<632x16xf32, #tpu.memory_space<hbm>>
      %dma_start3A_74 = arith.constant 0 : i32
      %dma_start3A_75 = tpu.memref_slice %arg11[%mul3A_2, %dma_start3A_74] : memref<10112x16xf32, #tpu.memory_space<vmem_shared>> -> memref<632x16xf32, #tpu.memory_space<vmem_shared>>
      tpu.enqueue_dma source(%dma_start3A_75 : memref<632x16xf32, #tpu.memory_space<vmem_shared>>) target(%dma_start3A_73 : memref<632x16xf32, #tpu.memory_space<hbm>>) target_semaphore(%run_scoped3A_71 : memref<!tpu.dma_semaphore, #tpu.memory_space<semaphore_mem>>)
      %dma_wait3A = arith.constant 0 : i32
      %dma_wait3A_76 = tpu.memref_slice %arg6[%arg0, %run_scoped3A_35, %mul3A_2, %dma_wait3A] : memref<2x4x10240x16xf32, #tpu.memory_space<hbm>> -> memref<1x1x632x16xf32, #tpu.memory_space<hbm>>
      %dma_wait3A_77 = tpu.memref_squeeze %dma_wait3A_76 : memref<1x1x632x16xf32, #tpu.memory_space<hbm>> -> memref<632x16xf32, #tpu.memory_space<hbm>>
      %dma_wait3A_78 = arith.constant 0 : i32
      %dma_wait3A_79 = tpu.memref_slice %arg11[%mul3A_2, %dma_wait3A_78] : memref<10112x16xf32, #tpu.memory_space<vmem_shared>> -> memref<632x16xf32, #tpu.memory_space<vmem_shared>>
      tpu.wait_dma2 semaphore(%run_scoped3A_71 : memref<!tpu.dma_semaphore, #tpu.memory_space<semaphore_mem>>) src(%dma_wait3A_79 : memref<632x16xf32, #tpu.memory_space<vmem_shared>>) dst(%dma_wait3A_77 : memref<632x16xf32, #tpu.memory_space<hbm>>)
      tpu.yield
    }) : () -> ()
    %eq3A_36 = arith.constant 15 : i32
    %eq3A_37 = arith.cmpi eq, %arg1, %eq3A_36 : i32
    %convert_element_type3A_38 = arith.extui %eq3A_37 : i1 to i32
    %cond3A_39 = arith.constant 0 : i32
    %cond3A_40 = arith.cmpi ne, %convert_element_type3A_38, %cond3A_39 : i32
    scf.if %cond3A_40 {
      %run_scoped3A_71 = arith.constant 1 : i32
      "tpu.region"() ({
        %run_scoped3A_72 = tpu.sem_alloc : memref<!tpu.dma_semaphore, #tpu.memory_space<semaphore_mem>>
        %dma_start3A = arith.constant 0 : i32
        %dma_start3A_73 = arith.constant 0 : i32
        %dma_start3A_74 = tpu.memref_slice %arg9[%dma_start3A, %dma_start3A_73] : memref<632x16xf32, #tpu.memory_space<vmem>> -> memref<128x16xf32, #tpu.memory_space<vmem>>
        %dma_start3A_75 = arith.constant 10112 : i32
        %dma_start3A_76 = arith.constant 0 : i32
        %dma_start3A_77 = tpu.memref_slice %arg6[%arg0, %run_scoped3A_71, %dma_start3A_75, %dma_start3A_76] : memref<2x4x10240x16xf32, #tpu.memory_space<hbm>> -> memref<1x1x128x16xf32, #tpu.memory_space<hbm>>
        %dma_start3A_78 = tpu.memref_squeeze %dma_start3A_77 : memref<1x1x128x16xf32, #tpu.memory_space<hbm>> -> memref<128x16xf32, #tpu.memory_space<hbm>>
        %dma_start3A_79 = arith.constant 10112 : i32
        %dma_start3A_80 = arith.constant 0 : i32
        %dma_start3A_81 = tpu.memref_slice %arg6[%arg0, %run_scoped3A_71, %dma_start3A_79, %dma_start3A_80] : memref<2x4x10240x16xf32, #tpu.memory_space<hbm>> -> memref<1x1x128x16xf32, #tpu.memory_space<hbm>>
        %dma_start3A_82 = tpu.memref_squeeze %dma_start3A_81 : memref<1x1x128x16xf32, #tpu.memory_space<hbm>> -> memref<128x16xf32, #tpu.memory_space<hbm>>
        %dma_start3A_83 = arith.constant 0 : i32
        %dma_start3A_84 = arith.constant 0 : i32
        %dma_start3A_85 = tpu.memref_slice %arg9[%dma_start3A_83, %dma_start3A_84] : memref<632x16xf32, #tpu.memory_space<vmem>> -> memref<128x16xf32, #tpu.memory_space<vmem>>
        tpu.enqueue_dma source(%dma_start3A_85 : memref<128x16xf32, #tpu.memory_space<vmem>>) target(%dma_start3A_82 : memref<128x16xf32, #tpu.memory_space<hbm>>) target_semaphore(%run_scoped3A_72 : memref<!tpu.dma_semaphore, #tpu.memory_space<semaphore_mem>>)
        %dma_wait3A = arith.constant 0 : i32
        %dma_wait3A_86 = arith.constant 0 : i32
        %dma_wait3A_87 = tpu.memref_slice %arg9[%dma_wait3A, %dma_wait3A_86] : memref<632x16xf32, #tpu.memory_space<vmem>> -> memref<128x16xf32, #tpu.memory_space<vmem>>
        %dma_wait3A_88 = arith.constant 10112 : i32
        %dma_wait3A_89 = arith.constant 0 : i32
        %dma_wait3A_90 = tpu.memref_slice %arg6[%arg0, %run_scoped3A_71, %dma_wait3A_88, %dma_wait3A_89] : memref<2x4x10240x16xf32, #tpu.memory_space<hbm>> -> memref<1x1x128x16xf32, #tpu.memory_space<hbm>>
        %dma_wait3A_91 = tpu.memref_squeeze %dma_wait3A_90 : memref<1x1x128x16xf32, #tpu.memory_space<hbm>> -> memref<128x16xf32, #tpu.memory_space<hbm>>
        %dma_wait3A_92 = arith.constant 10112 : i32
        %dma_wait3A_93 = arith.constant 0 : i32
        %dma_wait3A_94 = tpu.memref_slice %arg6[%arg0, %run_scoped3A_71, %dma_wait3A_92, %dma_wait3A_93] : memref<2x4x10240x16xf32, #tpu.memory_space<hbm>> -> memref<1x1x128x16xf32, #tpu.memory_space<hbm>>
        %dma_wait3A_95 = tpu.memref_squeeze %dma_wait3A_94 : memref<1x1x128x16xf32, #tpu.memory_space<hbm>> -> memref<128x16xf32, #tpu.memory_space<hbm>>
        %dma_wait3A_96 = arith.constant 0 : i32
        %dma_wait3A_97 = arith.constant 0 : i32
        %dma_wait3A_98 = tpu.memref_slice %arg9[%dma_wait3A_96, %dma_wait3A_97] : memref<632x16xf32, #tpu.memory_space<vmem>> -> memref<128x16xf32, #tpu.memory_space<vmem>>
        tpu.wait_dma2 semaphore(%run_scoped3A_72 : memref<!tpu.dma_semaphore, #tpu.memory_space<semaphore_mem>>) src(%dma_wait3A_98 : memref<128x16xf32, #tpu.memory_space<vmem>>) dst(%dma_wait3A_95 : memref<128x16xf32, #tpu.memory_space<hbm>>)
        tpu.yield
      }) : () -> ()
    } else {
    }
    "tpu.region"() ({
      %run_scoped3A_71 = tpu.sem_alloc : memref<!tpu.dma_semaphore, #tpu.memory_space<semaphore_mem>>
      %dma_start3A = arith.constant 0 : i32
      %dma_start3A_72 = tpu.memref_slice %arg10[%mul3A_2, %dma_start3A] : memref<10112x16xf32, #tpu.memory_space<vmem_shared>> -> memref<632x16xf32, #tpu.memory_space<vmem_shared>>
      %dma_start3A_73 = arith.constant 0 : i32
      %dma_start3A_74 = tpu.memref_slice %arg10[%mul3A_2, %dma_start3A_73] : memref<10112x16xf32, #tpu.memory_space<vmem_shared>> -> memref<632x16xf32, #tpu.memory_space<vmem_shared>>
      tpu.enqueue_dma source(%arg9 : memref<632x16xf32, #tpu.memory_space<vmem>>) target(%dma_start3A_74 : memref<632x16xf32, #tpu.memory_space<vmem_shared>>) target_semaphore(%run_scoped3A_71 : memref<!tpu.dma_semaphore, #tpu.memory_space<semaphore_mem>>)
      %dma_wait3A = arith.constant 0 : i32
      %dma_wait3A_75 = tpu.memref_slice %arg10[%mul3A_2, %dma_wait3A] : memref<10112x16xf32, #tpu.memory_space<vmem_shared>> -> memref<632x16xf32, #tpu.memory_space<vmem_shared>>
      %dma_wait3A_76 = arith.constant 0 : i32
      %dma_wait3A_77 = tpu.memref_slice %arg10[%mul3A_2, %dma_wait3A_76] : memref<10112x16xf32, #tpu.memory_space<vmem_shared>> -> memref<632x16xf32, #tpu.memory_space<vmem_shared>>
      tpu.wait_dma2 semaphore(%run_scoped3A_71 : memref<!tpu.dma_semaphore, #tpu.memory_space<semaphore_mem>>) src(%arg9 : memref<632x16xf32, #tpu.memory_space<vmem>>) dst(%dma_wait3A_77 : memref<632x16xf32, #tpu.memory_space<vmem_shared>>)
      tpu.yield
    }) : () -> ()
    "tpu.region"() ({
      %run_scoped3A_71 = tpu.sem_alloc : memref<!tpu.dma_semaphore, #tpu.memory_space<semaphore_mem>>
      %dma_start3A = arith.constant 0 : i32
      %dma_start3A_72 = tpu.memref_slice %arg11[%mul3A_2, %dma_start3A] : memref<10112x16xf32, #tpu.memory_space<vmem_shared>> -> memref<632x16xf32, #tpu.memory_space<vmem_shared>>
      %dma_start3A_73 = arith.constant 0 : i32
      %dma_start3A_74 = tpu.memref_slice %arg11[%mul3A_2, %dma_start3A_73] : memref<10112x16xf32, #tpu.memory_space<vmem_shared>> -> memref<632x16xf32, #tpu.memory_space<vmem_shared>>
      tpu.enqueue_dma source(%arg9 : memref<632x16xf32, #tpu.memory_space<vmem>>) target(%dma_start3A_74 : memref<632x16xf32, #tpu.memory_space<vmem_shared>>) target_semaphore(%run_scoped3A_71 : memref<!tpu.dma_semaphore, #tpu.memory_space<semaphore_mem>>)
      %dma_wait3A = arith.constant 0 : i32
      %dma_wait3A_75 = tpu.memref_slice %arg11[%mul3A_2, %dma_wait3A] : memref<10112x16xf32, #tpu.memory_space<vmem_shared>> -> memref<632x16xf32, #tpu.memory_space<vmem_shared>>
      %dma_wait3A_76 = arith.constant 0 : i32
      %dma_wait3A_77 = tpu.memref_slice %arg11[%mul3A_2, %dma_wait3A_76] : memref<10112x16xf32, #tpu.memory_space<vmem_shared>> -> memref<632x16xf32, #tpu.memory_space<vmem_shared>>
      tpu.wait_dma2 semaphore(%run_scoped3A_71 : memref<!tpu.dma_semaphore, #tpu.memory_space<semaphore_mem>>) src(%arg9 : memref<632x16xf32, #tpu.memory_space<vmem>>) dst(%dma_wait3A_77 : memref<632x16xf32, #tpu.memory_space<vmem_shared>>)
      tpu.yield
    }) : () -> ()
    %barrier3A_41 = arith.constant 0 : index
    tpu.barrier barrier_id(%barrier3A_41)
    %mul3A_42 = arith.constant 6272 : i32
    %mul3A_43 = arith.muli %add3A, %mul3A_42 : i32
    %scan3A_44 = arith.constant 0 : i32
    %scan3A_45 = arith.constant 0 : i32
    %scan3A_46 = arith.constant 49 : i32
    %scan3A_47 = arith.addi %scan3A_45, %scan3A_46 : i32
    %scan3A_48 = arith.constant 1 : i32
    %scan3A_49 = scf.for %scan3A_71 = %scan3A_45 to %scan3A_47 step %scan3A_48 iter_args(%scan3A_72 = %scan3A_44) -> (i32)  : i32 {
      %mul3A_73 = arith.constant 128 : i32
      %mul3A_74 = arith.muli %scan3A_71, %mul3A_73 : i32
      %add3A_75 = arith.addi %mul3A_43, %mul3A_74 : i32
      "tpu.region"() ({
        %run_scoped3A_77 = tpu.sem_alloc : memref<!tpu.dma_semaphore, #tpu.memory_space<semaphore_mem>>
        %dma_start3A = tpu.memref_slice %arg4[%add3A_75] : memref<200704xi32, #tpu.memory_space<hbm>> -> memref<128xi32, #tpu.memory_space<hbm>>
        %dma_start3A_78 = tpu.memref_slice %arg4[%add3A_75] : memref<200704xi32, #tpu.memory_space<hbm>> -> memref<128xi32, #tpu.memory_space<hbm>>
        tpu.enqueue_dma source(%dma_start3A_78 : memref<128xi32, #tpu.memory_space<hbm>>) target(%arg7 : memref<128xi32, #tpu.memory_space<vmem>>) target_semaphore(%run_scoped3A_77 : memref<!tpu.dma_semaphore, #tpu.memory_space<semaphore_mem>>)
        %dma_wait3A = tpu.memref_slice %arg4[%add3A_75] : memref<200704xi32, #tpu.memory_space<hbm>> -> memref<128xi32, #tpu.memory_space<hbm>>
        %dma_wait3A_79 = tpu.memref_slice %arg4[%add3A_75] : memref<200704xi32, #tpu.memory_space<hbm>> -> memref<128xi32, #tpu.memory_space<hbm>>
        tpu.wait_dma2 semaphore(%run_scoped3A_77 : memref<!tpu.dma_semaphore, #tpu.memory_space<semaphore_mem>>) src(%dma_wait3A_79 : memref<128xi32, #tpu.memory_space<hbm>>) dst(%arg7 : memref<128xi32, #tpu.memory_space<vmem>>)
        tpu.yield
      }) : () -> ()
      "tpu.region"() ({
        %run_scoped3A_77 = tpu.sem_alloc : memref<!tpu.dma_semaphore, #tpu.memory_space<semaphore_mem>>
        %dma_start3A = arith.constant 0 : i32
        %dma_start3A_78 = arith.constant 0 : i32
        %dma_start3A_79 = tpu.memref_slice %arg10[%dma_start3A, %dma_start3A_78] : memref<10112x16xf32, #tpu.memory_space<vmem_shared>> -> memref<10112x16xf32, #tpu.memory_space<vmem_shared>>
        tpu.enqueue_indirect_dma source(%arg8 : memref<128x16xf32, #tpu.memory_space<vmem>>) target(%dma_start3A_79 : memref<10112x16xf32, #tpu.memory_space<vmem_shared>>) offsets(%arg7 : memref<128xi32, #tpu.memory_space<vmem>>) semaphore(%run_scoped3A_77 : memref<!tpu.dma_semaphore, #tpu.memory_space<semaphore_mem>>) {add = true}
        %dma_wait3A = arith.constant 0 : i32
        %dma_wait3A_80 = arith.constant 0 : i32
        %dma_wait3A_81 = tpu.memref_slice %arg10[%dma_wait3A, %dma_wait3A_80] : memref<10112x16xf32, #tpu.memory_space<vmem_shared>> -> memref<10112x16xf32, #tpu.memory_space<vmem_shared>>
        tpu.wait_indirect_dma semaphore(%run_scoped3A_77 : memref<!tpu.dma_semaphore, #tpu.memory_space<semaphore_mem>>) src(%arg8 : memref<128x16xf32, #tpu.memory_space<vmem>>) dst(%dma_wait3A_81 : memref<10112x16xf32, #tpu.memory_space<vmem_shared>>)
        tpu.yield
      }) : () -> ()
      %scan3A_76 = arith.constant 0 : i32
      scf.yield %scan3A_76 : i32
    }
    %scan3A_50 = arith.constant 49 : i32
    %scan3A_51 = arith.constant 0 : i32
    %scan3A_52 = arith.constant 0 : i32
    %scan3A_53 = arith.constant 49 : i32
    %scan3A_54 = arith.addi %scan3A_52, %scan3A_53 : i32
    %scan3A_55 = arith.constant 1 : i32
    %scan3A_56 = scf.for %scan3A_71 = %scan3A_52 to %scan3A_54 step %scan3A_55 iter_args(%scan3A_72 = %scan3A_51) -> (i32)  : i32 {
      %mul3A_73 = arith.constant 128 : i32
      %mul3A_74 = arith.muli %scan3A_71, %mul3A_73 : i32
      %add3A_75 = arith.addi %mul3A_43, %mul3A_74 : i32
      "tpu.region"() ({
        %run_scoped3A_77 = tpu.sem_alloc : memref<!tpu.dma_semaphore, #tpu.memory_space<semaphore_mem>>
        %dma_start3A = tpu.memref_slice %arg5[%add3A_75] : memref<200704xi32, #tpu.memory_space<hbm>> -> memref<128xi32, #tpu.memory_space<hbm>>
        %dma_start3A_78 = tpu.memref_slice %arg5[%add3A_75] : memref<200704xi32, #tpu.memory_space<hbm>> -> memref<128xi32, #tpu.memory_space<hbm>>
        tpu.enqueue_dma source(%dma_start3A_78 : memref<128xi32, #tpu.memory_space<hbm>>) target(%arg7 : memref<128xi32, #tpu.memory_space<vmem>>) target_semaphore(%run_scoped3A_77 : memref<!tpu.dma_semaphore, #tpu.memory_space<semaphore_mem>>)
        %dma_wait3A = tpu.memref_slice %arg5[%add3A_75] : memref<200704xi32, #tpu.memory_space<hbm>> -> memref<128xi32, #tpu.memory_space<hbm>>
        %dma_wait3A_79 = tpu.memref_slice %arg5[%add3A_75] : memref<200704xi32, #tpu.memory_space<hbm>> -> memref<128xi32, #tpu.memory_space<hbm>>
        tpu.wait_dma2 semaphore(%run_scoped3A_77 : memref<!tpu.dma_semaphore, #tpu.memory_space<semaphore_mem>>) src(%dma_wait3A_79 : memref<128xi32, #tpu.memory_space<hbm>>) dst(%arg7 : memref<128xi32, #tpu.memory_space<vmem>>)
        tpu.yield
      }) : () -> ()
      "tpu.region"() ({
        %run_scoped3A_77 = tpu.sem_alloc : memref<!tpu.dma_semaphore, #tpu.memory_space<semaphore_mem>>
        %dma_start3A = arith.constant 0 : i32
        %dma_start3A_78 = arith.constant 0 : i32
        %dma_start3A_79 = tpu.memref_slice %arg11[%dma_start3A, %dma_start3A_78] : memref<10112x16xf32, #tpu.memory_space<vmem_shared>> -> memref<10112x16xf32, #tpu.memory_space<vmem_shared>>
        tpu.enqueue_indirect_dma source(%arg8 : memref<128x16xf32, #tpu.memory_space<vmem>>) target(%dma_start3A_79 : memref<10112x16xf32, #tpu.memory_space<vmem_shared>>) offsets(%arg7 : memref<128xi32, #tpu.memory_space<vmem>>) semaphore(%run_scoped3A_77 : memref<!tpu.dma_semaphore, #tpu.memory_space<semaphore_mem>>) {add = true}
        %dma_wait3A = arith.constant 0 : i32
        %dma_wait3A_80 = arith.constant 0 : i32
        %dma_wait3A_81 = tpu.memref_slice %arg11[%dma_wait3A, %dma_wait3A_80] : memref<10112x16xf32, #tpu.memory_space<vmem_shared>> -> memref<10112x16xf32, #tpu.memory_space<vmem_shared>>
        tpu.wait_indirect_dma semaphore(%run_scoped3A_77 : memref<!tpu.dma_semaphore, #tpu.memory_space<semaphore_mem>>) src(%arg8 : memref<128x16xf32, #tpu.memory_space<vmem>>) dst(%dma_wait3A_81 : memref<10112x16xf32, #tpu.memory_space<vmem_shared>>)
        tpu.yield
      }) : () -> ()
      %scan3A_76 = arith.constant 0 : i32
      scf.yield %scan3A_76 : i32
    }
    %scan3A_57 = arith.constant 49 : i32
    %barrier3A_58 = arith.constant 0 : index
    tpu.barrier barrier_id(%barrier3A_58)
    %run_scoped3A_59 = arith.constant 2 : i32
    "tpu.region"() ({
      %run_scoped3A_71 = tpu.sem_alloc : memref<!tpu.dma_semaphore, #tpu.memory_space<semaphore_mem>>
      %dma_start3A = arith.constant 0 : i32
      %dma_start3A_72 = tpu.memref_slice %arg6[%arg0, %run_scoped3A_59, %mul3A_2, %dma_start3A] : memref<2x4x10240x16xf32, #tpu.memory_space<hbm>> -> memref<1x1x632x16xf32, #tpu.memory_space<hbm>>
      %dma_start3A_73 = tpu.memref_squeeze %dma_start3A_72 : memref<1x1x632x16xf32, #tpu.memory_space<hbm>> -> memref<632x16xf32, #tpu.memory_space<hbm>>
      %dma_start3A_74 = arith.constant 0 : i32
      %dma_start3A_75 = tpu.memref_slice %arg10[%mul3A_2, %dma_start3A_74] : memref<10112x16xf32, #tpu.memory_space<vmem_shared>> -> memref<632x16xf32, #tpu.memory_space<vmem_shared>>
      tpu.enqueue_dma source(%dma_start3A_75 : memref<632x16xf32, #tpu.memory_space<vmem_shared>>) target(%dma_start3A_73 : memref<632x16xf32, #tpu.memory_space<hbm>>) target_semaphore(%run_scoped3A_71 : memref<!tpu.dma_semaphore, #tpu.memory_space<semaphore_mem>>)
      %dma_wait3A = arith.constant 0 : i32
      %dma_wait3A_76 = tpu.memref_slice %arg6[%arg0, %run_scoped3A_59, %mul3A_2, %dma_wait3A] : memref<2x4x10240x16xf32, #tpu.memory_space<hbm>> -> memref<1x1x632x16xf32, #tpu.memory_space<hbm>>
      %dma_wait3A_77 = tpu.memref_squeeze %dma_wait3A_76 : memref<1x1x632x16xf32, #tpu.memory_space<hbm>> -> memref<632x16xf32, #tpu.memory_space<hbm>>
      %dma_wait3A_78 = arith.constant 0 : i32
      %dma_wait3A_79 = tpu.memref_slice %arg10[%mul3A_2, %dma_wait3A_78] : memref<10112x16xf32, #tpu.memory_space<vmem_shared>> -> memref<632x16xf32, #tpu.memory_space<vmem_shared>>
      tpu.wait_dma2 semaphore(%run_scoped3A_71 : memref<!tpu.dma_semaphore, #tpu.memory_space<semaphore_mem>>) src(%dma_wait3A_79 : memref<632x16xf32, #tpu.memory_space<vmem_shared>>) dst(%dma_wait3A_77 : memref<632x16xf32, #tpu.memory_space<hbm>>)
      tpu.yield
    }) : () -> ()
    %eq3A_60 = arith.constant 15 : i32
    %eq3A_61 = arith.cmpi eq, %arg1, %eq3A_60 : i32
    %convert_element_type3A_62 = arith.extui %eq3A_61 : i1 to i32
    %cond3A_63 = arith.constant 0 : i32
    %cond3A_64 = arith.cmpi ne, %convert_element_type3A_62, %cond3A_63 : i32
    scf.if %cond3A_64 {
      %run_scoped3A_71 = arith.constant 2 : i32
      "tpu.region"() ({
        %run_scoped3A_72 = tpu.sem_alloc : memref<!tpu.dma_semaphore, #tpu.memory_space<semaphore_mem>>
        %dma_start3A = arith.constant 0 : i32
        %dma_start3A_73 = arith.constant 0 : i32
        %dma_start3A_74 = tpu.memref_slice %arg9[%dma_start3A, %dma_start3A_73] : memref<632x16xf32, #tpu.memory_space<vmem>> -> memref<128x16xf32, #tpu.memory_space<vmem>>
        %dma_start3A_75 = arith.constant 10112 : i32
        %dma_start3A_76 = arith.constant 0 : i32
        %dma_start3A_77 = tpu.memref_slice %arg6[%arg0, %run_scoped3A_71, %dma_start3A_75, %dma_start3A_76] : memref<2x4x10240x16xf32, #tpu.memory_space<hbm>> -> memref<1x1x128x16xf32, #tpu.memory_space<hbm>>
        %dma_start3A_78 = tpu.memref_squeeze %dma_start3A_77 : memref<1x1x128x16xf32, #tpu.memory_space<hbm>> -> memref<128x16xf32, #tpu.memory_space<hbm>>
        %dma_start3A_79 = arith.constant 10112 : i32
        %dma_start3A_80 = arith.constant 0 : i32
        %dma_start3A_81 = tpu.memref_slice %arg6[%arg0, %run_scoped3A_71, %dma_start3A_79, %dma_start3A_80] : memref<2x4x10240x16xf32, #tpu.memory_space<hbm>> -> memref<1x1x128x16xf32, #tpu.memory_space<hbm>>
        %dma_start3A_82 = tpu.memref_squeeze %dma_start3A_81 : memref<1x1x128x16xf32, #tpu.memory_space<hbm>> -> memref<128x16xf32, #tpu.memory_space<hbm>>
        %dma_start3A_83 = arith.constant 0 : i32
        %dma_start3A_84 = arith.constant 0 : i32
        %dma_start3A_85 = tpu.memref_slice %arg9[%dma_start3A_83, %dma_start3A_84] : memref<632x16xf32, #tpu.memory_space<vmem>> -> memref<128x16xf32, #tpu.memory_space<vmem>>
        tpu.enqueue_dma source(%dma_start3A_85 : memref<128x16xf32, #tpu.memory_space<vmem>>) target(%dma_start3A_82 : memref<128x16xf32, #tpu.memory_space<hbm>>) target_semaphore(%run_scoped3A_72 : memref<!tpu.dma_semaphore, #tpu.memory_space<semaphore_mem>>)
        %dma_wait3A = arith.constant 0 : i32
        %dma_wait3A_86 = arith.constant 0 : i32
        %dma_wait3A_87 = tpu.memref_slice %arg9[%dma_wait3A, %dma_wait3A_86] : memref<632x16xf32, #tpu.memory_space<vmem>> -> memref<128x16xf32, #tpu.memory_space<vmem>>
        %dma_wait3A_88 = arith.constant 10112 : i32
        %dma_wait3A_89 = arith.constant 0 : i32
        %dma_wait3A_90 = tpu.memref_slice %arg6[%arg0, %run_scoped3A_71, %dma_wait3A_88, %dma_wait3A_89] : memref<2x4x10240x16xf32, #tpu.memory_space<hbm>> -> memref<1x1x128x16xf32, #tpu.memory_space<hbm>>
        %dma_wait3A_91 = tpu.memref_squeeze %dma_wait3A_90 : memref<1x1x128x16xf32, #tpu.memory_space<hbm>> -> memref<128x16xf32, #tpu.memory_space<hbm>>
        %dma_wait3A_92 = arith.constant 10112 : i32
        %dma_wait3A_93 = arith.constant 0 : i32
        %dma_wait3A_94 = tpu.memref_slice %arg6[%arg0, %run_scoped3A_71, %dma_wait3A_92, %dma_wait3A_93] : memref<2x4x10240x16xf32, #tpu.memory_space<hbm>> -> memref<1x1x128x16xf32, #tpu.memory_space<hbm>>
        %dma_wait3A_95 = tpu.memref_squeeze %dma_wait3A_94 : memref<1x1x128x16xf32, #tpu.memory_space<hbm>> -> memref<128x16xf32, #tpu.memory_space<hbm>>
        %dma_wait3A_96 = arith.constant 0 : i32
        %dma_wait3A_97 = arith.constant 0 : i32
        %dma_wait3A_98 = tpu.memref_slice %arg9[%dma_wait3A_96, %dma_wait3A_97] : memref<632x16xf32, #tpu.memory_space<vmem>> -> memref<128x16xf32, #tpu.memory_space<vmem>>
        tpu.wait_dma2 semaphore(%run_scoped3A_72 : memref<!tpu.dma_semaphore, #tpu.memory_space<semaphore_mem>>) src(%dma_wait3A_98 : memref<128x16xf32, #tpu.memory_space<vmem>>) dst(%dma_wait3A_95 : memref<128x16xf32, #tpu.memory_space<hbm>>)
        tpu.yield
      }) : () -> ()
    } else {
    }
    %run_scoped3A_65 = arith.constant 3 : i32
    "tpu.region"() ({
      %run_scoped3A_71 = tpu.sem_alloc : memref<!tpu.dma_semaphore, #tpu.memory_space<semaphore_mem>>
      %dma_start3A = arith.constant 0 : i32
      %dma_start3A_72 = tpu.memref_slice %arg6[%arg0, %run_scoped3A_65, %mul3A_2, %dma_start3A] : memref<2x4x10240x16xf32, #tpu.memory_space<hbm>> -> memref<1x1x632x16xf32, #tpu.memory_space<hbm>>
      %dma_start3A_73 = tpu.memref_squeeze %dma_start3A_72 : memref<1x1x632x16xf32, #tpu.memory_space<hbm>> -> memref<632x16xf32, #tpu.memory_space<hbm>>
      %dma_start3A_74 = arith.constant 0 : i32
      %dma_start3A_75 = tpu.memref_slice %arg11[%mul3A_2, %dma_start3A_74] : memref<10112x16xf32, #tpu.memory_space<vmem_shared>> -> memref<632x16xf32, #tpu.memory_space<vmem_shared>>
      tpu.enqueue_dma source(%dma_start3A_75 : memref<632x16xf32, #tpu.memory_space<vmem_shared>>) target(%dma_start3A_73 : memref<632x16xf32, #tpu.memory_space<hbm>>) target_semaphore(%run_scoped3A_71 : memref<!tpu.dma_semaphore, #tpu.memory_space<semaphore_mem>>)
      %dma_wait3A = arith.constant 0 : i32
      %dma_wait3A_76 = tpu.memref_slice %arg6[%arg0, %run_scoped3A_65, %mul3A_2, %dma_wait3A] : memref<2x4x10240x16xf32, #tpu.memory_space<hbm>> -> memref<1x1x632x16xf32, #tpu.memory_space<hbm>>
      %dma_wait3A_77 = tpu.memref_squeeze %dma_wait3A_76 : memref<1x1x632x16xf32, #tpu.memory_space<hbm>> -> memref<632x16xf32, #tpu.memory_space<hbm>>
      %dma_wait3A_78 = arith.constant 0 : i32
      %dma_wait3A_79 = tpu.memref_slice %arg11[%mul3A_2, %dma_wait3A_78] : memref<10112x16xf32, #tpu.memory_space<vmem_shared>> -> memref<632x16xf32, #tpu.memory_space<vmem_shared>>
      tpu.wait_dma2 semaphore(%run_scoped3A_71 : memref<!tpu.dma_semaphore, #tpu.memory_space<semaphore_mem>>) src(%dma_wait3A_79 : memref<632x16xf32, #tpu.memory_space<vmem_shared>>) dst(%dma_wait3A_77 : memref<632x16xf32, #tpu.memory_space<hbm>>)
      tpu.yield
    }) : () -> ()
    %eq3A_66 = arith.constant 15 : i32
    %eq3A_67 = arith.cmpi eq, %arg1, %eq3A_66 : i32
    %convert_element_type3A_68 = arith.extui %eq3A_67 : i1 to i32
    %cond3A_69 = arith.constant 0 : i32
    %cond3A_70 = arith.cmpi ne, %convert_element_type3A_68, %cond3A_69 : i32
    scf.if %cond3A_70 {
      %run_scoped3A_71 = arith.constant 3 : i32
      "tpu.region"() ({
        %run_scoped3A_72 = tpu.sem_alloc : memref<!tpu.dma_semaphore, #tpu.memory_space<semaphore_mem>>
        %dma_start3A = arith.constant 0 : i32
        %dma_start3A_73 = arith.constant 0 : i32
        %dma_start3A_74 = tpu.memref_slice %arg9[%dma_start3A, %dma_start3A_73] : memref<632x16xf32, #tpu.memory_space<vmem>> -> memref<128x16xf32, #tpu.memory_space<vmem>>
        %dma_start3A_75 = arith.constant 10112 : i32
        %dma_start3A_76 = arith.constant 0 : i32
        %dma_start3A_77 = tpu.memref_slice %arg6[%arg0, %run_scoped3A_71, %dma_start3A_75, %dma_start3A_76] : memref<2x4x10240x16xf32, #tpu.memory_space<hbm>> -> memref<1x1x128x16xf32, #tpu.memory_space<hbm>>
        %dma_start3A_78 = tpu.memref_squeeze %dma_start3A_77 : memref<1x1x128x16xf32, #tpu.memory_space<hbm>> -> memref<128x16xf32, #tpu.memory_space<hbm>>
        %dma_start3A_79 = arith.constant 10112 : i32
        %dma_start3A_80 = arith.constant 0 : i32
        %dma_start3A_81 = tpu.memref_slice %arg6[%arg0, %run_scoped3A_71, %dma_start3A_79, %dma_start3A_80] : memref<2x4x10240x16xf32, #tpu.memory_space<hbm>> -> memref<1x1x128x16xf32, #tpu.memory_space<hbm>>
        %dma_start3A_82 = tpu.memref_squeeze %dma_start3A_81 : memref<1x1x128x16xf32, #tpu.memory_space<hbm>> -> memref<128x16xf32, #tpu.memory_space<hbm>>
        %dma_start3A_83 = arith.constant 0 : i32
        %dma_start3A_84 = arith.constant 0 : i32
        %dma_start3A_85 = tpu.memref_slice %arg9[%dma_start3A_83, %dma_start3A_84] : memref<632x16xf32, #tpu.memory_space<vmem>> -> memref<128x16xf32, #tpu.memory_space<vmem>>
        tpu.enqueue_dma source(%dma_start3A_85 : memref<128x16xf32, #tpu.memory_space<vmem>>) target(%dma_start3A_82 : memref<128x16xf32, #tpu.memory_space<hbm>>) target_semaphore(%run_scoped3A_72 : memref<!tpu.dma_semaphore, #tpu.memory_space<semaphore_mem>>)
        %dma_wait3A = arith.constant 0 : i32
        %dma_wait3A_86 = arith.constant 0 : i32
        %dma_wait3A_87 = tpu.memref_slice %arg9[%dma_wait3A, %dma_wait3A_86] : memref<632x16xf32, #tpu.memory_space<vmem>> -> memref<128x16xf32, #tpu.memory_space<vmem>>
        %dma_wait3A_88 = arith.constant 10112 : i32
        %dma_wait3A_89 = arith.constant 0 : i32
        %dma_wait3A_90 = tpu.memref_slice %arg6[%arg0, %run_scoped3A_71, %dma_wait3A_88, %dma_wait3A_89] : memref<2x4x10240x16xf32, #tpu.memory_space<hbm>> -> memref<1x1x128x16xf32, #tpu.memory_space<hbm>>
        %dma_wait3A_91 = tpu.memref_squeeze %dma_wait3A_90 : memref<1x1x128x16xf32, #tpu.memory_space<hbm>> -> memref<128x16xf32, #tpu.memory_space<hbm>>
        %dma_wait3A_92 = arith.constant 10112 : i32
        %dma_wait3A_93 = arith.constant 0 : i32
        %dma_wait3A_94 = tpu.memref_slice %arg6[%arg0, %run_scoped3A_71, %dma_wait3A_92, %dma_wait3A_93] : memref<2x4x10240x16xf32, #tpu.memory_space<hbm>> -> memref<1x1x128x16xf32, #tpu.memory_space<hbm>>
        %dma_wait3A_95 = tpu.memref_squeeze %dma_wait3A_94 : memref<1x1x128x16xf32, #tpu.memory_space<hbm>> -> memref<128x16xf32, #tpu.memory_space<hbm>>
        %dma_wait3A_96 = arith.constant 0 : i32
        %dma_wait3A_97 = arith.constant 0 : i32
        %dma_wait3A_98 = tpu.memref_slice %arg9[%dma_wait3A_96, %dma_wait3A_97] : memref<632x16xf32, #tpu.memory_space<vmem>> -> memref<128x16xf32, #tpu.memory_space<vmem>>
        tpu.wait_dma2 semaphore(%run_scoped3A_72 : memref<!tpu.dma_semaphore, #tpu.memory_space<semaphore_mem>>) src(%dma_wait3A_98 : memref<128x16xf32, #tpu.memory_space<vmem>>) dst(%dma_wait3A_95 : memref<128x16xf32, #tpu.memory_space<hbm>>)
        tpu.yield
      }) : () -> ()
    } else {
    }
    return
  }
}

#map = affine_map<(d0, d1) -> (0, 0)>
#map1 = affine_map<(d0, d1) -> (0)>
#map2 = affine_map<(d0, d1) -> (0, 0, 0)>
module attributes {stable_mosaic.version = 14 : i64} {
  func.func @_agg_kernel(%arg0: i32, %arg1: i32, %arg2: memref<10240x64xf32, #tpu.memory_space<hbm>>, %arg3: memref<10240x64xf32, #tpu.memory_space<hbm>>, %arg4: memref<323584xi32, #tpu.memory_space<hbm>>, %arg5: memref<323584xi32, #tpu.memory_space<hbm>>, %arg6: memref<200704xi32, #tpu.memory_space<hbm>>, %arg7: memref<200704xi32, #tpu.memory_space<hbm>>, %arg8: memref<2x10240x64xf32, #tpu.memory_space<hbm>>, %arg9: memref<2x10240x64xf32, #tpu.memory_space<hbm>>, %arg10: memref<128x64xf32, #tpu.memory_space<vmem>>, %arg11: memref<128xi32, #tpu.memory_space<vmem>>, %arg12: memref<128xi32, #tpu.memory_space<vmem>>, %arg13: memref<632x64xf32, #tpu.memory_space<vmem>>, %arg14: memref<10112x64xf32, #tpu.memory_space<vmem_shared>>, %arg15: memref<10112x64xf32, #tpu.memory_space<vmem_shared>>, %arg16: memref<!tpu.dma_semaphore, #tpu.memory_space<semaphore_mem>>) attributes {dimension_semantics = [#tpu.dimension_semantics<core_parallel>, #tpu.dimension_semantics<subcore_parallel>], iteration_bounds = array<i64: 2, 16>, scalar_prefetch = 0 : i64, scratch_operands = 7 : i64, tpu.core_type = #tpu.core_type<sc_vector_subcore>, window_params = [{transform_indices = #map}, {transform_indices = #map}, {transform_indices = #map1}, {transform_indices = #map1}, {transform_indices = #map1}, {transform_indices = #map1}, {transform_indices = #map2}, {transform_indices = #map2}]} {
    %mul3A = arith.constant 16 : i32
    %mul3A_0 = arith.muli %arg0, %mul3A : i32
    %add3A = arith.addi %mul3A_0, %arg1 : i32
    %mul3A_1 = arith.constant 632 : i32
    %mul3A_2 = arith.muli %arg1, %mul3A_1 : i32
    %scan3A = arith.constant 0 : i32
    %scan3A_3 = arith.constant 0 : i32
    %scan3A_4 = arith.constant 632 : i32
    %scan3A_5 = arith.addi %scan3A_3, %scan3A_4 : i32
    %scan3A_6 = arith.constant 1 : i32
    %scan3A_7 = scf.for %scan3A_30 = %scan3A_3 to %scan3A_5 step %scan3A_6 iter_args(%scan3A_31 = %scan3A) -> (i32)  : i32 {
      %broadcast_in_dim3A = arith.constant 0.000000e+00 : f32
      %broadcast_in_dim3A_32 = vector.broadcast %broadcast_in_dim3A : f32 to vector<16xf32>
      %swap3A = arith.index_cast %scan3A_30 : i32 to index
      %swap3A_33 = arith.constant 0 : index
      %swap3A_34 = tpu.vector_load %arg13[%swap3A, %swap3A_33] {strides = array<i32>} : memref<632x64xf32, #tpu.memory_space<vmem>>, vector<1x16xf32>,
      %swap3A_35 = vector.shape_cast %swap3A_34 : vector<1x16xf32> to vector<16xf32>
      %swap3A_36 = vector.shape_cast %broadcast_in_dim3A_32 : vector<16xf32> to vector<1x16xf32>
      tpu.vector_store %arg13[%swap3A, %swap3A_33], %swap3A_36 {strides = array<i32>} : memref<632x64xf32, #tpu.memory_space<vmem>>, vector<1x16xf32>,
      %broadcast_in_dim3A_37 = arith.constant 0.000000e+00 : f32
      %broadcast_in_dim3A_38 = vector.broadcast %broadcast_in_dim3A_37 : f32 to vector<16xf32>
      %swap3A_39 = arith.index_cast %scan3A_30 : i32 to index
      %swap3A_40 = arith.constant 16 : index
      %swap3A_41 = tpu.vector_load %arg13[%swap3A_39, %swap3A_40] {strides = array<i32>} : memref<632x64xf32, #tpu.memory_space<vmem>>, vector<1x16xf32>,
      %swap3A_42 = vector.shape_cast %swap3A_41 : vector<1x16xf32> to vector<16xf32>
      %swap3A_43 = vector.shape_cast %broadcast_in_dim3A_38 : vector<16xf32> to vector<1x16xf32>
      tpu.vector_store %arg13[%swap3A_39, %swap3A_40], %swap3A_43 {strides = array<i32>} : memref<632x64xf32, #tpu.memory_space<vmem>>, vector<1x16xf32>,
      %broadcast_in_dim3A_44 = arith.constant 0.000000e+00 : f32
      %broadcast_in_dim3A_45 = vector.broadcast %broadcast_in_dim3A_44 : f32 to vector<16xf32>
      %swap3A_46 = arith.index_cast %scan3A_30 : i32 to index
      %swap3A_47 = arith.constant 32 : index
      %swap3A_48 = tpu.vector_load %arg13[%swap3A_46, %swap3A_47] {strides = array<i32>} : memref<632x64xf32, #tpu.memory_space<vmem>>, vector<1x16xf32>,
      %swap3A_49 = vector.shape_cast %swap3A_48 : vector<1x16xf32> to vector<16xf32>
      %swap3A_50 = vector.shape_cast %broadcast_in_dim3A_45 : vector<16xf32> to vector<1x16xf32>
      tpu.vector_store %arg13[%swap3A_46, %swap3A_47], %swap3A_50 {strides = array<i32>} : memref<632x64xf32, #tpu.memory_space<vmem>>, vector<1x16xf32>,
      %broadcast_in_dim3A_51 = arith.constant 0.000000e+00 : f32
      %broadcast_in_dim3A_52 = vector.broadcast %broadcast_in_dim3A_51 : f32 to vector<16xf32>
      %swap3A_53 = arith.index_cast %scan3A_30 : i32 to index
      %swap3A_54 = arith.constant 48 : index
      %swap3A_55 = tpu.vector_load %arg13[%swap3A_53, %swap3A_54] {strides = array<i32>} : memref<632x64xf32, #tpu.memory_space<vmem>>, vector<1x16xf32>,
      %swap3A_56 = vector.shape_cast %swap3A_55 : vector<1x16xf32> to vector<16xf32>
      %swap3A_57 = vector.shape_cast %broadcast_in_dim3A_52 : vector<16xf32> to vector<1x16xf32>
      tpu.vector_store %arg13[%swap3A_53, %swap3A_54], %swap3A_57 {strides = array<i32>} : memref<632x64xf32, #tpu.memory_space<vmem>>, vector<1x16xf32>,
      %scan3A_58 = arith.constant 0 : i32
      scf.yield %scan3A_58 : i32
    }
    %scan3A_8 = arith.constant 632 : i32
    "tpu.region"() ({
      %run_scoped3A = tpu.sem_alloc : memref<!tpu.dma_semaphore, #tpu.memory_space<semaphore_mem>>
      %dma_start3A = arith.constant 0 : i32
      %dma_start3A_30 = tpu.memref_slice %arg14[%mul3A_2, %dma_start3A] : memref<10112x64xf32, #tpu.memory_space<vmem_shared>> -> memref<632x64xf32, #tpu.memory_space<vmem_shared>>
      %dma_start3A_31 = arith.constant 0 : i32
      %dma_start3A_32 = tpu.memref_slice %arg14[%mul3A_2, %dma_start3A_31] : memref<10112x64xf32, #tpu.memory_space<vmem_shared>> -> memref<632x64xf32, #tpu.memory_space<vmem_shared>>
      tpu.enqueue_dma source(%arg13 : memref<632x64xf32, #tpu.memory_space<vmem>>) target(%dma_start3A_32 : memref<632x64xf32, #tpu.memory_space<vmem_shared>>) target_semaphore(%run_scoped3A : memref<!tpu.dma_semaphore, #tpu.memory_space<semaphore_mem>>)
      %dma_wait3A = arith.constant 0 : i32
      %dma_wait3A_33 = tpu.memref_slice %arg14[%mul3A_2, %dma_wait3A] : memref<10112x64xf32, #tpu.memory_space<vmem_shared>> -> memref<632x64xf32, #tpu.memory_space<vmem_shared>>
      %dma_wait3A_34 = arith.constant 0 : i32
      %dma_wait3A_35 = tpu.memref_slice %arg14[%mul3A_2, %dma_wait3A_34] : memref<10112x64xf32, #tpu.memory_space<vmem_shared>> -> memref<632x64xf32, #tpu.memory_space<vmem_shared>>
      tpu.wait_dma2 semaphore(%run_scoped3A : memref<!tpu.dma_semaphore, #tpu.memory_space<semaphore_mem>>) src(%arg13 : memref<632x64xf32, #tpu.memory_space<vmem>>) dst(%dma_wait3A_35 : memref<632x64xf32, #tpu.memory_space<vmem_shared>>)
      tpu.yield
    }) : () -> ()
    "tpu.region"() ({
      %run_scoped3A = tpu.sem_alloc : memref<!tpu.dma_semaphore, #tpu.memory_space<semaphore_mem>>
      %dma_start3A = arith.constant 0 : i32
      %dma_start3A_30 = tpu.memref_slice %arg15[%mul3A_2, %dma_start3A] : memref<10112x64xf32, #tpu.memory_space<vmem_shared>> -> memref<632x64xf32, #tpu.memory_space<vmem_shared>>
      %dma_start3A_31 = arith.constant 0 : i32
      %dma_start3A_32 = tpu.memref_slice %arg15[%mul3A_2, %dma_start3A_31] : memref<10112x64xf32, #tpu.memory_space<vmem_shared>> -> memref<632x64xf32, #tpu.memory_space<vmem_shared>>
      tpu.enqueue_dma source(%arg13 : memref<632x64xf32, #tpu.memory_space<vmem>>) target(%dma_start3A_32 : memref<632x64xf32, #tpu.memory_space<vmem_shared>>) target_semaphore(%run_scoped3A : memref<!tpu.dma_semaphore, #tpu.memory_space<semaphore_mem>>)
      %dma_wait3A = arith.constant 0 : i32
      %dma_wait3A_33 = tpu.memref_slice %arg15[%mul3A_2, %dma_wait3A] : memref<10112x64xf32, #tpu.memory_space<vmem_shared>> -> memref<632x64xf32, #tpu.memory_space<vmem_shared>>
      %dma_wait3A_34 = arith.constant 0 : i32
      %dma_wait3A_35 = tpu.memref_slice %arg15[%mul3A_2, %dma_wait3A_34] : memref<10112x64xf32, #tpu.memory_space<vmem_shared>> -> memref<632x64xf32, #tpu.memory_space<vmem_shared>>
      tpu.wait_dma2 semaphore(%run_scoped3A : memref<!tpu.dma_semaphore, #tpu.memory_space<semaphore_mem>>) src(%arg13 : memref<632x64xf32, #tpu.memory_space<vmem>>) dst(%dma_wait3A_35 : memref<632x64xf32, #tpu.memory_space<vmem_shared>>)
      tpu.yield
    }) : () -> ()
    %barrier3A = arith.constant 0 : index
    tpu.barrier barrier_id(%barrier3A)
    %mul3A_9 = arith.constant 10112 : i32
    %mul3A_10 = arith.muli %add3A, %mul3A_9 : i32
    %scan3A_11 = arith.constant 0 : i32
    %scan3A_12 = arith.constant 0 : i32
    %scan3A_13 = arith.constant 79 : i32
    %scan3A_14 = arith.addi %scan3A_12, %scan3A_13 : i32
    %scan3A_15 = arith.constant 1 : i32
    %scan3A_16 = scf.for %scan3A_30 = %scan3A_12 to %scan3A_14 step %scan3A_15 iter_args(%scan3A_31 = %scan3A_11) -> (i32)  : i32 {
      %mul3A_32 = arith.constant 128 : i32
      %mul3A_33 = arith.muli %scan3A_30, %mul3A_32 : i32
      %add3A_34 = arith.addi %mul3A_10, %mul3A_33 : i32
      "tpu.region"() ({
        %run_scoped3A = tpu.sem_alloc : memref<!tpu.dma_semaphore, #tpu.memory_space<semaphore_mem>>
        %dma_start3A_40 = tpu.memref_slice %arg4[%add3A_34] : memref<323584xi32, #tpu.memory_space<hbm>> -> memref<128xi32, #tpu.memory_space<hbm>>
        %dma_start3A_41 = tpu.memref_slice %arg4[%add3A_34] : memref<323584xi32, #tpu.memory_space<hbm>> -> memref<128xi32, #tpu.memory_space<hbm>>
        tpu.enqueue_dma source(%dma_start3A_41 : memref<128xi32, #tpu.memory_space<hbm>>) target(%arg11 : memref<128xi32, #tpu.memory_space<vmem>>) target_semaphore(%run_scoped3A : memref<!tpu.dma_semaphore, #tpu.memory_space<semaphore_mem>>)
        %dma_wait3A_42 = tpu.memref_slice %arg4[%add3A_34] : memref<323584xi32, #tpu.memory_space<hbm>> -> memref<128xi32, #tpu.memory_space<hbm>>
        %dma_wait3A_43 = tpu.memref_slice %arg4[%add3A_34] : memref<323584xi32, #tpu.memory_space<hbm>> -> memref<128xi32, #tpu.memory_space<hbm>>
        tpu.wait_dma2 semaphore(%run_scoped3A : memref<!tpu.dma_semaphore, #tpu.memory_space<semaphore_mem>>) src(%dma_wait3A_43 : memref<128xi32, #tpu.memory_space<hbm>>) dst(%arg11 : memref<128xi32, #tpu.memory_space<vmem>>)
        tpu.yield
      }) : () -> ()
      %dma_start3A = arith.constant 0 : i32
      %dma_start3A_35 = arith.constant 0 : i32
      %dma_start3A_36 = tpu.memref_slice %arg2[%dma_start3A, %dma_start3A_35] : memref<10240x64xf32, #tpu.memory_space<hbm>> -> memref<10240x64xf32, #tpu.memory_space<hbm>>
      tpu.enqueue_indirect_dma source(%dma_start3A_36 : memref<10240x64xf32, #tpu.memory_space<hbm>>) target(%arg10 : memref<128x64xf32, #tpu.memory_space<vmem>>) offsets(%arg11 : memref<128xi32, #tpu.memory_space<vmem>>) semaphore(%arg16 : memref<!tpu.dma_semaphore, #tpu.memory_space<semaphore_mem>>)
      "tpu.region"() ({
        %run_scoped3A = tpu.sem_alloc : memref<!tpu.dma_semaphore, #tpu.memory_space<semaphore_mem>>
        %dma_start3A_40 = tpu.memref_slice %arg5[%add3A_34] : memref<323584xi32, #tpu.memory_space<hbm>> -> memref<128xi32, #tpu.memory_space<hbm>>
        %dma_start3A_41 = tpu.memref_slice %arg5[%add3A_34] : memref<323584xi32, #tpu.memory_space<hbm>> -> memref<128xi32, #tpu.memory_space<hbm>>
        tpu.enqueue_dma source(%dma_start3A_41 : memref<128xi32, #tpu.memory_space<hbm>>) target(%arg12 : memref<128xi32, #tpu.memory_space<vmem>>) target_semaphore(%run_scoped3A : memref<!tpu.dma_semaphore, #tpu.memory_space<semaphore_mem>>)
        %dma_wait3A_42 = tpu.memref_slice %arg5[%add3A_34] : memref<323584xi32, #tpu.memory_space<hbm>> -> memref<128xi32, #tpu.memory_space<hbm>>
        %dma_wait3A_43 = tpu.memref_slice %arg5[%add3A_34] : memref<323584xi32, #tpu.memory_space<hbm>> -> memref<128xi32, #tpu.memory_space<hbm>>
        tpu.wait_dma2 semaphore(%run_scoped3A : memref<!tpu.dma_semaphore, #tpu.memory_space<semaphore_mem>>) src(%dma_wait3A_43 : memref<128xi32, #tpu.memory_space<hbm>>) dst(%arg12 : memref<128xi32, #tpu.memory_space<vmem>>)
        tpu.yield
      }) : () -> ()
      %dma_wait3A = arith.constant 0 : i32
      %dma_wait3A_37 = arith.constant 0 : i32
      %dma_wait3A_38 = tpu.memref_slice %arg2[%dma_wait3A, %dma_wait3A_37] : memref<10240x64xf32, #tpu.memory_space<hbm>> -> memref<10240x64xf32, #tpu.memory_space<hbm>>
      tpu.wait_indirect_dma semaphore(%arg16 : memref<!tpu.dma_semaphore, #tpu.memory_space<semaphore_mem>>) src(%dma_wait3A_38 : memref<10240x64xf32, #tpu.memory_space<hbm>>) dst(%arg10 : memref<128x64xf32, #tpu.memory_space<vmem>>)
      "tpu.region"() ({
        %run_scoped3A = tpu.sem_alloc : memref<!tpu.dma_semaphore, #tpu.memory_space<semaphore_mem>>
        %dma_start3A_40 = arith.constant 0 : i32
        %dma_start3A_41 = arith.constant 0 : i32
        %dma_start3A_42 = tpu.memref_slice %arg14[%dma_start3A_40, %dma_start3A_41] : memref<10112x64xf32, #tpu.memory_space<vmem_shared>> -> memref<10112x64xf32, #tpu.memory_space<vmem_shared>>
        tpu.enqueue_indirect_dma source(%arg10 : memref<128x64xf32, #tpu.memory_space<vmem>>) target(%dma_start3A_42 : memref<10112x64xf32, #tpu.memory_space<vmem_shared>>) offsets(%arg12 : memref<128xi32, #tpu.memory_space<vmem>>) semaphore(%run_scoped3A : memref<!tpu.dma_semaphore, #tpu.memory_space<semaphore_mem>>) {add = true}
        %dma_wait3A_43 = arith.constant 0 : i32
        %dma_wait3A_44 = arith.constant 0 : i32
        %dma_wait3A_45 = tpu.memref_slice %arg14[%dma_wait3A_43, %dma_wait3A_44] : memref<10112x64xf32, #tpu.memory_space<vmem_shared>> -> memref<10112x64xf32, #tpu.memory_space<vmem_shared>>
        tpu.wait_indirect_dma semaphore(%run_scoped3A : memref<!tpu.dma_semaphore, #tpu.memory_space<semaphore_mem>>) src(%arg10 : memref<128x64xf32, #tpu.memory_space<vmem>>) dst(%dma_wait3A_45 : memref<10112x64xf32, #tpu.memory_space<vmem_shared>>)
        tpu.yield
      }) : () -> ()
      %scan3A_39 = arith.constant 0 : i32
      scf.yield %scan3A_39 : i32
    }
    %scan3A_17 = arith.constant 79 : i32
    %mul3A_18 = arith.constant 6272 : i32
    %mul3A_19 = arith.muli %add3A, %mul3A_18 : i32
    %scan3A_20 = arith.constant 0 : i32
    %scan3A_21 = arith.constant 0 : i32
    %scan3A_22 = arith.constant 49 : i32
    %scan3A_23 = arith.addi %scan3A_21, %scan3A_22 : i32
    %scan3A_24 = arith.constant 1 : i32
    %scan3A_25 = scf.for %scan3A_30 = %scan3A_21 to %scan3A_23 step %scan3A_24 iter_args(%scan3A_31 = %scan3A_20) -> (i32)  : i32 {
      %mul3A_32 = arith.constant 128 : i32
      %mul3A_33 = arith.muli %scan3A_30, %mul3A_32 : i32
      %add3A_34 = arith.addi %mul3A_19, %mul3A_33 : i32
      "tpu.region"() ({
        %run_scoped3A = tpu.sem_alloc : memref<!tpu.dma_semaphore, #tpu.memory_space<semaphore_mem>>
        %dma_start3A_40 = tpu.memref_slice %arg6[%add3A_34] : memref<200704xi32, #tpu.memory_space<hbm>> -> memref<128xi32, #tpu.memory_space<hbm>>
        %dma_start3A_41 = tpu.memref_slice %arg6[%add3A_34] : memref<200704xi32, #tpu.memory_space<hbm>> -> memref<128xi32, #tpu.memory_space<hbm>>
        tpu.enqueue_dma source(%dma_start3A_41 : memref<128xi32, #tpu.memory_space<hbm>>) target(%arg11 : memref<128xi32, #tpu.memory_space<vmem>>) target_semaphore(%run_scoped3A : memref<!tpu.dma_semaphore, #tpu.memory_space<semaphore_mem>>)
        %dma_wait3A_42 = tpu.memref_slice %arg6[%add3A_34] : memref<200704xi32, #tpu.memory_space<hbm>> -> memref<128xi32, #tpu.memory_space<hbm>>
        %dma_wait3A_43 = tpu.memref_slice %arg6[%add3A_34] : memref<200704xi32, #tpu.memory_space<hbm>> -> memref<128xi32, #tpu.memory_space<hbm>>
        tpu.wait_dma2 semaphore(%run_scoped3A : memref<!tpu.dma_semaphore, #tpu.memory_space<semaphore_mem>>) src(%dma_wait3A_43 : memref<128xi32, #tpu.memory_space<hbm>>) dst(%arg11 : memref<128xi32, #tpu.memory_space<vmem>>)
        tpu.yield
      }) : () -> ()
      %dma_start3A = arith.constant 0 : i32
      %dma_start3A_35 = arith.constant 0 : i32
      %dma_start3A_36 = tpu.memref_slice %arg3[%dma_start3A, %dma_start3A_35] : memref<10240x64xf32, #tpu.memory_space<hbm>> -> memref<10240x64xf32, #tpu.memory_space<hbm>>
      tpu.enqueue_indirect_dma source(%dma_start3A_36 : memref<10240x64xf32, #tpu.memory_space<hbm>>) target(%arg10 : memref<128x64xf32, #tpu.memory_space<vmem>>) offsets(%arg11 : memref<128xi32, #tpu.memory_space<vmem>>) semaphore(%arg16 : memref<!tpu.dma_semaphore, #tpu.memory_space<semaphore_mem>>)
      "tpu.region"() ({
        %run_scoped3A = tpu.sem_alloc : memref<!tpu.dma_semaphore, #tpu.memory_space<semaphore_mem>>
        %dma_start3A_40 = tpu.memref_slice %arg7[%add3A_34] : memref<200704xi32, #tpu.memory_space<hbm>> -> memref<128xi32, #tpu.memory_space<hbm>>
        %dma_start3A_41 = tpu.memref_slice %arg7[%add3A_34] : memref<200704xi32, #tpu.memory_space<hbm>> -> memref<128xi32, #tpu.memory_space<hbm>>
        tpu.enqueue_dma source(%dma_start3A_41 : memref<128xi32, #tpu.memory_space<hbm>>) target(%arg12 : memref<128xi32, #tpu.memory_space<vmem>>) target_semaphore(%run_scoped3A : memref<!tpu.dma_semaphore, #tpu.memory_space<semaphore_mem>>)
        %dma_wait3A_42 = tpu.memref_slice %arg7[%add3A_34] : memref<200704xi32, #tpu.memory_space<hbm>> -> memref<128xi32, #tpu.memory_space<hbm>>
        %dma_wait3A_43 = tpu.memref_slice %arg7[%add3A_34] : memref<200704xi32, #tpu.memory_space<hbm>> -> memref<128xi32, #tpu.memory_space<hbm>>
        tpu.wait_dma2 semaphore(%run_scoped3A : memref<!tpu.dma_semaphore, #tpu.memory_space<semaphore_mem>>) src(%dma_wait3A_43 : memref<128xi32, #tpu.memory_space<hbm>>) dst(%arg12 : memref<128xi32, #tpu.memory_space<vmem>>)
        tpu.yield
      }) : () -> ()
      %dma_wait3A = arith.constant 0 : i32
      %dma_wait3A_37 = arith.constant 0 : i32
      %dma_wait3A_38 = tpu.memref_slice %arg3[%dma_wait3A, %dma_wait3A_37] : memref<10240x64xf32, #tpu.memory_space<hbm>> -> memref<10240x64xf32, #tpu.memory_space<hbm>>
      tpu.wait_indirect_dma semaphore(%arg16 : memref<!tpu.dma_semaphore, #tpu.memory_space<semaphore_mem>>) src(%dma_wait3A_38 : memref<10240x64xf32, #tpu.memory_space<hbm>>) dst(%arg10 : memref<128x64xf32, #tpu.memory_space<vmem>>)
      "tpu.region"() ({
        %run_scoped3A = tpu.sem_alloc : memref<!tpu.dma_semaphore, #tpu.memory_space<semaphore_mem>>
        %dma_start3A_40 = arith.constant 0 : i32
        %dma_start3A_41 = arith.constant 0 : i32
        %dma_start3A_42 = tpu.memref_slice %arg15[%dma_start3A_40, %dma_start3A_41] : memref<10112x64xf32, #tpu.memory_space<vmem_shared>> -> memref<10112x64xf32, #tpu.memory_space<vmem_shared>>
        tpu.enqueue_indirect_dma source(%arg10 : memref<128x64xf32, #tpu.memory_space<vmem>>) target(%dma_start3A_42 : memref<10112x64xf32, #tpu.memory_space<vmem_shared>>) offsets(%arg12 : memref<128xi32, #tpu.memory_space<vmem>>) semaphore(%run_scoped3A : memref<!tpu.dma_semaphore, #tpu.memory_space<semaphore_mem>>) {add = true}
        %dma_wait3A_43 = arith.constant 0 : i32
        %dma_wait3A_44 = arith.constant 0 : i32
        %dma_wait3A_45 = tpu.memref_slice %arg15[%dma_wait3A_43, %dma_wait3A_44] : memref<10112x64xf32, #tpu.memory_space<vmem_shared>> -> memref<10112x64xf32, #tpu.memory_space<vmem_shared>>
        tpu.wait_indirect_dma semaphore(%run_scoped3A : memref<!tpu.dma_semaphore, #tpu.memory_space<semaphore_mem>>) src(%arg10 : memref<128x64xf32, #tpu.memory_space<vmem>>) dst(%dma_wait3A_45 : memref<10112x64xf32, #tpu.memory_space<vmem_shared>>)
        tpu.yield
      }) : () -> ()
      %scan3A_39 = arith.constant 0 : i32
      scf.yield %scan3A_39 : i32
    }
    %scan3A_26 = arith.constant 49 : i32
    %barrier3A_27 = arith.constant 0 : index
    tpu.barrier barrier_id(%barrier3A_27)
    "tpu.region"() ({
      %run_scoped3A = tpu.sem_alloc : memref<!tpu.dma_semaphore, #tpu.memory_space<semaphore_mem>>
      %dma_start3A = arith.constant 0 : i32
      %dma_start3A_30 = tpu.memref_slice %arg8[%arg0, %mul3A_2, %dma_start3A] : memref<2x10240x64xf32, #tpu.memory_space<hbm>> -> memref<1x632x64xf32, #tpu.memory_space<hbm>>
      %dma_start3A_31 = tpu.memref_squeeze %dma_start3A_30 : memref<1x632x64xf32, #tpu.memory_space<hbm>> -> memref<632x64xf32, #tpu.memory_space<hbm>>
      %dma_start3A_32 = arith.constant 0 : i32
      %dma_start3A_33 = tpu.memref_slice %arg14[%mul3A_2, %dma_start3A_32] : memref<10112x64xf32, #tpu.memory_space<vmem_shared>> -> memref<632x64xf32, #tpu.memory_space<vmem_shared>>
      tpu.enqueue_dma source(%dma_start3A_33 : memref<632x64xf32, #tpu.memory_space<vmem_shared>>) target(%dma_start3A_31 : memref<632x64xf32, #tpu.memory_space<hbm>>) target_semaphore(%run_scoped3A : memref<!tpu.dma_semaphore, #tpu.memory_space<semaphore_mem>>)
      %dma_wait3A = arith.constant 0 : i32
      %dma_wait3A_34 = tpu.memref_slice %arg8[%arg0, %mul3A_2, %dma_wait3A] : memref<2x10240x64xf32, #tpu.memory_space<hbm>> -> memref<1x632x64xf32, #tpu.memory_space<hbm>>
      %dma_wait3A_35 = tpu.memref_squeeze %dma_wait3A_34 : memref<1x632x64xf32, #tpu.memory_space<hbm>> -> memref<632x64xf32, #tpu.memory_space<hbm>>
      %dma_wait3A_36 = arith.constant 0 : i32
      %dma_wait3A_37 = tpu.memref_slice %arg14[%mul3A_2, %dma_wait3A_36] : memref<10112x64xf32, #tpu.memory_space<vmem_shared>> -> memref<632x64xf32, #tpu.memory_space<vmem_shared>>
      tpu.wait_dma2 semaphore(%run_scoped3A : memref<!tpu.dma_semaphore, #tpu.memory_space<semaphore_mem>>) src(%dma_wait3A_37 : memref<632x64xf32, #tpu.memory_space<vmem_shared>>) dst(%dma_wait3A_35 : memref<632x64xf32, #tpu.memory_space<hbm>>)
      tpu.yield
    }) : () -> ()
    "tpu.region"() ({
      %run_scoped3A = tpu.sem_alloc : memref<!tpu.dma_semaphore, #tpu.memory_space<semaphore_mem>>
      %dma_start3A = arith.constant 0 : i32
      %dma_start3A_30 = tpu.memref_slice %arg9[%arg0, %mul3A_2, %dma_start3A] : memref<2x10240x64xf32, #tpu.memory_space<hbm>> -> memref<1x632x64xf32, #tpu.memory_space<hbm>>
      %dma_start3A_31 = tpu.memref_squeeze %dma_start3A_30 : memref<1x632x64xf32, #tpu.memory_space<hbm>> -> memref<632x64xf32, #tpu.memory_space<hbm>>
      %dma_start3A_32 = arith.constant 0 : i32
      %dma_start3A_33 = tpu.memref_slice %arg15[%mul3A_2, %dma_start3A_32] : memref<10112x64xf32, #tpu.memory_space<vmem_shared>> -> memref<632x64xf32, #tpu.memory_space<vmem_shared>>
      tpu.enqueue_dma source(%dma_start3A_33 : memref<632x64xf32, #tpu.memory_space<vmem_shared>>) target(%dma_start3A_31 : memref<632x64xf32, #tpu.memory_space<hbm>>) target_semaphore(%run_scoped3A : memref<!tpu.dma_semaphore, #tpu.memory_space<semaphore_mem>>)
      %dma_wait3A = arith.constant 0 : i32
      %dma_wait3A_34 = tpu.memref_slice %arg9[%arg0, %mul3A_2, %dma_wait3A] : memref<2x10240x64xf32, #tpu.memory_space<hbm>> -> memref<1x632x64xf32, #tpu.memory_space<hbm>>
      %dma_wait3A_35 = tpu.memref_squeeze %dma_wait3A_34 : memref<1x632x64xf32, #tpu.memory_space<hbm>> -> memref<632x64xf32, #tpu.memory_space<hbm>>
      %dma_wait3A_36 = arith.constant 0 : i32
      %dma_wait3A_37 = tpu.memref_slice %arg15[%mul3A_2, %dma_wait3A_36] : memref<10112x64xf32, #tpu.memory_space<vmem_shared>> -> memref<632x64xf32, #tpu.memory_space<vmem_shared>>
      tpu.wait_dma2 semaphore(%run_scoped3A : memref<!tpu.dma_semaphore, #tpu.memory_space<semaphore_mem>>) src(%dma_wait3A_37 : memref<632x64xf32, #tpu.memory_space<vmem_shared>>) dst(%dma_wait3A_35 : memref<632x64xf32, #tpu.memory_space<hbm>>)
      tpu.yield
    }) : () -> ()
    %eq3A = arith.constant 15 : i32
    %eq3A_28 = arith.cmpi eq, %arg1, %eq3A : i32
    %convert_element_type3A = arith.extui %eq3A_28 : i1 to i32
    %cond3A = arith.constant 0 : i32
    %cond3A_29 = arith.cmpi ne, %convert_element_type3A, %cond3A : i32
    scf.if %cond3A_29 {
      "tpu.region"() ({
        %run_scoped3A = tpu.sem_alloc : memref<!tpu.dma_semaphore, #tpu.memory_space<semaphore_mem>>
        %dma_start3A = arith.constant 0 : i32
        %dma_start3A_30 = arith.constant 0 : i32
        %dma_start3A_31 = tpu.memref_slice %arg13[%dma_start3A, %dma_start3A_30] : memref<632x64xf32, #tpu.memory_space<vmem>> -> memref<128x64xf32, #tpu.memory_space<vmem>>
        %dma_start3A_32 = arith.constant 10112 : i32
        %dma_start3A_33 = arith.constant 0 : i32
        %dma_start3A_34 = tpu.memref_slice %arg8[%arg0, %dma_start3A_32, %dma_start3A_33] : memref<2x10240x64xf32, #tpu.memory_space<hbm>> -> memref<1x128x64xf32, #tpu.memory_space<hbm>>
        %dma_start3A_35 = tpu.memref_squeeze %dma_start3A_34 : memref<1x128x64xf32, #tpu.memory_space<hbm>> -> memref<128x64xf32, #tpu.memory_space<hbm>>
        %dma_start3A_36 = arith.constant 10112 : i32
        %dma_start3A_37 = arith.constant 0 : i32
        %dma_start3A_38 = tpu.memref_slice %arg8[%arg0, %dma_start3A_36, %dma_start3A_37] : memref<2x10240x64xf32, #tpu.memory_space<hbm>> -> memref<1x128x64xf32, #tpu.memory_space<hbm>>
        %dma_start3A_39 = tpu.memref_squeeze %dma_start3A_38 : memref<1x128x64xf32, #tpu.memory_space<hbm>> -> memref<128x64xf32, #tpu.memory_space<hbm>>
        %dma_start3A_40 = arith.constant 0 : i32
        %dma_start3A_41 = arith.constant 0 : i32
        %dma_start3A_42 = tpu.memref_slice %arg13[%dma_start3A_40, %dma_start3A_41] : memref<632x64xf32, #tpu.memory_space<vmem>> -> memref<128x64xf32, #tpu.memory_space<vmem>>
        tpu.enqueue_dma source(%dma_start3A_42 : memref<128x64xf32, #tpu.memory_space<vmem>>) target(%dma_start3A_39 : memref<128x64xf32, #tpu.memory_space<hbm>>) target_semaphore(%run_scoped3A : memref<!tpu.dma_semaphore, #tpu.memory_space<semaphore_mem>>)
        %dma_wait3A = arith.constant 0 : i32
        %dma_wait3A_43 = arith.constant 0 : i32
        %dma_wait3A_44 = tpu.memref_slice %arg13[%dma_wait3A, %dma_wait3A_43] : memref<632x64xf32, #tpu.memory_space<vmem>> -> memref<128x64xf32, #tpu.memory_space<vmem>>
        %dma_wait3A_45 = arith.constant 10112 : i32
        %dma_wait3A_46 = arith.constant 0 : i32
        %dma_wait3A_47 = tpu.memref_slice %arg8[%arg0, %dma_wait3A_45, %dma_wait3A_46] : memref<2x10240x64xf32, #tpu.memory_space<hbm>> -> memref<1x128x64xf32, #tpu.memory_space<hbm>>
        %dma_wait3A_48 = tpu.memref_squeeze %dma_wait3A_47 : memref<1x128x64xf32, #tpu.memory_space<hbm>> -> memref<128x64xf32, #tpu.memory_space<hbm>>
        %dma_wait3A_49 = arith.constant 10112 : i32
        %dma_wait3A_50 = arith.constant 0 : i32
        %dma_wait3A_51 = tpu.memref_slice %arg8[%arg0, %dma_wait3A_49, %dma_wait3A_50] : memref<2x10240x64xf32, #tpu.memory_space<hbm>> -> memref<1x128x64xf32, #tpu.memory_space<hbm>>
        %dma_wait3A_52 = tpu.memref_squeeze %dma_wait3A_51 : memref<1x128x64xf32, #tpu.memory_space<hbm>> -> memref<128x64xf32, #tpu.memory_space<hbm>>
        %dma_wait3A_53 = arith.constant 0 : i32
        %dma_wait3A_54 = arith.constant 0 : i32
        %dma_wait3A_55 = tpu.memref_slice %arg13[%dma_wait3A_53, %dma_wait3A_54] : memref<632x64xf32, #tpu.memory_space<vmem>> -> memref<128x64xf32, #tpu.memory_space<vmem>>
        tpu.wait_dma2 semaphore(%run_scoped3A : memref<!tpu.dma_semaphore, #tpu.memory_space<semaphore_mem>>) src(%dma_wait3A_55 : memref<128x64xf32, #tpu.memory_space<vmem>>) dst(%dma_wait3A_52 : memref<128x64xf32, #tpu.memory_space<hbm>>)
        tpu.yield
      }) : () -> ()
      "tpu.region"() ({
        %run_scoped3A = tpu.sem_alloc : memref<!tpu.dma_semaphore, #tpu.memory_space<semaphore_mem>>
        %dma_start3A = arith.constant 0 : i32
        %dma_start3A_30 = arith.constant 0 : i32
        %dma_start3A_31 = tpu.memref_slice %arg13[%dma_start3A, %dma_start3A_30] : memref<632x64xf32, #tpu.memory_space<vmem>> -> memref<128x64xf32, #tpu.memory_space<vmem>>
        %dma_start3A_32 = arith.constant 10112 : i32
        %dma_start3A_33 = arith.constant 0 : i32
        %dma_start3A_34 = tpu.memref_slice %arg9[%arg0, %dma_start3A_32, %dma_start3A_33] : memref<2x10240x64xf32, #tpu.memory_space<hbm>> -> memref<1x128x64xf32, #tpu.memory_space<hbm>>
        %dma_start3A_35 = tpu.memref_squeeze %dma_start3A_34 : memref<1x128x64xf32, #tpu.memory_space<hbm>> -> memref<128x64xf32, #tpu.memory_space<hbm>>
        %dma_start3A_36 = arith.constant 10112 : i32
        %dma_start3A_37 = arith.constant 0 : i32
        %dma_start3A_38 = tpu.memref_slice %arg9[%arg0, %dma_start3A_36, %dma_start3A_37] : memref<2x10240x64xf32, #tpu.memory_space<hbm>> -> memref<1x128x64xf32, #tpu.memory_space<hbm>>
        %dma_start3A_39 = tpu.memref_squeeze %dma_start3A_38 : memref<1x128x64xf32, #tpu.memory_space<hbm>> -> memref<128x64xf32, #tpu.memory_space<hbm>>
        %dma_start3A_40 = arith.constant 0 : i32
        %dma_start3A_41 = arith.constant 0 : i32
        %dma_start3A_42 = tpu.memref_slice %arg13[%dma_start3A_40, %dma_start3A_41] : memref<632x64xf32, #tpu.memory_space<vmem>> -> memref<128x64xf32, #tpu.memory_space<vmem>>
        tpu.enqueue_dma source(%dma_start3A_42 : memref<128x64xf32, #tpu.memory_space<vmem>>) target(%dma_start3A_39 : memref<128x64xf32, #tpu.memory_space<hbm>>) target_semaphore(%run_scoped3A : memref<!tpu.dma_semaphore, #tpu.memory_space<semaphore_mem>>)
        %dma_wait3A = arith.constant 0 : i32
        %dma_wait3A_43 = arith.constant 0 : i32
        %dma_wait3A_44 = tpu.memref_slice %arg13[%dma_wait3A, %dma_wait3A_43] : memref<632x64xf32, #tpu.memory_space<vmem>> -> memref<128x64xf32, #tpu.memory_space<vmem>>
        %dma_wait3A_45 = arith.constant 10112 : i32
        %dma_wait3A_46 = arith.constant 0 : i32
        %dma_wait3A_47 = tpu.memref_slice %arg9[%arg0, %dma_wait3A_45, %dma_wait3A_46] : memref<2x10240x64xf32, #tpu.memory_space<hbm>> -> memref<1x128x64xf32, #tpu.memory_space<hbm>>
        %dma_wait3A_48 = tpu.memref_squeeze %dma_wait3A_47 : memref<1x128x64xf32, #tpu.memory_space<hbm>> -> memref<128x64xf32, #tpu.memory_space<hbm>>
        %dma_wait3A_49 = arith.constant 10112 : i32
        %dma_wait3A_50 = arith.constant 0 : i32
        %dma_wait3A_51 = tpu.memref_slice %arg9[%arg0, %dma_wait3A_49, %dma_wait3A_50] : memref<2x10240x64xf32, #tpu.memory_space<hbm>> -> memref<1x128x64xf32, #tpu.memory_space<hbm>>
        %dma_wait3A_52 = tpu.memref_squeeze %dma_wait3A_51 : memref<1x128x64xf32, #tpu.memory_space<hbm>> -> memref<128x64xf32, #tpu.memory_space<hbm>>
        %dma_wait3A_53 = arith.constant 0 : i32
        %dma_wait3A_54 = arith.constant 0 : i32
        %dma_wait3A_55 = tpu.memref_slice %arg13[%dma_wait3A_53, %dma_wait3A_54] : memref<632x64xf32, #tpu.memory_space<vmem>> -> memref<128x64xf32, #tpu.memory_space<vmem>>
        tpu.wait_dma2 semaphore(%run_scoped3A : memref<!tpu.dma_semaphore, #tpu.memory_space<semaphore_mem>>) src(%dma_wait3A_55 : memref<128x64xf32, #tpu.memory_space<vmem>>) dst(%dma_wait3A_52 : memref<128x64xf32, #tpu.memory_space<hbm>>)
        tpu.yield
      }) : () -> ()
    } else {
    }
    return
  }
}

module attributes {stable_mosaic.version = 14 : i64} {
  func.func @_invs_body(%arg0: i32, %arg1: memref<2x4x1024x16xf32, #tpu.memory_space<vmem>>, %arg2: memref<1024x1xf32, #tpu.memory_space<vmem>>, %arg3: memref<1024x1xf32, #tpu.memory_space<vmem>>, %arg4: memref<1024x1xf32, #tpu.memory_space<vmem>>, %arg5: memref<1024x1xf32, #tpu.memory_space<vmem>>, %arg6: memref<1024x1xf32, #tpu.memory_space<vmem>>) attributes {dimension_semantics = [#tpu.dimension_semantics<arbitrary>], iteration_bounds = array<i64: 10>, scalar_prefetch = 0 : i64, scratch_operands = 0 : i64, tpu.core_type = #tpu.core_type<tc>, window_params = [{transform_indices = @transform_0, window_bounds = array<i64: 2, 4, 1024, 16>}, {transform_indices = @transform_1, window_bounds = array<i64: 1024, 1>}, {transform_indices = @transform_2, window_bounds = array<i64: 1024, 1>}, {transform_indices = @transform_3, window_bounds = array<i64: 1024, 1>}, {transform_indices = @transform_4, window_bounds = array<i64: 1024, 1>}, {transform_indices = @transform_5, window_bounds = array<i64: 1024, 1>}]} {
    %get3A = arith.constant 0 : index
    %get3A_0 = arith.constant 0 : index
    %get3A_1 = arith.constant 0 : index
    %get3A_2 = arith.constant 0 : index
    %get3A_3 = vector.load %arg1[%get3A, %get3A_0, %get3A_1, %get3A_2] : memref<2x4x1024x16xf32, #tpu.memory_space<vmem>>, vector<2x4x1024x16xf32>
    %slice3A = vector.extract_strided_slice %get3A_3 {offsets = [0, 0, 0, 0], sizes = [1, 1, 1024, 16], strides = [1, 1, 1, 1]} : vector<2x4x1024x16xf32> to vector<1x1x1024x16xf32>
    %squeeze3A = vector.shape_cast %slice3A : vector<1x1x1024x16xf32> to vector<1024x16xf32>
    %slice3A_4 = vector.extract_strided_slice %get3A_3 {offsets = [1, 0, 0, 0], sizes = [1, 1, 1024, 16], strides = [1, 1, 1, 1]} : vector<2x4x1024x16xf32> to vector<1x1x1024x16xf32>
    %squeeze3A_5 = vector.shape_cast %slice3A_4 : vector<1x1x1024x16xf32> to vector<1024x16xf32>
    %add3A = arith.addf %squeeze3A, %squeeze3A_5 : vector<1024x16xf32>
    %slice3A_6 = vector.extract_strided_slice %add3A {offsets = [0, 0], sizes = [1024, 1], strides = [1, 1]} : vector<1024x16xf32> to vector<1024x1xf32>
    %slice3A_7 = vector.extract_strided_slice %get3A_3 {offsets = [0, 1, 0, 0], sizes = [1, 1, 1024, 16], strides = [1, 1, 1, 1]} : vector<2x4x1024x16xf32> to vector<1x1x1024x16xf32>
    %squeeze3A_8 = vector.shape_cast %slice3A_7 : vector<1x1x1024x16xf32> to vector<1024x16xf32>
    %slice3A_9 = vector.extract_strided_slice %get3A_3 {offsets = [1, 1, 0, 0], sizes = [1, 1, 1024, 16], strides = [1, 1, 1, 1]} : vector<2x4x1024x16xf32> to vector<1x1x1024x16xf32>
    %squeeze3A_10 = vector.shape_cast %slice3A_9 : vector<1x1x1024x16xf32> to vector<1024x16xf32>
    %add3A_11 = arith.addf %squeeze3A_8, %squeeze3A_10 : vector<1024x16xf32>
    %slice3A_12 = vector.extract_strided_slice %add3A_11 {offsets = [0, 0], sizes = [1024, 1], strides = [1, 1]} : vector<1024x16xf32> to vector<1024x1xf32>
    %slice3A_13 = vector.extract_strided_slice %get3A_3 {offsets = [0, 2, 0, 0], sizes = [1, 1, 1024, 16], strides = [1, 1, 1, 1]} : vector<2x4x1024x16xf32> to vector<1x1x1024x16xf32>
    %squeeze3A_14 = vector.shape_cast %slice3A_13 : vector<1x1x1024x16xf32> to vector<1024x16xf32>
    %slice3A_15 = vector.extract_strided_slice %get3A_3 {offsets = [1, 2, 0, 0], sizes = [1, 1, 1024, 16], strides = [1, 1, 1, 1]} : vector<2x4x1024x16xf32> to vector<1x1x1024x16xf32>
    %squeeze3A_16 = vector.shape_cast %slice3A_15 : vector<1x1x1024x16xf32> to vector<1024x16xf32>
    %add3A_17 = arith.addf %squeeze3A_14, %squeeze3A_16 : vector<1024x16xf32>
    %slice3A_18 = vector.extract_strided_slice %add3A_17 {offsets = [0, 0], sizes = [1024, 1], strides = [1, 1]} : vector<1024x16xf32> to vector<1024x1xf32>
    %slice3A_19 = vector.extract_strided_slice %get3A_3 {offsets = [0, 3, 0, 0], sizes = [1, 1, 1024, 16], strides = [1, 1, 1, 1]} : vector<2x4x1024x16xf32> to vector<1x1x1024x16xf32>
    %squeeze3A_20 = vector.shape_cast %slice3A_19 : vector<1x1x1024x16xf32> to vector<1024x16xf32>
    %slice3A_21 = vector.extract_strided_slice %get3A_3 {offsets = [1, 3, 0, 0], sizes = [1, 1, 1024, 16], strides = [1, 1, 1, 1]} : vector<2x4x1024x16xf32> to vector<1x1x1024x16xf32>
    %squeeze3A_22 = vector.shape_cast %slice3A_21 : vector<1x1x1024x16xf32> to vector<1024x16xf32>
    %add3A_23 = arith.addf %squeeze3A_20, %squeeze3A_22 : vector<1024x16xf32>
    %slice3A_24 = vector.extract_strided_slice %add3A_23 {offsets = [0, 0], sizes = [1024, 1], strides = [1, 1]} : vector<1024x16xf32> to vector<1024x1xf32>
    %add3A_25 = arith.constant 1.000000e+00 : f32
    %add3A_26 = vector.broadcast %add3A_25 : f32 to vector<1024x1xf32>
    %add3A_27 = arith.addf %slice3A_6, %add3A_26 : vector<1024x1xf32>
    %rsqrt3A = math.rsqrt %add3A_27 : vector<1024x1xf32>
    %add3A_28 = arith.constant 1.000000e+00 : f32
    %add3A_29 = vector.broadcast %add3A_28 : f32 to vector<1024x1xf32>
    %add3A_30 = arith.addf %slice3A_12, %add3A_29 : vector<1024x1xf32>
    %rsqrt3A_31 = math.rsqrt %add3A_30 : vector<1024x1xf32>
    %gt3A = arith.constant 0.000000e+00 : f32
    %gt3A_32 = vector.broadcast %gt3A : f32 to vector<1024x1xf32>
    %gt3A_33 = arith.cmpf ogt, %slice3A_18, %gt3A_32 : vector<1024x1xf32>
    %max3A = arith.constant 1.000000e+00 : f32
    %max3A_34 = vector.broadcast %max3A : f32 to vector<1024x1xf32>
    %max3A_35 = arith.maximumf %slice3A_18, %max3A_34 : vector<1024x1xf32>
    %rsqrt3A_36 = math.rsqrt %max3A_35 : vector<1024x1xf32>
    %jit3A = arith.constant 0.000000e+00 : f32
    %broadcast_in_dim3A = vector.broadcast %jit3A : f32 to vector<1024x1xf32>
    %select_n3A = arith.select %gt3A_33, %rsqrt3A_36, %broadcast_in_dim3A : vector<1024x1xi1>, vector<1024x1xf32>
    %swap3A = arith.constant 0 : index
    %swap3A_37 = arith.constant 0 : index
    %swap3A_38 = vector.load %arg4[%swap3A, %swap3A_37] : memref<1024x1xf32, #tpu.memory_space<vmem>>, vector<1024x1xf32>
    tpu.vector_store %arg4[%swap3A, %swap3A_37], %select_n3A {strides = array<i32>} : memref<1024x1xf32, #tpu.memory_space<vmem>>, vector<1024x1xf32>,
    %gt3A_39 = arith.constant 0.000000e+00 : f32
    %gt3A_40 = vector.broadcast %gt3A_39 : f32 to vector<1024x1xf32>
    %gt3A_41 = arith.cmpf ogt, %slice3A_24, %gt3A_40 : vector<1024x1xf32>
    %max3A_42 = arith.constant 1.000000e+00 : f32
    %max3A_43 = vector.broadcast %max3A_42 : f32 to vector<1024x1xf32>
    %max3A_44 = arith.maximumf %slice3A_24, %max3A_43 : vector<1024x1xf32>
    %rsqrt3A_45 = math.rsqrt %max3A_44 : vector<1024x1xf32>
    %jit3A_46 = arith.constant 0.000000e+00 : f32
    %broadcast_in_dim3A_47 = vector.broadcast %jit3A_46 : f32 to vector<1024x1xf32>
    %select_n3A_48 = arith.select %gt3A_41, %rsqrt3A_45, %broadcast_in_dim3A_47 : vector<1024x1xi1>, vector<1024x1xf32>
    %swap3A_49 = arith.constant 0 : index
    %swap3A_50 = arith.constant 0 : index
    %swap3A_51 = vector.load %arg5[%swap3A_49, %swap3A_50] : memref<1024x1xf32, #tpu.memory_space<vmem>>, vector<1024x1xf32>
    tpu.vector_store %arg5[%swap3A_49, %swap3A_50], %select_n3A_48 {strides = array<i32>} : memref<1024x1xf32, #tpu.memory_space<vmem>>, vector<1024x1xf32>,
    %swap3A_52 = arith.constant 0 : index
    %swap3A_53 = arith.constant 0 : index
    %swap3A_54 = vector.load %arg2[%swap3A_52, %swap3A_53] : memref<1024x1xf32, #tpu.memory_space<vmem>>, vector<1024x1xf32>
    tpu.vector_store %arg2[%swap3A_52, %swap3A_53], %rsqrt3A {strides = array<i32>} : memref<1024x1xf32, #tpu.memory_space<vmem>>, vector<1024x1xf32>,
    %swap3A_55 = arith.constant 0 : index
    %swap3A_56 = arith.constant 0 : index
    %swap3A_57 = vector.load %arg3[%swap3A_55, %swap3A_56] : memref<1024x1xf32, #tpu.memory_space<vmem>>, vector<1024x1xf32>
    tpu.vector_store %arg3[%swap3A_55, %swap3A_56], %rsqrt3A_31 {strides = array<i32>} : memref<1024x1xf32, #tpu.memory_space<vmem>>, vector<1024x1xf32>,
    %mul3A = arith.mulf %rsqrt3A, %rsqrt3A_31 : vector<1024x1xf32>
    %swap3A_58 = arith.constant 0 : index
    %swap3A_59 = arith.constant 0 : index
    %swap3A_60 = vector.load %arg6[%swap3A_58, %swap3A_59] : memref<1024x1xf32, #tpu.memory_space<vmem>>, vector<1024x1xf32>
    tpu.vector_store %arg6[%swap3A_58, %swap3A_59], %mul3A {strides = array<i32>} : memref<1024x1xf32, #tpu.memory_space<vmem>>, vector<1024x1xf32>,
    return
  }
  func.func @transform_0(%arg0: i32) -> (i32, i32, i32, i32) {
    %c0_i32 = arith.constant 0 : i32
    %c0_i32_0 = arith.constant 0 : i32
    %c0_i32_1 = arith.constant 0 : i32
    %c0_i32_2 = arith.constant 0 : i32
    return %c0_i32, %c0_i32_0, %arg0, %c0_i32_1 : i32, i32, i32, i32
  }
  func.func @transform_1(%arg0: i32) -> (i32, i32) {
    %c0_i32 = arith.constant 0 : i32
    %c0_i32_0 = arith.constant 0 : i32
    return %arg0, %c0_i32 : i32, i32
  }
  func.func @transform_2(%arg0: i32) -> (i32, i32) {
    %c0_i32 = arith.constant 0 : i32
    %c0_i32_0 = arith.constant 0 : i32
    return %arg0, %c0_i32 : i32, i32
  }
  func.func @transform_3(%arg0: i32) -> (i32, i32) {
    %c0_i32 = arith.constant 0 : i32
    %c0_i32_0 = arith.constant 0 : i32
    return %arg0, %c0_i32 : i32, i32
  }
  func.func @transform_4(%arg0: i32) -> (i32, i32) {
    %c0_i32 = arith.constant 0 : i32
    %c0_i32_0 = arith.constant 0 : i32
    return %arg0, %c0_i32 : i32, i32
  }
  func.func @transform_5(%arg0: i32) -> (i32, i32) {
    %c0_i32 = arith.constant 0 : i32
    %c0_i32_0 = arith.constant 0 : i32
    return %arg0, %c0_i32 : i32, i32
  }
}

module attributes {stable_mosaic.version = 14 : i64} {
  func.func @_kA_body(%arg0: i32, %arg1: memref<1024x128xf32, #tpu.memory_space<vmem>>, %arg2: memref<128x64xf32, #tpu.memory_space<vmem>>, %arg3: memref<128x64xf32, #tpu.memory_space<vmem>>, %arg4: memref<128x64xf32, #tpu.memory_space<vmem>>, %arg5: memref<1x64xf32, #tpu.memory_space<vmem>>, %arg6: memref<1x64xf32, #tpu.memory_space<vmem>>, %arg7: memref<1024x1xf32, #tpu.memory_space<vmem>>, %arg8: memref<1024x1xf32, #tpu.memory_space<vmem>>, %arg9: memref<1024x64xf32, #tpu.memory_space<vmem>>, %arg10: memref<1024x64xf32, #tpu.memory_space<vmem>>, %arg11: memref<1024x64xf32, #tpu.memory_space<vmem>>, %arg12: memref<1024x64xf32, #tpu.memory_space<vmem>>, %arg13: memref<1024x64xf32, #tpu.memory_space<vmem>>) attributes {dimension_semantics = [#tpu.dimension_semantics<arbitrary>], iteration_bounds = array<i64: 10>, scalar_prefetch = 0 : i64, scratch_operands = 0 : i64, tpu.core_type = #tpu.core_type<tc>, window_params = [{transform_indices = @transform_0, window_bounds = array<i64: 1024, 128>}, {pipeline_mode = #tpu.pipeline_mode<synchronous>, transform_indices = @transform_1, window_bounds = array<i64: 128, 64>}, {pipeline_mode = #tpu.pipeline_mode<synchronous>, transform_indices = @transform_2, window_bounds = array<i64: 128, 64>}, {pipeline_mode = #tpu.pipeline_mode<synchronous>, transform_indices = @transform_3, window_bounds = array<i64: 128, 64>}, {pipeline_mode = #tpu.pipeline_mode<synchronous>, transform_indices = @transform_4, window_bounds = array<i64: 1, 64>}, {pipeline_mode = #tpu.pipeline_mode<synchronous>, transform_indices = @transform_5, window_bounds = array<i64: 1, 64>}, {transform_indices = @transform_6, window_bounds = array<i64: 1024, 1>}, {transform_indices = @transform_7, window_bounds = array<i64: 1024, 1>}, {transform_indices = @transform_8, window_bounds = array<i64: 1024, 64>}, {transform_indices = @transform_9, window_bounds = array<i64: 1024, 64>}, {transform_indices = @transform_10, window_bounds = array<i64: 1024, 64>}, {transform_indices = @transform_11, window_bounds = array<i64: 1024, 64>}, {transform_indices = @transform_12, window_bounds = array<i64: 1024, 64>}]} {
    %get3A = arith.constant 0 : index
    %get3A_0 = arith.constant 0 : index
    %get3A_1 = vector.load %arg1[%get3A, %get3A_0] : memref<1024x128xf32, #tpu.memory_space<vmem>>, vector<1024x128xf32>
    %get3A_2 = arith.constant 0 : index
    %get3A_3 = arith.constant 0 : index
    %get3A_4 = vector.load %arg2[%get3A_2, %get3A_3] : memref<128x64xf32, #tpu.memory_space<vmem>>, vector<128x64xf32>
    %dot_general3A = arith.constant dense<0.000000e+00> : vector<1024x64xf32>
    %dot_general3A_5 = tpu.matmul %get3A_1, %get3A_4, %dot_general3A {dimension_numbers = #tpu.dot_dimension_numbers<[1], [0], [0], [1], [0, 0, 1, 1], [], []>, transpose_lhs_hint = false} : vector<1024x128xf32>, vector<128x64xf32>, vector<1024x64xf32> -> vector<1024x64xf32>
    %get3A_6 = arith.constant 0 : index
    %get3A_7 = arith.constant 0 : index
    %get3A_8 = vector.load %arg3[%get3A_6, %get3A_7] : memref<128x64xf32, #tpu.memory_space<vmem>>, vector<128x64xf32>
    %dot_general3A_9 = arith.constant dense<0.000000e+00> : vector<1024x64xf32>
    %dot_general3A_10 = tpu.matmul %get3A_1, %get3A_8, %dot_general3A_9 {dimension_numbers = #tpu.dot_dimension_numbers<[1], [0], [0], [1], [0, 0, 1, 1], [], []>, transpose_lhs_hint = false} : vector<1024x128xf32>, vector<128x64xf32>, vector<1024x64xf32> -> vector<1024x64xf32>
    %get3A_11 = arith.constant 0 : index
    %get3A_12 = arith.constant 0 : index
    %get3A_13 = vector.load %arg5[%get3A_11, %get3A_12] : memref<1x64xf32, #tpu.memory_space<vmem>>, vector<1x64xf32>
    %add3A = vector.broadcast %get3A_13 : vector<1x64xf32> to vector<1024x64xf32>
    %add3A_14 = arith.addf %dot_general3A_10, %add3A : vector<1024x64xf32>
    %logistic3A = arith.negf %add3A_14 : vector<1024x64xf32>
    %logistic3A_15 = math.exp %logistic3A : vector<1024x64xf32>
    %logistic3A_16 = arith.constant 1.000000e+00 : f32
    %logistic3A_17 = vector.broadcast %logistic3A_16 : f32 to vector<1024x64xf32>
    %logistic3A_18 = arith.addf %logistic3A_17, %logistic3A_15 : vector<1024x64xf32>
    %logistic3A_19 = arith.divf %logistic3A_17, %logistic3A_18 : vector<1024x64xf32>
    %get3A_20 = arith.constant 0 : index
    %get3A_21 = arith.constant 0 : index
    %get3A_22 = vector.load %arg4[%get3A_20, %get3A_21] : memref<128x64xf32, #tpu.memory_space<vmem>>, vector<128x64xf32>
    %dot_general3A_23 = arith.constant dense<0.000000e+00> : vector<1024x64xf32>
    %dot_general3A_24 = tpu.matmul %get3A_1, %get3A_22, %dot_general3A_23 {dimension_numbers = #tpu.dot_dimension_numbers<[1], [0], [0], [1], [0, 0, 1, 1], [], []>, transpose_lhs_hint = false} : vector<1024x128xf32>, vector<128x64xf32>, vector<1024x64xf32> -> vector<1024x64xf32>
    %get3A_25 = arith.constant 0 : index
    %get3A_26 = arith.constant 0 : index
    %get3A_27 = vector.load %arg6[%get3A_25, %get3A_26] : memref<1x64xf32, #tpu.memory_space<vmem>>, vector<1x64xf32>
    %add3A_28 = vector.broadcast %get3A_27 : vector<1x64xf32> to vector<1024x64xf32>
    %add3A_29 = arith.addf %dot_general3A_24, %add3A_28 : vector<1024x64xf32>
    %swap3A = arith.constant 0 : index
    %swap3A_30 = arith.constant 0 : index
    %swap3A_31 = vector.load %arg9[%swap3A, %swap3A_30] : memref<1024x64xf32, #tpu.memory_space<vmem>>, vector<1024x64xf32>
    tpu.vector_store %arg9[%swap3A, %swap3A_30], %dot_general3A_5 {strides = array<i32>} : memref<1024x64xf32, #tpu.memory_space<vmem>>, vector<1024x64xf32>,
    %get3A_32 = arith.constant 0 : index
    %get3A_33 = arith.constant 0 : index
    %get3A_34 = vector.load %arg7[%get3A_32, %get3A_33] : memref<1024x1xf32, #tpu.memory_space<vmem>>, vector<1024x1xf32>
    %mul3A = vector.broadcast %get3A_34 : vector<1024x1xf32> to vector<1024x64xf32>
    %mul3A_35 = arith.mulf %dot_general3A_5, %mul3A : vector<1024x64xf32>
    %swap3A_36 = arith.constant 0 : index
    %swap3A_37 = arith.constant 0 : index
    %swap3A_38 = vector.load %arg10[%swap3A_36, %swap3A_37] : memref<1024x64xf32, #tpu.memory_space<vmem>>, vector<1024x64xf32>
    tpu.vector_store %arg10[%swap3A_36, %swap3A_37], %mul3A_35 {strides = array<i32>} : memref<1024x64xf32, #tpu.memory_space<vmem>>, vector<1024x64xf32>,
    %get3A_39 = arith.constant 0 : index
    %get3A_40 = arith.constant 0 : index
    %get3A_41 = vector.load %arg8[%get3A_39, %get3A_40] : memref<1024x1xf32, #tpu.memory_space<vmem>>, vector<1024x1xf32>
    %mul3A_42 = vector.broadcast %get3A_41 : vector<1024x1xf32> to vector<1024x64xf32>
    %mul3A_43 = arith.mulf %dot_general3A_5, %mul3A_42 : vector<1024x64xf32>
    %swap3A_44 = arith.constant 0 : index
    %swap3A_45 = arith.constant 0 : index
    %swap3A_46 = vector.load %arg11[%swap3A_44, %swap3A_45] : memref<1024x64xf32, #tpu.memory_space<vmem>>, vector<1024x64xf32>
    tpu.vector_store %arg11[%swap3A_44, %swap3A_45], %mul3A_43 {strides = array<i32>} : memref<1024x64xf32, #tpu.memory_space<vmem>>, vector<1024x64xf32>,
    %swap3A_47 = arith.constant 0 : index
    %swap3A_48 = arith.constant 0 : index
    %swap3A_49 = vector.load %arg12[%swap3A_47, %swap3A_48] : memref<1024x64xf32, #tpu.memory_space<vmem>>, vector<1024x64xf32>
    tpu.vector_store %arg12[%swap3A_47, %swap3A_48], %logistic3A_19 {strides = array<i32>} : memref<1024x64xf32, #tpu.memory_space<vmem>>, vector<1024x64xf32>,
    %swap3A_50 = arith.constant 0 : index
    %swap3A_51 = arith.constant 0 : index
    %swap3A_52 = vector.load %arg13[%swap3A_50, %swap3A_51] : memref<1024x64xf32, #tpu.memory_space<vmem>>, vector<1024x64xf32>
    tpu.vector_store %arg13[%swap3A_50, %swap3A_51], %add3A_29 {strides = array<i32>} : memref<1024x64xf32, #tpu.memory_space<vmem>>, vector<1024x64xf32>,
    return
  }
  func.func @transform_0(%arg0: i32) -> (i32, i32) {
    %c0_i32 = arith.constant 0 : i32
    %c0_i32_0 = arith.constant 0 : i32
    return %arg0, %c0_i32 : i32, i32
  }
  func.func @transform_1(%arg0: i32) -> (i32, i32) {
    %c0_i32 = arith.constant 0 : i32
    %c0_i32_0 = arith.constant 0 : i32
    %c0_i32_1 = arith.constant 0 : i32
    return %c0_i32, %c0_i32_0 : i32, i32
  }
  func.func @transform_2(%arg0: i32) -> (i32, i32) {
    %c0_i32 = arith.constant 0 : i32
    %c0_i32_0 = arith.constant 0 : i32
    %c0_i32_1 = arith.constant 0 : i32
    return %c0_i32, %c0_i32_0 : i32, i32
  }
  func.func @transform_3(%arg0: i32) -> (i32, i32) {
    %c0_i32 = arith.constant 0 : i32
    %c0_i32_0 = arith.constant 0 : i32
    %c0_i32_1 = arith.constant 0 : i32
    return %c0_i32, %c0_i32_0 : i32, i32
  }
  func.func @transform_4(%arg0: i32) -> (i32, i32) {
    %c0_i32 = arith.constant 0 : i32
    %c0_i32_0 = arith.constant 0 : i32
    %c0_i32_1 = arith.constant 0 : i32
    return %c0_i32, %c0_i32_0 : i32, i32
  }
  func.func @transform_5(%arg0: i32) -> (i32, i32) {
    %c0_i32 = arith.constant 0 : i32
    %c0_i32_0 = arith.constant 0 : i32
    %c0_i32_1 = arith.constant 0 : i32
    return %c0_i32, %c0_i32_0 : i32, i32
  }
  func.func @transform_6(%arg0: i32) -> (i32, i32) {
    %c0_i32 = arith.constant 0 : i32
    %c0_i32_0 = arith.constant 0 : i32
    return %arg0, %c0_i32 : i32, i32
  }
  func.func @transform_7(%arg0: i32) -> (i32, i32) {
    %c0_i32 = arith.constant 0 : i32
    %c0_i32_0 = arith.constant 0 : i32
    return %arg0, %c0_i32 : i32, i32
  }
  func.func @transform_8(%arg0: i32) -> (i32, i32) {
    %c0_i32 = arith.constant 0 : i32
    %c0_i32_0 = arith.constant 0 : i32
    return %arg0, %c0_i32 : i32, i32
  }
  func.func @transform_9(%arg0: i32) -> (i32, i32) {
    %c0_i32 = arith.constant 0 : i32
    %c0_i32_0 = arith.constant 0 : i32
    return %arg0, %c0_i32 : i32, i32
  }
  func.func @transform_10(%arg0: i32) -> (i32, i32) {
    %c0_i32 = arith.constant 0 : i32
    %c0_i32_0 = arith.constant 0 : i32
    return %arg0, %c0_i32 : i32, i32
  }
  func.func @transform_11(%arg0: i32) -> (i32, i32) {
    %c0_i32 = arith.constant 0 : i32
    %c0_i32_0 = arith.constant 0 : i32
    return %arg0, %c0_i32 : i32, i32
  }
  func.func @transform_12(%arg0: i32) -> (i32, i32) {
    %c0_i32 = arith.constant 0 : i32
    %c0_i32_0 = arith.constant 0 : i32
    return %arg0, %c0_i32 : i32, i32
  }
}

module attributes {stable_mosaic.version = 14 : i64} {
  func.func @_kBA_body(%arg0: i32, %arg1: memref<2x1024x64xf32, #tpu.memory_space<vmem>>, %arg2: memref<2x1024x64xf32, #tpu.memory_space<vmem>>, %arg3: memref<1024x64xf32, #tpu.memory_space<vmem>>, %arg4: memref<1024x64xf32, #tpu.memory_space<vmem>>, %arg5: memref<1024x64xf32, #tpu.memory_space<vmem>>, %arg6: memref<1024x1xf32, #tpu.memory_space<vmem>>, %arg7: memref<1024x1xf32, #tpu.memory_space<vmem>>, %arg8: memref<1024x1xf32, #tpu.memory_space<vmem>>, %arg9: memref<64x64xf32, #tpu.memory_space<vmem>>, %arg10: memref<64x64xf32, #tpu.memory_space<vmem>>, %arg11: memref<64x64xf32, #tpu.memory_space<vmem>>, %arg12: memref<1x64xf32, #tpu.memory_space<vmem>>, %arg13: memref<1x64xf32, #tpu.memory_space<vmem>>, %arg14: memref<1024x1xf32, #tpu.memory_space<vmem>>, %arg15: memref<1024x1xf32, #tpu.memory_space<vmem>>, %arg16: memref<1024x64xf32, #tpu.memory_space<vmem>>, %arg17: memref<1024x64xf32, #tpu.memory_space<vmem>>, %arg18: memref<1024x64xf32, #tpu.memory_space<vmem>>, %arg19: memref<1024x64xf32, #tpu.memory_space<vmem>>, %arg20: memref<1024x64xf32, #tpu.memory_space<vmem>>) attributes {dimension_semantics = [#tpu.dimension_semantics<arbitrary>], iteration_bounds = array<i64: 10>, scalar_prefetch = 0 : i64, scratch_operands = 0 : i64, tpu.core_type = #tpu.core_type<tc>, window_params = [{transform_indices = @transform_0, window_bounds = array<i64: 2, 1024, 64>}, {transform_indices = @transform_1, window_bounds = array<i64: 2, 1024, 64>}, {transform_indices = @transform_2, window_bounds = array<i64: 1024, 64>}, {transform_indices = @transform_3, window_bounds = array<i64: 1024, 64>}, {transform_indices = @transform_4, window_bounds = array<i64: 1024, 64>}, {transform_indices = @transform_5, window_bounds = array<i64: 1024, 1>}, {transform_indices = @transform_6, window_bounds = array<i64: 1024, 1>}, {transform_indices = @transform_7, window_bounds = array<i64: 1024, 1>}, {pipeline_mode = #tpu.pipeline_mode<synchronous>, transform_indices = @transform_8, window_bounds = array<i64: 64, 64>}, {pipeline_mode = #tpu.pipeline_mode<synchronous>, transform_indices = @transform_9, window_bounds = array<i64: 64, 64>}, {pipeline_mode = #tpu.pipeline_mode<synchronous>, transform_indices = @transform_10, window_bounds = array<i64: 64, 64>}, {pipeline_mode = #tpu.pipeline_mode<synchronous>, transform_indices = @transform_11, window_bounds = array<i64: 1, 64>}, {pipeline_mode = #tpu.pipeline_mode<synchronous>, transform_indices = @transform_12, window_bounds = array<i64: 1, 64>}, {transform_indices = @transform_13, window_bounds = array<i64: 1024, 1>}, {transform_indices = @transform_14, window_bounds = array<i64: 1024, 1>}, {transform_indices = @transform_15, window_bounds = array<i64: 1024, 64>}, {transform_indices = @transform_16, window_bounds = array<i64: 1024, 64>}, {transform_indices = @transform_17, window_bounds = array<i64: 1024, 64>}, {transform_indices = @transform_18, window_bounds = array<i64: 1024, 64>}, {transform_indices = @transform_19, window_bounds = array<i64: 1024, 64>}]} {
    %get3A = arith.constant 0 : index
    %get3A_0 = arith.constant 0 : index
    %get3A_1 = arith.constant 0 : index
    %get3A_2 = vector.load %arg1[%get3A, %get3A_0, %get3A_1] : memref<2x1024x64xf32, #tpu.memory_space<vmem>>, vector<1x1024x64xf32>
    %get3A_3 = vector.shape_cast %get3A_2 : vector<1x1024x64xf32> to vector<1024x64xf32>
    %get3A_4 = arith.constant 1 : index
    %get3A_5 = arith.constant 0 : index
    %get3A_6 = arith.constant 0 : index
    %get3A_7 = vector.load %arg1[%get3A_4, %get3A_5, %get3A_6] : memref<2x1024x64xf32, #tpu.memory_space<vmem>>, vector<1x1024x64xf32>
    %get3A_8 = vector.shape_cast %get3A_7 : vector<1x1024x64xf32> to vector<1024x64xf32>
    %add3A = arith.addf %get3A_3, %get3A_8 : vector<1024x64xf32>
    %get3A_9 = arith.constant 0 : index
    %get3A_10 = arith.constant 0 : index
    %get3A_11 = arith.constant 0 : index
    %get3A_12 = vector.load %arg2[%get3A_9, %get3A_10, %get3A_11] : memref<2x1024x64xf32, #tpu.memory_space<vmem>>, vector<1x1024x64xf32>
    %get3A_13 = vector.shape_cast %get3A_12 : vector<1x1024x64xf32> to vector<1024x64xf32>
    %get3A_14 = arith.constant 1 : index
    %get3A_15 = arith.constant 0 : index
    %get3A_16 = arith.constant 0 : index
    %get3A_17 = vector.load %arg2[%get3A_14, %get3A_15, %get3A_16] : memref<2x1024x64xf32, #tpu.memory_space<vmem>>, vector<1x1024x64xf32>
    %get3A_18 = vector.shape_cast %get3A_17 : vector<1x1024x64xf32> to vector<1024x64xf32>
    %add3A_19 = arith.addf %get3A_13, %get3A_18 : vector<1024x64xf32>
    %get3A_20 = arith.constant 0 : index
    %get3A_21 = arith.constant 0 : index
    %get3A_22 = vector.load %arg3[%get3A_20, %get3A_21] : memref<1024x64xf32, #tpu.memory_space<vmem>>, vector<1024x64xf32>
    %get3A_23 = arith.constant 0 : index
    %get3A_24 = arith.constant 0 : index
    %get3A_25 = vector.load %arg4[%get3A_23, %get3A_24] : memref<1024x64xf32, #tpu.memory_space<vmem>>, vector<1024x64xf32>
    %get3A_26 = arith.constant 0 : index
    %get3A_27 = arith.constant 0 : index
    %get3A_28 = vector.load %arg6[%get3A_26, %get3A_27] : memref<1024x1xf32, #tpu.memory_space<vmem>>, vector<1024x1xf32>
    %mul3A = vector.broadcast %get3A_28 : vector<1024x1xf32> to vector<1024x64xf32>
    %mul3A_29 = arith.mulf %mul3A, %add3A : vector<1024x64xf32>
    %get3A_30 = arith.constant 0 : index
    %get3A_31 = arith.constant 0 : index
    %get3A_32 = vector.load %arg8[%get3A_30, %get3A_31] : memref<1024x1xf32, #tpu.memory_space<vmem>>, vector<1024x1xf32>
    %mul3A_33 = vector.broadcast %get3A_32 : vector<1024x1xf32> to vector<1024x64xf32>
    %mul3A_34 = arith.mulf %mul3A_33, %get3A_22 : vector<1024x64xf32>
    %add3A_35 = arith.addf %mul3A_29, %mul3A_34 : vector<1024x64xf32>
    %get3A_36 = arith.constant 0 : index
    %get3A_37 = arith.constant 0 : index
    %get3A_38 = vector.load %arg7[%get3A_36, %get3A_37] : memref<1024x1xf32, #tpu.memory_space<vmem>>, vector<1024x1xf32>
    %mul3A_39 = vector.broadcast %get3A_38 : vector<1024x1xf32> to vector<1024x64xf32>
    %mul3A_40 = arith.mulf %mul3A_39, %add3A_19 : vector<1024x64xf32>
    %mul3A_41 = arith.mulf %get3A_25, %add3A_35 : vector<1024x64xf32>
    %sub3A = arith.constant 1.000000e+00 : f32
    %sub3A_42 = vector.broadcast %sub3A : f32 to vector<1024x64xf32>
    %sub3A_43 = arith.subf %sub3A_42, %get3A_25 : vector<1024x64xf32>
    %mul3A_44 = arith.mulf %sub3A_43, %mul3A_40 : vector<1024x64xf32>
    %add3A_45 = arith.addf %mul3A_41, %mul3A_44 : vector<1024x64xf32>
    %get3A_46 = arith.constant 0 : index
    %get3A_47 = arith.constant 0 : index
    %get3A_48 = vector.load %arg5[%get3A_46, %get3A_47] : memref<1024x64xf32, #tpu.memory_space<vmem>>, vector<1024x64xf32>
    %mul3A_49 = arith.constant 1.000000e-01 : f32
    %mul3A_50 = vector.broadcast %mul3A_49 : f32 to vector<1024x64xf32>
    %mul3A_51 = arith.mulf %mul3A_50, %get3A_48 : vector<1024x64xf32>
    %mul3A_52 = arith.mulf %mul3A_51, %get3A_22 : vector<1024x64xf32>
    %add3A_53 = arith.addf %add3A_45, %mul3A_52 : vector<1024x64xf32>
    %get3A_54 = arith.constant 0 : index
    %get3A_55 = arith.constant 0 : index
    %get3A_56 = vector.load %arg9[%get3A_54, %get3A_55] : memref<64x64xf32, #tpu.memory_space<vmem>>, vector<64x64xf32>
    %dot_general3A = arith.constant dense<0.000000e+00> : vector<1024x64xf32>
    %dot_general3A_57 = tpu.matmul %add3A_53, %get3A_56, %dot_general3A {dimension_numbers = #tpu.dot_dimension_numbers<[1], [0], [0], [1], [0, 0, 1, 1], [], []>, transpose_lhs_hint = false} : vector<1024x64xf32>, vector<64x64xf32>, vector<1024x64xf32> -> vector<1024x64xf32>
    %get3A_58 = arith.constant 0 : index
    %get3A_59 = arith.constant 0 : index
    %get3A_60 = vector.load %arg10[%get3A_58, %get3A_59] : memref<64x64xf32, #tpu.memory_space<vmem>>, vector<64x64xf32>
    %dot_general3A_61 = arith.constant dense<0.000000e+00> : vector<1024x64xf32>
    %dot_general3A_62 = tpu.matmul %add3A_53, %get3A_60, %dot_general3A_61 {dimension_numbers = #tpu.dot_dimension_numbers<[1], [0], [0], [1], [0, 0, 1, 1], [], []>, transpose_lhs_hint = false} : vector<1024x64xf32>, vector<64x64xf32>, vector<1024x64xf32> -> vector<1024x64xf32>
    %get3A_63 = arith.constant 0 : index
    %get3A_64 = arith.constant 0 : index
    %get3A_65 = vector.load %arg12[%get3A_63, %get3A_64] : memref<1x64xf32, #tpu.memory_space<vmem>>, vector<1x64xf32>
    %add3A_66 = vector.broadcast %get3A_65 : vector<1x64xf32> to vector<1024x64xf32>
    %add3A_67 = arith.addf %dot_general3A_62, %add3A_66 : vector<1024x64xf32>
    %logistic3A = arith.negf %add3A_67 : vector<1024x64xf32>
    %logistic3A_68 = math.exp %logistic3A : vector<1024x64xf32>
    %logistic3A_69 = arith.constant 1.000000e+00 : f32
    %logistic3A_70 = vector.broadcast %logistic3A_69 : f32 to vector<1024x64xf32>
    %logistic3A_71 = arith.addf %logistic3A_70, %logistic3A_68 : vector<1024x64xf32>
    %logistic3A_72 = arith.divf %logistic3A_70, %logistic3A_71 : vector<1024x64xf32>
    %get3A_73 = arith.constant 0 : index
    %get3A_74 = arith.constant 0 : index
    %get3A_75 = vector.load %arg11[%get3A_73, %get3A_74] : memref<64x64xf32, #tpu.memory_space<vmem>>, vector<64x64xf32>
    %dot_general3A_76 = arith.constant dense<0.000000e+00> : vector<1024x64xf32>
    %dot_general3A_77 = tpu.matmul %add3A_53, %get3A_75, %dot_general3A_76 {dimension_numbers = #tpu.dot_dimension_numbers<[1], [0], [0], [1], [0, 0, 1, 1], [], []>, transpose_lhs_hint = false} : vector<1024x64xf32>, vector<64x64xf32>, vector<1024x64xf32> -> vector<1024x64xf32>
    %get3A_78 = arith.constant 0 : index
    %get3A_79 = arith.constant 0 : index
    %get3A_80 = vector.load %arg13[%get3A_78, %get3A_79] : memref<1x64xf32, #tpu.memory_space<vmem>>, vector<1x64xf32>
    %add3A_81 = vector.broadcast %get3A_80 : vector<1x64xf32> to vector<1024x64xf32>
    %add3A_82 = arith.addf %dot_general3A_77, %add3A_81 : vector<1024x64xf32>
    %swap3A = arith.constant 0 : index
    %swap3A_83 = arith.constant 0 : index
    %swap3A_84 = vector.load %arg16[%swap3A, %swap3A_83] : memref<1024x64xf32, #tpu.memory_space<vmem>>, vector<1024x64xf32>
    tpu.vector_store %arg16[%swap3A, %swap3A_83], %dot_general3A_57 {strides = array<i32>} : memref<1024x64xf32, #tpu.memory_space<vmem>>, vector<1024x64xf32>,
    %get3A_85 = arith.constant 0 : index
    %get3A_86 = arith.constant 0 : index
    %get3A_87 = vector.load %arg14[%get3A_85, %get3A_86] : memref<1024x1xf32, #tpu.memory_space<vmem>>, vector<1024x1xf32>
    %mul3A_88 = vector.broadcast %get3A_87 : vector<1024x1xf32> to vector<1024x64xf32>
    %mul3A_89 = arith.mulf %dot_general3A_57, %mul3A_88 : vector<1024x64xf32>
    %swap3A_90 = arith.constant 0 : index
    %swap3A_91 = arith.constant 0 : index
    %swap3A_92 = vector.load %arg17[%swap3A_90, %swap3A_91] : memref<1024x64xf32, #tpu.memory_space<vmem>>, vector<1024x64xf32>
    tpu.vector_store %arg17[%swap3A_90, %swap3A_91], %mul3A_89 {strides = array<i32>} : memref<1024x64xf32, #tpu.memory_space<vmem>>, vector<1024x64xf32>,
    %get3A_93 = arith.constant 0 : index
    %get3A_94 = arith.constant 0 : index
    %get3A_95 = vector.load %arg15[%get3A_93, %get3A_94] : memref<1024x1xf32, #tpu.memory_space<vmem>>, vector<1024x1xf32>
    %mul3A_96 = vector.broadcast %get3A_95 : vector<1024x1xf32> to vector<1024x64xf32>
    %mul3A_97 = arith.mulf %dot_general3A_57, %mul3A_96 : vector<1024x64xf32>
    %swap3A_98 = arith.constant 0 : index
    %swap3A_99 = arith.constant 0 : index
    %swap3A_100 = vector.load %arg18[%swap3A_98, %swap3A_99] : memref<1024x64xf32, #tpu.memory_space<vmem>>, vector<1024x64xf32>
    tpu.vector_store %arg18[%swap3A_98, %swap3A_99], %mul3A_97 {strides = array<i32>} : memref<1024x64xf32, #tpu.memory_space<vmem>>, vector<1024x64xf32>,
    %swap3A_101 = arith.constant 0 : index
    %swap3A_102 = arith.constant 0 : index
    %swap3A_103 = vector.load %arg19[%swap3A_101, %swap3A_102] : memref<1024x64xf32, #tpu.memory_space<vmem>>, vector<1024x64xf32>
    tpu.vector_store %arg19[%swap3A_101, %swap3A_102], %logistic3A_72 {strides = array<i32>} : memref<1024x64xf32, #tpu.memory_space<vmem>>, vector<1024x64xf32>,
    %swap3A_104 = arith.constant 0 : index
    %swap3A_105 = arith.constant 0 : index
    %swap3A_106 = vector.load %arg20[%swap3A_104, %swap3A_105] : memref<1024x64xf32, #tpu.memory_space<vmem>>, vector<1024x64xf32>
    tpu.vector_store %arg20[%swap3A_104, %swap3A_105], %add3A_82 {strides = array<i32>} : memref<1024x64xf32, #tpu.memory_space<vmem>>, vector<1024x64xf32>,
    return
  }
  func.func @transform_0(%arg0: i32) -> (i32, i32, i32) {
    %c0_i32 = arith.constant 0 : i32
    %c0_i32_0 = arith.constant 0 : i32
    %c0_i32_1 = arith.constant 0 : i32
    return %c0_i32, %arg0, %c0_i32_0 : i32, i32, i32
  }
  func.func @transform_1(%arg0: i32) -> (i32, i32, i32) {
    %c0_i32 = arith.constant 0 : i32
    %c0_i32_0 = arith.constant 0 : i32
    %c0_i32_1 = arith.constant 0 : i32
    return %c0_i32, %arg0, %c0_i32_0 : i32, i32, i32
  }
  func.func @transform_2(%arg0: i32) -> (i32, i32) {
    %c0_i32 = arith.constant 0 : i32
    %c0_i32_0 = arith.constant 0 : i32
    return %arg0, %c0_i32 : i32, i32
  }
  func.func @transform_3(%arg0: i32) -> (i32, i32) {
    %c0_i32 = arith.constant 0 : i32
    %c0_i32_0 = arith.constant 0 : i32
    return %arg0, %c0_i32 : i32, i32
  }
  func.func @transform_4(%arg0: i32) -> (i32, i32) {
    %c0_i32 = arith.constant 0 : i32
    %c0_i32_0 = arith.constant 0 : i32
    return %arg0, %c0_i32 : i32, i32
  }
  func.func @transform_5(%arg0: i32) -> (i32, i32) {
    %c0_i32 = arith.constant 0 : i32
    %c0_i32_0 = arith.constant 0 : i32
    return %arg0, %c0_i32 : i32, i32
  }
  func.func @transform_6(%arg0: i32) -> (i32, i32) {
    %c0_i32 = arith.constant 0 : i32
    %c0_i32_0 = arith.constant 0 : i32
    return %arg0, %c0_i32 : i32, i32
  }
  func.func @transform_7(%arg0: i32) -> (i32, i32) {
    %c0_i32 = arith.constant 0 : i32
    %c0_i32_0 = arith.constant 0 : i32
    return %arg0, %c0_i32 : i32, i32
  }
  func.func @transform_8(%arg0: i32) -> (i32, i32) {
    %c0_i32 = arith.constant 0 : i32
    %c0_i32_0 = arith.constant 0 : i32
    %c0_i32_1 = arith.constant 0 : i32
    return %c0_i32, %c0_i32_0 : i32, i32
  }
  func.func @transform_9(%arg0: i32) -> (i32, i32) {
    %c0_i32 = arith.constant 0 : i32
    %c0_i32_0 = arith.constant 0 : i32
    %c0_i32_1 = arith.constant 0 : i32
    return %c0_i32, %c0_i32_0 : i32, i32
  }
  func.func @transform_10(%arg0: i32) -> (i32, i32) {
    %c0_i32 = arith.constant 0 : i32
    %c0_i32_0 = arith.constant 0 : i32
    %c0_i32_1 = arith.constant 0 : i32
    return %c0_i32, %c0_i32_0 : i32, i32
  }
  func.func @transform_11(%arg0: i32) -> (i32, i32) {
    %c0_i32 = arith.constant 0 : i32
    %c0_i32_0 = arith.constant 0 : i32
    %c0_i32_1 = arith.constant 0 : i32
    return %c0_i32, %c0_i32_0 : i32, i32
  }
  func.func @transform_12(%arg0: i32) -> (i32, i32) {
    %c0_i32 = arith.constant 0 : i32
    %c0_i32_0 = arith.constant 0 : i32
    %c0_i32_1 = arith.constant 0 : i32
    return %c0_i32, %c0_i32_0 : i32, i32
  }
  func.func @transform_13(%arg0: i32) -> (i32, i32) {
    %c0_i32 = arith.constant 0 : i32
    %c0_i32_0 = arith.constant 0 : i32
    return %arg0, %c0_i32 : i32, i32
  }
  func.func @transform_14(%arg0: i32) -> (i32, i32) {
    %c0_i32 = arith.constant 0 : i32
    %c0_i32_0 = arith.constant 0 : i32
    return %arg0, %c0_i32 : i32, i32
  }
  func.func @transform_15(%arg0: i32) -> (i32, i32) {
    %c0_i32 = arith.constant 0 : i32
    %c0_i32_0 = arith.constant 0 : i32
    return %arg0, %c0_i32 : i32, i32
  }
  func.func @transform_16(%arg0: i32) -> (i32, i32) {
    %c0_i32 = arith.constant 0 : i32
    %c0_i32_0 = arith.constant 0 : i32
    return %arg0, %c0_i32 : i32, i32
  }
  func.func @transform_17(%arg0: i32) -> (i32, i32) {
    %c0_i32 = arith.constant 0 : i32
    %c0_i32_0 = arith.constant 0 : i32
    return %arg0, %c0_i32 : i32, i32
  }
  func.func @transform_18(%arg0: i32) -> (i32, i32) {
    %c0_i32 = arith.constant 0 : i32
    %c0_i32_0 = arith.constant 0 : i32
    return %arg0, %c0_i32 : i32, i32
  }
  func.func @transform_19(%arg0: i32) -> (i32, i32) {
    %c0_i32 = arith.constant 0 : i32
    %c0_i32_0 = arith.constant 0 : i32
    return %arg0, %c0_i32 : i32, i32
  }
}

module attributes {stable_mosaic.version = 14 : i64} {
  func.func @_kB_body(%arg0: i32, %arg1: memref<2x1024x64xf32, #tpu.memory_space<vmem>>, %arg2: memref<2x1024x64xf32, #tpu.memory_space<vmem>>, %arg3: memref<1024x64xf32, #tpu.memory_space<vmem>>, %arg4: memref<1024x64xf32, #tpu.memory_space<vmem>>, %arg5: memref<1024x64xf32, #tpu.memory_space<vmem>>, %arg6: memref<1024x1xf32, #tpu.memory_space<vmem>>, %arg7: memref<1024x1xf32, #tpu.memory_space<vmem>>, %arg8: memref<1024x1xf32, #tpu.memory_space<vmem>>, %arg9: memref<1024x64xf32, #tpu.memory_space<vmem>>) attributes {dimension_semantics = [#tpu.dimension_semantics<arbitrary>], iteration_bounds = array<i64: 10>, scalar_prefetch = 0 : i64, scratch_operands = 0 : i64, tpu.core_type = #tpu.core_type<tc>, window_params = [{transform_indices = @transform_0, window_bounds = array<i64: 2, 1024, 64>}, {transform_indices = @transform_1, window_bounds = array<i64: 2, 1024, 64>}, {transform_indices = @transform_2, window_bounds = array<i64: 1024, 64>}, {transform_indices = @transform_3, window_bounds = array<i64: 1024, 64>}, {transform_indices = @transform_4, window_bounds = array<i64: 1024, 64>}, {transform_indices = @transform_5, window_bounds = array<i64: 1024, 1>}, {transform_indices = @transform_6, window_bounds = array<i64: 1024, 1>}, {transform_indices = @transform_7, window_bounds = array<i64: 1024, 1>}, {transform_indices = @transform_8, window_bounds = array<i64: 1024, 64>}]} {
    %get3A = arith.constant 0 : index
    %get3A_0 = arith.constant 0 : index
    %get3A_1 = arith.constant 0 : index
    %get3A_2 = vector.load %arg1[%get3A, %get3A_0, %get3A_1] : memref<2x1024x64xf32, #tpu.memory_space<vmem>>, vector<1x1024x64xf32>
    %get3A_3 = vector.shape_cast %get3A_2 : vector<1x1024x64xf32> to vector<1024x64xf32>
    %get3A_4 = arith.constant 1 : index
    %get3A_5 = arith.constant 0 : index
    %get3A_6 = arith.constant 0 : index
    %get3A_7 = vector.load %arg1[%get3A_4, %get3A_5, %get3A_6] : memref<2x1024x64xf32, #tpu.memory_space<vmem>>, vector<1x1024x64xf32>
    %get3A_8 = vector.shape_cast %get3A_7 : vector<1x1024x64xf32> to vector<1024x64xf32>
    %add3A = arith.addf %get3A_3, %get3A_8 : vector<1024x64xf32>
    %get3A_9 = arith.constant 0 : index
    %get3A_10 = arith.constant 0 : index
    %get3A_11 = arith.constant 0 : index
    %get3A_12 = vector.load %arg2[%get3A_9, %get3A_10, %get3A_11] : memref<2x1024x64xf32, #tpu.memory_space<vmem>>, vector<1x1024x64xf32>
    %get3A_13 = vector.shape_cast %get3A_12 : vector<1x1024x64xf32> to vector<1024x64xf32>
    %get3A_14 = arith.constant 1 : index
    %get3A_15 = arith.constant 0 : index
    %get3A_16 = arith.constant 0 : index
    %get3A_17 = vector.load %arg2[%get3A_14, %get3A_15, %get3A_16] : memref<2x1024x64xf32, #tpu.memory_space<vmem>>, vector<1x1024x64xf32>
    %get3A_18 = vector.shape_cast %get3A_17 : vector<1x1024x64xf32> to vector<1024x64xf32>
    %add3A_19 = arith.addf %get3A_13, %get3A_18 : vector<1024x64xf32>
    %get3A_20 = arith.constant 0 : index
    %get3A_21 = arith.constant 0 : index
    %get3A_22 = vector.load %arg3[%get3A_20, %get3A_21] : memref<1024x64xf32, #tpu.memory_space<vmem>>, vector<1024x64xf32>
    %get3A_23 = arith.constant 0 : index
    %get3A_24 = arith.constant 0 : index
    %get3A_25 = vector.load %arg4[%get3A_23, %get3A_24] : memref<1024x64xf32, #tpu.memory_space<vmem>>, vector<1024x64xf32>
    %get3A_26 = arith.constant 0 : index
    %get3A_27 = arith.constant 0 : index
    %get3A_28 = vector.load %arg6[%get3A_26, %get3A_27] : memref<1024x1xf32, #tpu.memory_space<vmem>>, vector<1024x1xf32>
    %mul3A = vector.broadcast %get3A_28 : vector<1024x1xf32> to vector<1024x64xf32>
    %mul3A_29 = arith.mulf %mul3A, %add3A : vector<1024x64xf32>
    %get3A_30 = arith.constant 0 : index
    %get3A_31 = arith.constant 0 : index
    %get3A_32 = vector.load %arg8[%get3A_30, %get3A_31] : memref<1024x1xf32, #tpu.memory_space<vmem>>, vector<1024x1xf32>
    %mul3A_33 = vector.broadcast %get3A_32 : vector<1024x1xf32> to vector<1024x64xf32>
    %mul3A_34 = arith.mulf %mul3A_33, %get3A_22 : vector<1024x64xf32>
    %add3A_35 = arith.addf %mul3A_29, %mul3A_34 : vector<1024x64xf32>
    %get3A_36 = arith.constant 0 : index
    %get3A_37 = arith.constant 0 : index
    %get3A_38 = vector.load %arg7[%get3A_36, %get3A_37] : memref<1024x1xf32, #tpu.memory_space<vmem>>, vector<1024x1xf32>
    %mul3A_39 = vector.broadcast %get3A_38 : vector<1024x1xf32> to vector<1024x64xf32>
    %mul3A_40 = arith.mulf %mul3A_39, %add3A_19 : vector<1024x64xf32>
    %mul3A_41 = arith.mulf %get3A_25, %add3A_35 : vector<1024x64xf32>
    %sub3A = arith.constant 1.000000e+00 : f32
    %sub3A_42 = vector.broadcast %sub3A : f32 to vector<1024x64xf32>
    %sub3A_43 = arith.subf %sub3A_42, %get3A_25 : vector<1024x64xf32>
    %mul3A_44 = arith.mulf %sub3A_43, %mul3A_40 : vector<1024x64xf32>
    %add3A_45 = arith.addf %mul3A_41, %mul3A_44 : vector<1024x64xf32>
    %get3A_46 = arith.constant 0 : index
    %get3A_47 = arith.constant 0 : index
    %get3A_48 = vector.load %arg5[%get3A_46, %get3A_47] : memref<1024x64xf32, #tpu.memory_space<vmem>>, vector<1024x64xf32>
    %mul3A_49 = arith.constant 1.000000e-01 : f32
    %mul3A_50 = vector.broadcast %mul3A_49 : f32 to vector<1024x64xf32>
    %mul3A_51 = arith.mulf %mul3A_50, %get3A_48 : vector<1024x64xf32>
    %mul3A_52 = arith.mulf %mul3A_51, %get3A_22 : vector<1024x64xf32>
    %add3A_53 = arith.addf %add3A_45, %mul3A_52 : vector<1024x64xf32>
    %swap3A = arith.constant 0 : index
    %swap3A_54 = arith.constant 0 : index
    %swap3A_55 = vector.load %arg9[%swap3A, %swap3A_54] : memref<1024x64xf32, #tpu.memory_space<vmem>>, vector<1024x64xf32>
    tpu.vector_store %arg9[%swap3A, %swap3A_54], %add3A_53 {strides = array<i32>} : memref<1024x64xf32, #tpu.memory_space<vmem>>, vector<1024x64xf32>,
    return
  }
  func.func @transform_0(%arg0: i32) -> (i32, i32, i32) {
    %c0_i32 = arith.constant 0 : i32
    %c0_i32_0 = arith.constant 0 : i32
    %c0_i32_1 = arith.constant 0 : i32
    return %c0_i32, %arg0, %c0_i32_0 : i32, i32, i32
  }
  func.func @transform_1(%arg0: i32) -> (i32, i32, i32) {
    %c0_i32 = arith.constant 0 : i32
    %c0_i32_0 = arith.constant 0 : i32
    %c0_i32_1 = arith.constant 0 : i32
    return %c0_i32, %arg0, %c0_i32_0 : i32, i32, i32
  }
  func.func @transform_2(%arg0: i32) -> (i32, i32) {
    %c0_i32 = arith.constant 0 : i32
    %c0_i32_0 = arith.constant 0 : i32
    return %arg0, %c0_i32 : i32, i32
  }
  func.func @transform_3(%arg0: i32) -> (i32, i32) {
    %c0_i32 = arith.constant 0 : i32
    %c0_i32_0 = arith.constant 0 : i32
    return %arg0, %c0_i32 : i32, i32
  }
  func.func @transform_4(%arg0: i32) -> (i32, i32) {
    %c0_i32 = arith.constant 0 : i32
    %c0_i32_0 = arith.constant 0 : i32
    return %arg0, %c0_i32 : i32, i32
  }
  func.func @transform_5(%arg0: i32) -> (i32, i32) {
    %c0_i32 = arith.constant 0 : i32
    %c0_i32_0 = arith.constant 0 : i32
    return %arg0, %c0_i32 : i32, i32
  }
  func.func @transform_6(%arg0: i32) -> (i32, i32) {
    %c0_i32 = arith.constant 0 : i32
    %c0_i32_0 = arith.constant 0 : i32
    return %arg0, %c0_i32 : i32, i32
  }
  func.func @transform_7(%arg0: i32) -> (i32, i32) {
    %c0_i32 = arith.constant 0 : i32
    %c0_i32_0 = arith.constant 0 : i32
    return %arg0, %c0_i32 : i32, i32
  }
  func.func @transform_8(%arg0: i32) -> (i32, i32) {
    %c0_i32 = arith.constant 0 : i32
    %c0_i32_0 = arith.constant 0 : i32
    return %arg0, %c0_i32 : i32, i32
  }
}

</mosaic_0001>

<sc_bundles>
// kernel: kernel.12.cloned.1.call-start
scs
__scs_entry_jumppad:
0x0: {  	(pc) =	sbr.rel $0x88, $3  }
0x1: {  	(tag) =	ssettag $0x0;
	lr =	simm.s32 $0x1  }
0x2: {  	[smem:$0x3F94] =	sst lr;
	_ =	strace $0xD0000000  }
0x3: {  	_ = 	snop  }
0x4: {  	_ = 	snop  }
0x5: {  	_ = 	snop  }
0x6: {  	_ = 	snop  }
0x7: {  	_ = 	snop  }
__scs_overlays_trampoline_lowered:
0x8: {  	[smem:$0x3FA3] =	sst s0  }
0x9: {  	[smem:$0x3FA4] =	sst s1  }
0xa: {  	[smem:$0x3FA5] =	sst s2  }
0xb: {  	[smem:$0x3FA6] =	sst s3  }
0xc: {  	[smem:$0x3FA7] =	sst s4  }
0xd: {  	[smem:$0x3FA8] =	sst s5  }
0xe: {  	[smem:$0x3FA9] =	sst s6  }
0xf: {  	[smem:$0x3FAA] =	sst s7  }
0x10: {  	[smem:$0x3FAB] =	sst s8  }
0x11: {  	[smem:$0x3FAC] =	sst s9;
	s0 =	simm.s32 @!p0 $0x0  }
0x12: {  	s1 =	sld [smem:$0x3F92];
	s0 =	simm.s32 @p0 $0x1  }
0x13: {  	[smem:$0x3FAD] =	sst s0;
	s0 =	simm.s32 @!p1 $0x0  }
0x14: {  	s2 =	sld [smem:$0x3F91];
	s0 =	simm.s32 @p1 $0x1  }
0x15: {  	[smem:$0x3FAE] =	sst s0;
	s0 =	simm.s32 @!p2 $0x0  }
0x16: {  	s3 =	sld [smem:$0x3FDB];
	s0 =	simm.s32 @p2 $0x1  }
0x17: {  	s4 =	simm.s32 $0x1BF5;
	[smem:$0x3FB0] =	sst s0  }
0x18: {  	s0 =	sld [smem:$0x3F93];
	_ =	swait.ge [sflag:s4], $0x0  }
0x19: {  	s7 =	sld [smem:$0x3F94]  }
0x1a: {  	s8 =	sadd.s32 $0xFFFFE003, lr  }
0x1b: {  	s9 =	sadd.s32 $0xFFFFFEF7, lr;
	s5 =	simm.s32 $0xFFFFFFFF;
	p2 =	slt.u32 s8, $0xFFFFF086  }
0x1c: {  	p1 =	slt.u32 s9, $0xF7A;
	s5 =	simm.s32 @!p2 $0x0  }
0x1d: {  	s5 =	simm.s32 @p1 $0x1;
	p0 =	seq.s32 s7, s2  }
0x1e: {  	s7 =	smul.u32 @!p0 $0xF7A, s2;
	p2 =	seq.s32 @!p0 s5, $0x0  }
0x1f: {  	s9 =	smul.u32 $0xF7A, s1;
	s8 =	simm.s32 @!p0 $0x1BF5;
	p2 =	por !p2, p0  }
0x20: {  	[sflag:s8] =	ssyncset.s32 @!p0 $0xFFFFF086;
	s6 =	sadd.s32 @!p0 s3, s7;
	s7 =	simm.s32 @!p0 $0x108  }
0x21: {  	s3 =	sadd.s32 s3, s9;
	s6 =	sadd.s32 @!p0 $0x88, s6;
	s7 =	simm.s32 @p2 $0x1082  }
0x22: {  	[simem:s7], [sflag:s8] =	dma.local @!p0 [hbm:s6], $0xF7A  }
0x23: {  	s9 =	sor.u32 $0xD0000000, s2;
	s6 =	simm.s32 $0x108;
	_ =	swait.ge @!p0 [sflag:s8], $0x0  }
0x24: {  	s3 =	sadd.s32 $0x88, s3;
	s6 =	simm.s32 @!p1 $0x1082;
	[sflag:s4] =	ssyncset.s32 $0xFFFFF086  }
0x25: {  	[simem:s6], [sflag:s4] =	dma.local [hbm:s3], $0xF7A  }
0x26: {  	[smem:$0x3F94] =	sst s1;
	(tag) =	ssettag s2;
	_ =	strace s9  }
0x27: {  	s1 =	sld [smem:$0x3FA4]  }
0x28: {  	s2 =	sld [smem:$0x3FA5]  }
0x29: {  	s4 =	sld [smem:$0x3FA7]  }
0x2a: {  	p0 =	seq.s32 s5, $0x0;
	s5 =	sld [smem:$0x3FA8]  }
0x2b: {  	s6 =	sld [smem:$0x3FA9]  }
0x2c: {  	s7 =	sld [smem:$0x3FAA]  }
0x2d: {  	s3 =	simm.s32 $0x108;
	s8 =	sld [smem:$0x3FAB]  }
0x2e: {  	s3 =	simm.s32 @!p0 $0x1082;
	s9 =	sld [smem:$0x3FAC]  }
0x2f: {  	lr =	sadd.s32 s0, s3;
	s0 =	sld [smem:$0x3FA3]  }
0x30: {  	s3 =	sld [smem:$0x3FA6]  }
0x31: {  	[smem:$0x3FAF] =	sst s10  }
0x32: {  	s10 =	sld [smem:$0x3FAD];
	_ =	sdelay $0x3  }
0x33: {  	p0 =	seq.s32 s10, $0x1;
	s10 =	sld [smem:$0x3FAF];
	_ =	sdelay $0x3  }
0x34: {  	[smem:$0x3FAF] =	sst s10  }
0x35: {  	s10 =	sld [smem:$0x3FAE];
	_ =	sdelay $0x3  }
0x36: {  	p1 =	seq.s32 s10, $0x1;
	s10 =	sld [smem:$0x3FAF];
	_ =	sdelay $0x3  }
0x37: {  	[smem:$0x3FAF] =	sst s10  }
0x38: {  	s10 =	sld [smem:$0x3FB0]  }
0x39: {  	_ = 	snop;
	(pc) =	sbr.ind lr, $3  }
0x3a: {  	_ = 	snop  }
0x3b: {  	_ = 	snop  }
0x3c: {  	p2 =	seq.s32 s10, $0x1;
	s10 =	sld [smem:$0x3FAF]  }
0x3d: {  	_ =	shalt  }
0x3e: {  	_ =	shalt  }
0x3f: {  	_ =	shalt  }
0x40: {  	_ =	shalt  }
0x41: {  	_ =	shalt  }
0x42: {  	_ =	shalt  }
0x43: {  	_ =	shalt  }
0x44: {  	_ =	shalt  }
0x45: {  	_ =	shalt  }
0x46: {  	_ =	shalt  }
0x47: {  	_ =	shalt  }
0x48: {  	_ =	shalt  }
0x49: {  	_ =	shalt  }
0x4a: {  	_ =	shalt  }
0x4b: {  	_ =	shalt  }
0x4c: {  	_ =	shalt  }
0x4d: {  	_ =	shalt  }
0x4e: {  	_ =	shalt  }
0x4f: {  	_ =	shalt  }
0x50: {  	_ =	shalt  }
0x51: {  	_ =	shalt  }
0x52: {  	_ =	shalt  }
0x53: {  	_ =	shalt  }
0x54: {  	_ =	shalt  }
0x55: {  	_ =	shalt  }
0x56: {  	_ =	shalt  }
0x57: {  	_ =	shalt  }
0x58: {  	_ =	shalt  }
0x59: {  	_ =	shalt  }
0x5a: {  	_ =	shalt  }
0x5b: {  	_ =	shalt  }
0x5c: {  	_ =	shalt  }
0x5d: {  	_ =	shalt  }
0x5e: {  	_ =	shalt  }
0x5f: {  	_ =	shalt  }
0x60: {  	_ =	shalt  }
0x61: {  	_ =	shalt  }
0x62: {  	_ =	shalt  }
0x63: {  	_ =	shalt  }
0x64: {  	_ =	shalt  }
0x65: {  	_ =	shalt  }
0x66: {  	_ =	shalt  }
0x67: {  	_ =	shalt  }
0x68: {  	_ =	shalt  }
0x69: {  	_ =	shalt  }
0x6a: {  	_ =	shalt  }
0x6b: {  	_ =	shalt  }
0x6c: {  	_ =	shalt  }
0x6d: {  	_ =	shalt  }
0x6e: {  	_ =	shalt  }
0x6f: {  	_ =	shalt  }
0x70: {  	_ =	shalt  }
0x71: {  	_ =	shalt  }
0x72: {  	_ =	shalt  }
0x73: {  	_ =	shalt  }
0x74: {  	_ =	shalt  }
0x75: {  	_ =	shalt  }
0x76: {  	_ =	shalt  }
0x77: {  	_ =	shalt  }
0x78: {  	_ =	shalt  }
0x79: {  	_ =	shalt  }
0x7a: {  	_ =	shalt  }
0x7b: {  	_ =	shalt  }
0x7c: {  	_ =	shalt  }
0x7d: {  	_ =	shalt  }
0x7e: {  	_ =	shalt  }
0x7f: {  	_ =	shalt  }
0x80: {  	_ =	shalt  }
0x81: {  	_ =	shalt  }
0x82: {  	_ =	shalt  }
0x83: {  	_ =	shalt  }
0x84: {  	_ =	shalt  }
0x85: {  	_ =	shalt  }
0x86: {  	_ =	shalt  }
0x87: {  	_ =	shalt  }
.Lfunc_end0:
.L_simem_size_0:
called_computation.1_lowered:
.L_overlay_start_0:
0x88: {  	s2 =	sld [smem:$0x3FD9]  }
0x89: {  	s3 =	sld [smem:$0x3FFE];
	_ =	sdelay $0x1  }
0x8a: {  	s1 =	srdreg.scid  }
0x8b: {  	s0 =	sand.u32 $0x1, s1  }
0x8c: {  	s17 =	sshll.u32 s0, $0xA;
	s2 =	sadd.s32 s3, s2  }
0x8d: {  	s2 =	sadd.s32 s2, s17  }
0x8e: {  	[smem:$0x3FBB] =	sst s2  }
0x8f: {  	_ = 	snop  }
0x90: {  	s2 =	sld [smem:$0x3FD0];
	(tm) =	ssettm $0x1  }
0x91: {  	s18 =	sld [smem:$0x3FFB];
	_ =	sdelay $0x3  }
0x92: {  	_ =	strace s18  }
0x93: {  	s3 =	sld [smem:$0x3FFC];
	_ =	sdelay $0x3  }
0x94: {  	_ =	strace s3  }
0x95: {  	s3 =	sld [smem:$0x3FFD];
	_ =	sdelay $0x3  }
0x96: {  	_ =	strace s3  }
0x97: {  	_ =	strace $0x8FFFFFFF  }
0x98: {  	s19 =	sld [smem:$0x3FDB];
	_ =	sdelay $0x1  }
0x99: {  	s4 =	simm.s32 $_scs_section_size  }
0x9a: {  	s5 =	simm.s32 $_size__tile_overlayer_lowered;
	s6 =	simm.s32 $_tile_overlayer_lowered  }
0x9b: {  	s22 =	simm.s32 $0x1BFF;
	s21 =	sshll.u32 s6, $0x1;
	s3 =	sadd.s32 s4, s19  }
0x9c: {  	s7 =	simm.s32 $0x0;
	s20 =	sshll.u32 s5, $0x1;
	s5 =	sadd.s32 s21, s3  }
0x9d: {  	[timem:s7], [sflag:s22] =	dma.local [hbm:s5], s20  }
0x9e: {  	_ =	swait.ge [sflag:s22], s20  }
0x9f: {  	s4 =	ssub.s32 $0x0, s20;
	[sflag:s22] =	ssyncset.done $0x0  }
0xa0: {  	[sflag:s22] =	ssyncadd.s32 s4;
	_ =	sdelay $0x1  }
0xa1: {  	s23 =	simm.s32 $0x1B8B  }
0xa2: {  	_ =	swait.ge [sflag:s23], $0x1  }
0xa3: {  	[sflag:s23] =	ssyncset.done $0x0  }
0xa4: {  	s25 =	simm.s32 $0x1B8E;
	s24 =	sld [smem:$0x3FFE];
	[sflag:s23] =	ssyncadd.s32 $0xFFFFFFFF  }
0xa5: {  	s26 =	simm.s32 $execute0_lowered;
	[smem:$0x3FD2] =	sst s25  }
0xa6: {  	s5 =	sshll.u32 s26, $0x1;
	_ =	strace $0x80000049;
	[dreg:$0x1] =	wrdreg $0xFFFFFFFF  }
0xa7: {  	s28 =	simm.s32 $_size_execute0_lowered;
	s3 =	sadd.s32 s3, s5;
	[dreg:$0x0] =	wrdreg $0x0  }
0xa8: {  	s5 =	sshll.u32 s28, $0x1;
	[dreg:$0x2] =	wrdreg s3  }
0xa9: {  	[dreg:$0x3] =	wrdreg s5  }
0xaa: {  	[dreg:$0x4] =	wrdreg $0xC0  }
0xab: {  	_ =	task [dreg:s7], $0x5FFFF  }
0xac: {  	[dreg:$0x1] =	wrdreg $0xFFFFFFFF  }
0xad: {  	[dreg:$0x0] =	wrdreg $0x60  }
0xae: {  	[dreg:$0x2] =	wrdreg s24  }
0xaf: {  	[dreg:$0x3] =	wrdreg s2  }
0xb0: {  	[dreg:$0x4] =	wrdreg $0xBF000  }
0xb1: {  	[dreg:$0x5] =	wrdreg $0x15D000  }
0xb2: {  	[dreg:$0x6] =	wrdreg $0x9  }
0xb3: {  	_ =	task.clear_ibuf [dreg:s7], $0x7FFFF;
	_ =	strace $0x90000049  }
0xb4: {  	s29 =	simm.s32 $0x9;
	_ =	strace $0x8000004B  }
0xb5: {  	_ =	swait.ge [sflag:s29], $0x1  }
0xb6: {  	[sflag:s29] =	ssyncadd.s32 $0xFFFFFFFF  }
0xb7: {  	_ =	strace $0x9000004B  }
0xb8: {  	_ =	sfence  }
0xb9: {  	s30 =	sld [smem:$0x0];
	_ =	sdelay $0x2  }
0xba: {  	s31 =	sshll.u32 s1, $0xD;
	s1 =	sshrl.u32 s1, $0x2  }
0xbb: {  	s3 =	sand.u32 $0x4000, s31;
	s1 =	sadd.s32 s1, s30  }
0xbc: {  	s0 =	sor.u32 s3, s0;
	s1 =	sshll.u32 s1, $0x11  }
0xbd: {  	s0 =	sor.u32 s1, s0  }
0xbe: {  	s0 =	sadd.s32 $0x8F2B, s0  }
0xbf: {  	[sflag:s0] =	ssyncadd.remote.s32 $0x1  }
0xc0: {  	_ =	sfence.sel $0xFFFF  }
0xc1: {  	[dreg:$0x0] =	wrdreg $0xFFFFFFFF;
	(pc) =	sbr.abs _section_cstart, $3  }
0xc2: {  	[dreg:$0x1] =	wrdreg $0xFFFFFFFF  }
0xc3: {  	_ =	task.clear_ibuf [dreg:s7], $0x2FFFF;
	_ =	strace $0x9FFFFFFF  }
0xc4: {  	(tm) =	ssettm $0x7FFFFFFF  }
0xc5: {  	_ =	shalt  }
tec
execute0_lowered:
.L_overlay_start_1:
0x0: {  	(tag) =	ssettag $0x1  }
0x1: {  	s7 =	rddreg [dreg:$0x0]  }
0x2: {  	s15 =	rddreg [dreg:$0x1]  }
0x3: {  	s0 =	srdreg.scid;
	s2 =	rddreg [dreg:$0x2]  }
0x4: {  	s3 =	rddreg [dreg:$0x3];
	s4 =	simm.s32 $0x0;
	s8 =	sand.u32 $0x1, s0  }
0x5: {  	s20 =	simm.s32 $0x2000;
	s0 =	stileid.u32;
	s6 =	smul.u32 $0x27800, s8  }
0x6: {  	s21 =	simm.s32 $0x80;
	s5 =	sadd.s32 $0x159C00, s7;
	s9 =	smul.u32 $0x2780, s0  }
0x7: {  	s22 =	simm.s32 $0x2080;
	s12 =	sadd.s32 $0x1A9C00, s7;
	s10 =	smul.u32 $0x18800, s8  }
0x8: {  	[smem:$0x7FF] =	sst s4;
	s13 =	sadd.s32 $0x181C00, s7;
	s11 =	smul.u32 $0x1880, s0  }
0x9: {  	s23 =	simm.s32 $0x1;
	_ =	strace $0x8000004A;
	s25 =	smul.u32 $0x9E00, s0  }
0xa: {  	s26 =	ssub.s32 $0x2, s8;
	s28 =	smul.u32 $0xA0000, s8;
	p0 =	sne.s32 s0, $0xF  }
0xb: {  	s29 =	sshrl.u32 s26, $0x1;
	s9 =	sadd.s32 s9, s6;
	s6 =	sadd.s32 $0x16DC00, s7  }
0xc: {  	s24 =	sadd.s32 s11, s10;
	s18 =	ssub.s32 s26, s29;
	s30 =	sadd.s32 s25, s28  }
0xd: {  	s8 =	sadd.s32 s25, s3;
	s11 =	sshrl.u32 s28, $0x3;
	s16 =	sshrl.u32 s9, $0x3  }
0xe: {  	s9 =	sshrl.u32 s24, $0x3;
	s31 =	sshrl.u32 s30, $0x3;
	s19 =	sadd.s32 $0x13C00, s11  }
0xf: {  	s24 =	simm.s32 $0x0;
	s14 =	sadd.s32 s16, s7;
	s17 =	sadd.s32 s9, s7  }
0x10: {  	s7 =	sadd.s32 s25, s2;
	s9 =	sadd.s32 s12, s31;
	s10 =	sadd.s32 s13, s31  }
0x11: {  	s11 =	sadd.s32 s12, s19;
	s12 =	sadd.s32 s13, s19;
	s13 =	smax.u32 s18, $0x1  }
0x12: {  	s15 =	sadd.s32 s16, s15;
	s18 =	simm.s32 $0x2100;
	s19 =	simm.s32 $0x2  }
0x13: {  	v0 =	vimm.f32 $0.0e+00;
	s14 =	sadd.s32 $0xFA00, s14;
	s16 =	sadd.s32 $0x3600, s17;
	s17 =	sadd.s32 $0x9800, s17  }
.LBB2_1:
0x14: {  	s26 =	simm.s32 $0x100;
	s25 =	simm.s32 $0x0  }
.LBB2_2:
0x15: {  	p1 =	sne.s32 s26, $0x27700;
	[tilespmem:s25+$0x2130] =	vst v0;
	s28 =	smov.u32 s26;
	s26 =	sadd.s32 $0x100, s26  }
.Ltmp0:
0x16: {  	[tilespmem:s25+$0x2120] =	vst v0;
	(pc) =	sbr.rel @p1 .LBB2_2-.Ltmp0, $3  }
0x17: {  	[tilespmem:s25+$0x2100] =	vst v0  }
0x18: {  	[tilespmem:s25+$0x2110] =	vst v0;
	_ =	sdelay $0x1  }
0x19: {  	s25 =	sshra.s32 s28, $0x2  }
0x1a: {  	[tilespmem:s25+$0x2130] =	vst v0  }
0x1b: {  	[tilespmem:s25+$0x2120] =	vst v0  }
0x1c: {  	[tilespmem:s25+$0x2100] =	vst v0  }
0x1d: {  	[tilespmem:s25+$0x2110] =	vst v0  }
0x1e: {  	[spmem:s7] =	stream.linear.scatter [tilespmem:s18], [sflag:$0x2], $0x9E00, $0x38;
	[tilespmem:$0x1FB00] =	vst v63  }
0x1f: {  	_ =	swait.ge [sflag:s19], $0x9E00  }
0x20: {  	[sflag:s19] =	ssyncset.done $0x0  }
0x21: {  	[sflag:s19] =	ssyncadd.s32 $0xFFFF6200  }
0x22: {  	[spmem:s8] =	stream.linear.scatter [tilespmem:s18], [sflag:$0x2], $0x9E00, $0x38;
	[tilespmem:$0x1FB00] =	vst v63  }
0x23: {  	_ =	swait.ge [sflag:s19], $0x9E00  }
0x24: {  	[sflag:s19] =	ssyncset.done $0x0  }
0x25: {  	[sflag:s19] =	ssyncadd.s32 $0xFFFF6200  }
0x26: {  	s26 =	simm.s32 $0x0;
	s30 =	sadd.s32 $0x0, s15;
	[bflag:$0x0] =	sbarrier.arrive $0xFFFF  }
0x27: {  	[tilespmem:s20], [sflag:$0x2] =	stream.linear.gather [hbm4b:s30+s26], $0x80, $0x38;
	[tilespmem:$0x1FB00] =	vst v63  }
0x28: {  	_ =	swait.ge [sflag:s19], $0x80  }
0x29: {  	[sflag:s19] =	ssyncset.done $0x0  }
0x2a: {  	[sflag:s19] =	ssyncadd.s32 $0xFFFFFF80  }
0x2b: {  	[tilespmem:s26], [sflag:$0x1] =	stream.indirect.gather [hbm4b:s5+s21], $0x40, s20, s21, $0xb8;
	[tilespmem:$0x1FB00] =	vst v63  }
0x2c: {  	s31 =	sadd.s32 $0x0, s14  }
0x2d: {  	[tilespmem:s22], [sflag:$0x2] =	stream.linear.gather [hbm4b:s31+s26], $0x80, $0x38;
	[tilespmem:$0x1FB00] =	vst v63  }
0x2e: {  	_ =	swait.ge [sflag:s19], $0x80  }
0x2f: {  	[sflag:s19] =	ssyncset.done $0x0  }
0x30: {  	[sflag:s19] =	ssyncadd.s32 $0xFFFFFF80  }
0x31: {  	_ =	swait.ge [sflag:s23], $0x2000  }
0x32: {  	[sflag:s23] =	ssyncset.done $0x0  }
0x33: {  	[sflag:s23] =	ssyncadd.s32 $0xFFFFE000  }
0x34: {  	[spmem:s2] =	stream.indirect.scatter.add.f32 [tilespmem:s26], [sflag:$0x2], $0x40, s22, s21, $0xb8;
	[tilespmem:$0x1FB00] =	vst v63  }
0x35: {  	s25 =	simm.s32 $0x10;
	_ =	swait.ge [sflag:s19], $0x2000  }
0x36: {  	s29 =	simm.s32 $0x20;
	s28 =	simm.s32 $0x10;
	[sflag:s19] =	ssyncset.done $0x0  }
.LBB2_4:
0x37: {  	s30 =	sadd.s32 s28, s15  }
0x38: {  	[sflag:s19] =	ssyncadd.s32 $0xFFFFE000;
	s31 =	smov.u32 s29;
	s1 =	sadd.s32 $0x10, s29  }
0x39: {  	[tilespmem:s20], [sflag:$0x2] =	stream.linear.gather [hbm4b:s30+s26], $0x80, $0x38;
	[tilespmem:$0x1FB00] =	vst v63  }
0x3a: {  	p1 =	sne.s32 s29, $0x4E0;
	_ =	swait.ge [sflag:s19], $0x80  }
0x3b: {  	[sflag:s19] =	ssyncset.done $0x0  }
0x3c: {  	[sflag:s19] =	ssyncadd.s32 $0xFFFFFF80  }
0x3d: {  	[tilespmem:s26], [sflag:$0x1] =	stream.indirect.gather [hbm4b:s5+s21], $0x40, s20, s21, $0xb8;
	[tilespmem:$0x1FB00] =	vst v63  }
0x3e: {  	s29 =	sadd.s32 s28, s14;
	s28 =	smov.u32 s31  }
0x3f: {  	[tilespmem:s22], [sflag:$0x2] =	stream.linear.gather [hbm4b:s29+s26], $0x80, $0x38;
	[tilespmem:$0x1FB00] =	vst v63  }
0x40: {  	_ =	swait.ge [sflag:s19], $0x80  }
0x41: {  	[sflag:s19] =	ssyncset.done $0x0  }
0x42: {  	[sflag:s19] =	ssyncadd.s32 $0xFFFFFF80  }
0x43: {  	_ =	swait.ge [sflag:s23], $0x2000  }
.Ltmp1:
0x44: {  	[sflag:s23] =	ssyncset.done $0x0;
	(pc) =	sbr.rel @p1 .LBB2_4-.Ltmp1, $4  }
0x45: {  	[sflag:s23] =	ssyncadd.s32 $0xFFFFE000  }
0x46: {  	[spmem:s2] =	stream.indirect.scatter.add.f32 [tilespmem:s26], [sflag:$0x2], $0x40, s22, s21, $0xb8;
	[tilespmem:$0x1FB00] =	vst v63  }
0x47: {  	_ =	swait.ge [sflag:s19], $0x2000  }
0x48: {  	s29 =	smov.u32 s1;
	[sflag:s19] =	ssyncset.done $0x0  }
0x49: {  	s1 =	sadd.s32 s28, s15;
	[sflag:s19] =	ssyncadd.s32 $0xFFFFE000  }
0x4a: {  	[tilespmem:s20], [sflag:$0x2] =	stream.linear.gather [hbm4b:s1+s26], $0x80, $0x38;
	[tilespmem:$0x1FB00] =	vst v63  }
0x4b: {  	_ =	swait.ge [sflag:s19], $0x80  }
0x4c: {  	[sflag:s19] =	ssyncset.done $0x0  }
0x4d: {  	[sflag:s19] =	ssyncadd.s32 $0xFFFFFF80  }
0x4e: {  	[tilespmem:s26], [sflag:$0x1] =	stream.indirect.gather [hbm4b:s5+s21], $0x40, s20, s21, $0xb8;
	[tilespmem:$0x1FB00] =	vst v63  }
0x4f: {  	s29 =	sadd.s32 s28, s14  }
0x50: {  	[tilespmem:s22], [sflag:$0x2] =	stream.linear.gather [hbm4b:s29+s26], $0x80, $0x38;
	[tilespmem:$0x1FB00] =	vst v63  }
0x51: {  	_ =	swait.ge [sflag:s19], $0x80  }
0x52: {  	[sflag:s19] =	ssyncset.done $0x0  }
0x53: {  	[sflag:s19] =	ssyncadd.s32 $0xFFFFFF80  }
0x54: {  	_ =	swait.ge [sflag:s23], $0x2000  }
0x55: {  	[sflag:s23] =	ssyncset.done $0x0  }
0x56: {  	[sflag:s23] =	ssyncadd.s32 $0xFFFFE000  }
0x57: {  	[spmem:s2] =	stream.indirect.scatter.add.f32 [tilespmem:s26], [sflag:$0x2], $0x40, s22, s21, $0xb8;
	[tilespmem:$0x1FB00] =	vst v63  }
0x58: {  	_ =	swait.ge [sflag:s19], $0x2000  }
0x59: {  	[sflag:s19] =	ssyncset.done $0x0  }
0x5a: {  	s30 =	sadd.s32 $0x0, s17;
	[sflag:s19] =	ssyncadd.s32 $0xFFFFE000  }
0x5b: {  	[tilespmem:s20], [sflag:$0x2] =	stream.linear.gather [hbm4b:s30+s4], $0x80, $0x38;
	[tilespmem:$0x1FB00] =	vst v63  }
0x5c: {  	_ =	swait.ge [sflag:s19], $0x80  }
0x5d: {  	[sflag:s19] =	ssyncset.done $0x0  }
0x5e: {  	[sflag:s19] =	ssyncadd.s32 $0xFFFFFF80  }
0x5f: {  	[tilespmem:s4], [sflag:$0x1] =	stream.indirect.gather [hbm4b:s6+s21], $0x40, s20, s21, $0xb8;
	[tilespmem:$0x1FB00] =	vst v63  }
0x60: {  	s31 =	sadd.s32 $0x0, s16  }
0x61: {  	[tilespmem:s22], [sflag:$0x2] =	stream.linear.gather [hbm4b:s31+s4], $0x80, $0x38;
	[tilespmem:$0x1FB00] =	vst v63  }
0x62: {  	_ =	swait.ge [sflag:s19], $0x80  }
0x63: {  	[sflag:s19] =	ssyncset.done $0x0  }
0x64: {  	[sflag:s19] =	ssyncadd.s32 $0xFFFFFF80  }
0x65: {  	_ =	swait.ge [sflag:s23], $0x2000  }
0x66: {  	[sflag:s23] =	ssyncset.done $0x0  }
0x67: {  	[sflag:s23] =	ssyncadd.s32 $0xFFFFE000  }
0x68: {  	[spmem:s3] =	stream.indirect.scatter.add.f32 [tilespmem:s4], [sflag:$0x2], $0x40, s22, s21, $0xb8;
	[tilespmem:$0x1FB00] =	vst v63  }
0x69: {  	_ =	swait.ge [sflag:s19], $0x2000  }
0x6a: {  	s26 =	simm.s32 $0x20;
	[sflag:s19] =	ssyncset.done $0x0  }
.LBB2_6:
0x6b: {  	s1 =	sadd.s32 s25, s17  }
0x6c: {  	[sflag:s19] =	ssyncadd.s32 $0xFFFFE000;
	s28 =	smov.u32 s26;
	s29 =	sadd.s32 $0x10, s26  }
0x6d: {  	[tilespmem:s20], [sflag:$0x2] =	stream.linear.gather [hbm4b:s1+s4], $0x80, $0x38;
	[tilespmem:$0x1FB00] =	vst v63  }
0x6e: {  	p1 =	sne.s32 s26, $0x300;
	_ =	swait.ge [sflag:s19], $0x80  }
0x6f: {  	[sflag:s19] =	ssyncset.done $0x0  }
0x70: {  	[sflag:s19] =	ssyncadd.s32 $0xFFFFFF80  }
0x71: {  	[tilespmem:s4], [sflag:$0x1] =	stream.indirect.gather [hbm4b:s6+s21], $0x40, s20, s21, $0xb8;
	[tilespmem:$0x1FB00] =	vst v63  }
0x72: {  	s1 =	sadd.s32 s25, s16;
	s25 =	smov.u32 s28  }
0x73: {  	[tilespmem:s22], [sflag:$0x2] =	stream.linear.gather [hbm4b:s1+s4], $0x80, $0x38;
	[tilespmem:$0x1FB00] =	vst v63  }
0x74: {  	_ =	swait.ge [sflag:s19], $0x80  }
0x75: {  	[sflag:s19] =	ssyncset.done $0x0  }
0x76: {  	[sflag:s19] =	ssyncadd.s32 $0xFFFFFF80  }
0x77: {  	_ =	swait.ge [sflag:s23], $0x2000  }
.Ltmp2:
0x78: {  	[sflag:s23] =	ssyncset.done $0x0;
	(pc) =	sbr.rel @p1 .LBB2_6-.Ltmp2, $4  }
0x79: {  	[sflag:s23] =	ssyncadd.s32 $0xFFFFE000  }
0x7a: {  	[spmem:s3] =	stream.indirect.scatter.add.f32 [tilespmem:s4], [sflag:$0x2], $0x40, s22, s21, $0xb8;
	[tilespmem:$0x1FB00] =	vst v63  }
0x7b: {  	_ =	swait.ge [sflag:s19], $0x2000  }
0x7c: {  	s26 =	smov.u32 s29;
	[sflag:s19] =	ssyncset.done $0x0  }
0x7d: {  	s1 =	sadd.s32 s25, s17;
	[sflag:s19] =	ssyncadd.s32 $0xFFFFE000  }
0x7e: {  	[tilespmem:s20], [sflag:$0x2] =	stream.linear.gather [hbm4b:s1+s4], $0x80, $0x38;
	[tilespmem:$0x1FB00] =	vst v63  }
0x7f: {  	_ =	swait.ge [sflag:s19], $0x80  }
0x80: {  	[sflag:s19] =	ssyncset.done $0x0  }
0x81: {  	[sflag:s19] =	ssyncadd.s32 $0xFFFFFF80  }
0x82: {  	[tilespmem:s4], [sflag:$0x1] =	stream.indirect.gather [hbm4b:s6+s21], $0x40, s20, s21, $0xb8;
	[tilespmem:$0x1FB00] =	vst v63  }
0x83: {  	s28 =	sadd.s32 s25, s16  }
0x84: {  	[tilespmem:s22], [sflag:$0x2] =	stream.linear.gather [hbm4b:s28+s4], $0x80, $0x38;
	[tilespmem:$0x1FB00] =	vst v63  }
0x85: {  	_ =	swait.ge [sflag:s19], $0x80  }
0x86: {  	[sflag:s19] =	ssyncset.done $0x0  }
0x87: {  	[sflag:s19] =	ssyncadd.s32 $0xFFFFFF80  }
0x88: {  	_ =	swait.ge [sflag:s23], $0x2000  }
0x89: {  	[sflag:s23] =	ssyncset.done $0x0  }
0x8a: {  	[sflag:s23] =	ssyncadd.s32 $0xFFFFE000  }
0x8b: {  	[spmem:s3] =	stream.indirect.scatter.add.f32 [tilespmem:s4], [sflag:$0x2], $0x40, s22, s21, $0xb8;
	[tilespmem:$0x1FB00] =	vst v63  }
0x8c: {  	_ =	swait.ge [sflag:s19], $0x2000  }
0x8d: {  	[sflag:s19] =	ssyncset.done $0x0  }
0x8e: {  	s29 =	sshll.u32 s0, $0x6;
	[sflag:s19] =	ssyncadd.s32 $0xFFFFE000  }
0x8f: {  	s30 =	sshrl.u32 s7, $0x3;
	s1 =	sor.u32 $0x1C02, s29;
	[bflag:$0x0] =	sbarrier.arrive $0xFFFF  }
0x90: {  	[hbm:s9], [sflag:s1] =	dma.local [spmem:s30], $0x13C0  }
0x91: {  	_ =	swait.ge [sflag:s19], $0x13C0  }
0x92: {  	[sflag:s19] =	ssyncset.done $0x0  }
0x93: {  	s31 =	sshrl.u32 s8, $0x3;
	[sflag:s19] =	ssyncadd.s32 $0xFFFFEC40  }
0x94: {  	[hbm:s10], [sflag:s1] =	dma.local [spmem:s31], $0x13C0  }
0x95: {  	_ =	swait.ge [sflag:s19], $0x13C0  }
0x96: {  	s25 =	simm.s32 @!p0 $0x2100;
	[sflag:s19] =	ssyncset.done $0x0  }
0x97: {  	s26 =	simm.s32 @!p0 $0x2;
	s1 =	simm.s32 @!p0 $0x0;
	[sflag:s19] =	ssyncadd.s32 $0xFFFFEC40  }
0x98: {  	[hbm4b:s11+s1] =	stream.linear.scatter @!p0 [tilespmem:s25], [sflag:$0x2], $0x2000, $0x38;
	[tilespmem:$0x1FB00] =	vst v63  }
0x99: {  	s24 =	sadd.s32 $0x1, s24;
	_ =	swait.ge @!p0 [sflag:s26], $0x2000  }
0x9a: {  	p1 =	sne.s32 s24, s13;
	[sflag:s26] =	ssyncset.done @!p0 $0x0  }
.Ltmp3:
0x9b: {  	[sflag:s26] =	ssyncadd.s32 @!p0 $0xFFFFE000;
	(pc) =	sbr.rel @p1 .LBB2_1-.Ltmp3, $4  }
0x9c: {  	[hbm4b:s12+s1] =	stream.linear.scatter @!p0 [tilespmem:s25], [sflag:$0x2], $0x2000, $0x38;
	[tilespmem:$0x1FB00] =	vst v63  }
0x9d: {  	_ =	swait.ge @!p0 [sflag:s26], $0x2000  }
0x9e: {  	[sflag:s26] =	ssyncset.done @!p0 $0x0  }
0x9f: {  	[sflag:s26] =	ssyncadd.s32 @!p0 $0xFFFFE000  }
0xa0: {  	_ =	sfence.sel $0x180000  }
0xa1: {  	[bflag:$0x0] =	sbarrier.arrive $0xFFFF  }
0xa2: {  	_ =	strace $0x9000004A  }
0xa3: {  	[bflag:$0x2] =	sbarrier.arrive $0xFFFF  }
0xa4: {  	p0 =	sne.s32 s0, $0x0;
	s0 =	rddreg [dreg:$0x4]  }
0xa5: {  	s0 =	sadd.s32 @!p0 $0x100000, s0  }
0xa6: {  	[sflag:s0] =	ssyncadd.tile.s32 @!p0 $0x1;
	_ =	shalt  }
.Lfunc_end2:
_tile_overlayer_lowered:
.L_overlay_start_2:
0xa7: {  	(tag) =	ssettag $0x2  }
0xa8: {  	s0 =	rddreg [dreg:$0x0];
	s2 =	stileid.u32  }
0xa9: {  	s1 =	rddreg [dreg:$0x1];
	p0 =	sne.s32 s2, $0x0  }
0xaa: {  	s3 =	rddreg [dreg:$0x2];
	[bflag:$0x3] =	sbarrier.arrive $0xFFFF;
	s2 =	simm.s32 @!p0 $0x1C02  }
0xab: {  	[timem:s3], [sflag:s2] =	dma.local @!p0 [hbm:s0], s1  }
0xac: {  	s0 =	simm.s32 @!p0 $0x2  }
0xad: {  	_ =	swait.ge @!p0 [sflag:s0], s1  }
0xae: {  	s1 =	ssub.s32 @!p0 $0x0, s1;
	[sflag:s0] =	ssyncset.done @!p0 $0x0  }
0xaf: {  	[sflag:s0] =	ssyncadd.s32 @!p0 s1  }
0xb0: {  	[bflag:$0x3] =	sbarrier.arrive $0xFFFF  }
0xb1: {  	_ =	shalt  }

// kernel: kernel.15.cloned.1.call-start
scs
__scs_entry_jumppad:
0x0: {  	(pc) =	sbr.rel $0x88, $3  }
0x1: {  	(tag) =	ssettag $0x0;
	lr =	simm.s32 $0x1  }
0x2: {  	[smem:$0x3F94] =	sst lr;
	_ =	strace $0xD0000000  }
0x3: {  	_ = 	snop  }
0x4: {  	_ = 	snop  }
0x5: {  	_ = 	snop  }
0x6: {  	_ = 	snop  }
0x7: {  	_ = 	snop  }
__scs_overlays_trampoline_lowered:
0x8: {  	[smem:$0x3FA3] =	sst s0  }
0x9: {  	[smem:$0x3FA4] =	sst s1  }
0xa: {  	[smem:$0x3FA5] =	sst s2  }
0xb: {  	[smem:$0x3FA6] =	sst s3  }
0xc: {  	[smem:$0x3FA7] =	sst s4  }
0xd: {  	[smem:$0x3FA8] =	sst s5  }
0xe: {  	[smem:$0x3FA9] =	sst s6  }
0xf: {  	[smem:$0x3FAA] =	sst s7  }
0x10: {  	[smem:$0x3FAB] =	sst s8  }
0x11: {  	[smem:$0x3FAC] =	sst s9;
	s0 =	simm.s32 @!p0 $0x0  }
0x12: {  	s1 =	sld [smem:$0x3F92];
	s0 =	simm.s32 @p0 $0x1  }
0x13: {  	[smem:$0x3FAD] =	sst s0;
	s0 =	simm.s32 @!p1 $0x0  }
0x14: {  	s2 =	sld [smem:$0x3F91];
	s0 =	simm.s32 @p1 $0x1  }
0x15: {  	[smem:$0x3FAE] =	sst s0;
	s0 =	simm.s32 @!p2 $0x0  }
0x16: {  	s3 =	sld [smem:$0x3FDB];
	s0 =	simm.s32 @p2 $0x1  }
0x17: {  	s4 =	simm.s32 $0x1BF5;
	[smem:$0x3FB0] =	sst s0  }
0x18: {  	s0 =	sld [smem:$0x3F93];
	_ =	swait.ge [sflag:s4], $0x0  }
0x19: {  	s7 =	sld [smem:$0x3F94]  }
0x1a: {  	s8 =	sadd.s32 $0xFFFFE003, lr  }
0x1b: {  	s9 =	sadd.s32 $0xFFFFFEF7, lr;
	s5 =	simm.s32 $0xFFFFFFFF;
	p2 =	slt.u32 s8, $0xFFFFF086  }
0x1c: {  	p1 =	slt.u32 s9, $0xF7A;
	s5 =	simm.s32 @!p2 $0x0  }
0x1d: {  	s5 =	simm.s32 @p1 $0x1;
	p0 =	seq.s32 s7, s2  }
0x1e: {  	s7 =	smul.u32 @!p0 $0xF7A, s2;
	p2 =	seq.s32 @!p0 s5, $0x0  }
0x1f: {  	s9 =	smul.u32 $0xF7A, s1;
	s8 =	simm.s32 @!p0 $0x1BF5;
	p2 =	por !p2, p0  }
0x20: {  	[sflag:s8] =	ssyncset.s32 @!p0 $0xFFFFF086;
	s6 =	sadd.s32 @!p0 s3, s7;
	s7 =	simm.s32 @!p0 $0x108  }
0x21: {  	s3 =	sadd.s32 s3, s9;
	s6 =	sadd.s32 @!p0 $0x88, s6;
	s7 =	simm.s32 @p2 $0x1082  }
0x22: {  	[simem:s7], [sflag:s8] =	dma.local @!p0 [hbm:s6], $0xF7A  }
0x23: {  	s9 =	sor.u32 $0xD0000000, s2;
	s6 =	simm.s32 $0x108;
	_ =	swait.ge @!p0 [sflag:s8], $0x0  }
0x24: {  	s3 =	sadd.s32 $0x88, s3;
	s6 =	simm.s32 @!p1 $0x1082;
	[sflag:s4] =	ssyncset.s32 $0xFFFFF086  }
0x25: {  	[simem:s6], [sflag:s4] =	dma.local [hbm:s3], $0xF7A  }
0x26: {  	[smem:$0x3F94] =	sst s1;
	(tag) =	ssettag s2;
	_ =	strace s9  }
0x27: {  	s1 =	sld [smem:$0x3FA4]  }
0x28: {  	s2 =	sld [smem:$0x3FA5]  }
0x29: {  	s4 =	sld [smem:$0x3FA7]  }
0x2a: {  	p0 =	seq.s32 s5, $0x0;
	s5 =	sld [smem:$0x3FA8]  }
0x2b: {  	s6 =	sld [smem:$0x3FA9]  }
0x2c: {  	s7 =	sld [smem:$0x3FAA]  }
0x2d: {  	s3 =	simm.s32 $0x108;
	s8 =	sld [smem:$0x3FAB]  }
0x2e: {  	s3 =	simm.s32 @!p0 $0x1082;
	s9 =	sld [smem:$0x3FAC]  }
0x2f: {  	lr =	sadd.s32 s0, s3;
	s0 =	sld [smem:$0x3FA3]  }
0x30: {  	s3 =	sld [smem:$0x3FA6]  }
0x31: {  	[smem:$0x3FAF] =	sst s10  }
0x32: {  	s10 =	sld [smem:$0x3FAD];
	_ =	sdelay $0x3  }
0x33: {  	p0 =	seq.s32 s10, $0x1;
	s10 =	sld [smem:$0x3FAF];
	_ =	sdelay $0x3  }
0x34: {  	[smem:$0x3FAF] =	sst s10  }
0x35: {  	s10 =	sld [smem:$0x3FAE];
	_ =	sdelay $0x3  }
0x36: {  	p1 =	seq.s32 s10, $0x1;
	s10 =	sld [smem:$0x3FAF];
	_ =	sdelay $0x3  }
0x37: {  	[smem:$0x3FAF] =	sst s10  }
0x38: {  	s10 =	sld [smem:$0x3FB0]  }
0x39: {  	_ = 	snop;
	(pc) =	sbr.ind lr, $3  }
0x3a: {  	_ = 	snop  }
0x3b: {  	_ = 	snop  }
0x3c: {  	p2 =	seq.s32 s10, $0x1;
	s10 =	sld [smem:$0x3FAF]  }
0x3d: {  	_ =	shalt  }
0x3e: {  	_ =	shalt  }
0x3f: {  	_ =	shalt  }
0x40: {  	_ =	shalt  }
0x41: {  	_ =	shalt  }
0x42: {  	_ =	shalt  }
0x43: {  	_ =	shalt  }
0x44: {  	_ =	shalt  }
0x45: {  	_ =	shalt  }
0x46: {  	_ =	shalt  }
0x47: {  	_ =	shalt  }
0x48: {  	_ =	shalt  }
0x49: {  	_ =	shalt  }
0x4a: {  	_ =	shalt  }
0x4b: {  	_ =	shalt  }
0x4c: {  	_ =	shalt  }
0x4d: {  	_ =	shalt  }
0x4e: {  	_ =	shalt  }
0x4f: {  	_ =	shalt  }
0x50: {  	_ =	shalt  }
0x51: {  	_ =	shalt  }
0x52: {  	_ =	shalt  }
0x53: {  	_ =	shalt  }
0x54: {  	_ =	shalt  }
0x55: {  	_ =	shalt  }
0x56: {  	_ =	shalt  }
0x57: {  	_ =	shalt  }
0x58: {  	_ =	shalt  }
0x59: {  	_ =	shalt  }
0x5a: {  	_ =	shalt  }
0x5b: {  	_ =	shalt  }
0x5c: {  	_ =	shalt  }
0x5d: {  	_ =	shalt  }
0x5e: {  	_ =	shalt  }
0x5f: {  	_ =	shalt  }
0x60: {  	_ =	shalt  }
0x61: {  	_ =	shalt  }
0x62: {  	_ =	shalt  }
0x63: {  	_ =	shalt  }
0x64: {  	_ =	shalt  }
0x65: {  	_ =	shalt  }
0x66: {  	_ =	shalt  }
0x67: {  	_ =	shalt  }
0x68: {  	_ =	shalt  }
0x69: {  	_ =	shalt  }
0x6a: {  	_ =	shalt  }
0x6b: {  	_ =	shalt  }
0x6c: {  	_ =	shalt  }
0x6d: {  	_ =	shalt  }
0x6e: {  	_ =	shalt  }
0x6f: {  	_ =	shalt  }
0x70: {  	_ =	shalt  }
0x71: {  	_ =	shalt  }
0x72: {  	_ =	shalt  }
0x73: {  	_ =	shalt  }
0x74: {  	_ =	shalt  }
0x75: {  	_ =	shalt  }
0x76: {  	_ =	shalt  }
0x77: {  	_ =	shalt  }
0x78: {  	_ =	shalt  }
0x79: {  	_ =	shalt  }
0x7a: {  	_ =	shalt  }
0x7b: {  	_ =	shalt  }
0x7c: {  	_ =	shalt  }
0x7d: {  	_ =	shalt  }
0x7e: {  	_ =	shalt  }
0x7f: {  	_ =	shalt  }
0x80: {  	_ =	shalt  }
0x81: {  	_ =	shalt  }
0x82: {  	_ =	shalt  }
0x83: {  	_ =	shalt  }
0x84: {  	_ =	shalt  }
0x85: {  	_ =	shalt  }
0x86: {  	_ =	shalt  }
0x87: {  	_ =	shalt  }
.Lfunc_end0:
.L_simem_size_0:
called_computation.2_lowered:
.L_overlay_start_0:
0x88: {  	s2 =	sld [smem:$0x3FD9]  }
0x89: {  	s3 =	sld [smem:$0x3FFE];
	_ =	sdelay $0x1  }
0x8a: {  	s1 =	srdreg.scid  }
0x8b: {  	s0 =	sand.u32 $0x1, s1  }
0x8c: {  	s17 =	sshll.u32 s0, $0xA;
	s2 =	sadd.s32 s3, s2  }
0x8d: {  	s2 =	sadd.s32 s2, s17  }
0x8e: {  	[smem:$0x3FBB] =	sst s2  }
0x8f: {  	_ = 	snop  }
0x90: {  	s2 =	sld [smem:$0x3FD0];
	(tm) =	ssettm $0x1  }
0x91: {  	s18 =	sld [smem:$0x3FFB];
	_ =	sdelay $0x3  }
0x92: {  	_ =	strace s18  }
0x93: {  	s3 =	sld [smem:$0x3FFC];
	_ =	sdelay $0x3  }
0x94: {  	_ =	strace s3  }
0x95: {  	s3 =	sld [smem:$0x3FFD];
	_ =	sdelay $0x3  }
0x96: {  	_ =	strace s3  }
0x97: {  	_ =	strace $0x8FFFFFFF  }
0x98: {  	s19 =	sld [smem:$0x3FDB];
	_ =	sdelay $0x1  }
0x99: {  	s4 =	simm.s32 $_scs_section_size  }
0x9a: {  	s5 =	simm.s32 $_size__tile_overlayer_lowered;
	s6 =	simm.s32 $_tile_overlayer_lowered  }
0x9b: {  	s22 =	simm.s32 $0x1BFF;
	s21 =	sshll.u32 s6, $0x1;
	s3 =	sadd.s32 s4, s19  }
0x9c: {  	s7 =	simm.s32 $0x0;
	s20 =	sshll.u32 s5, $0x1;
	s5 =	sadd.s32 s21, s3  }
0x9d: {  	[timem:s7], [sflag:s22] =	dma.local [hbm:s5], s20  }
0x9e: {  	_ =	swait.ge [sflag:s22], s20  }
0x9f: {  	s4 =	ssub.s32 $0x0, s20;
	[sflag:s22] =	ssyncset.done $0x0  }
0xa0: {  	[sflag:s22] =	ssyncadd.s32 s4;
	_ =	sdelay $0x1  }
0xa1: {  	s23 =	simm.s32 $0x1B8B  }
0xa2: {  	_ =	swait.ge [sflag:s23], $0x1  }
0xa3: {  	[sflag:s23] =	ssyncset.done $0x0  }
0xa4: {  	s25 =	simm.s32 $0x1B8E;
	s24 =	sld [smem:$0x3FFE];
	[sflag:s23] =	ssyncadd.s32 $0xFFFFFFFF  }
0xa5: {  	s26 =	simm.s32 $execute0_lowered;
	[smem:$0x3FD2] =	sst s25  }
0xa6: {  	s5 =	sshll.u32 s26, $0x1;
	_ =	strace $0x8000004C;
	[dreg:$0x1] =	wrdreg $0xFFFFFFFF  }
0xa7: {  	s28 =	simm.s32 $_size_execute0_lowered;
	s3 =	sadd.s32 s3, s5;
	[dreg:$0x0] =	wrdreg $0x0  }
0xa8: {  	s5 =	sshll.u32 s28, $0x1;
	[dreg:$0x2] =	wrdreg s3  }
0xa9: {  	[dreg:$0x3] =	wrdreg s5  }
0xaa: {  	[dreg:$0x4] =	wrdreg $0xC0  }
0xab: {  	_ =	task [dreg:s7], $0x5FFFF  }
0xac: {  	[dreg:$0x1] =	wrdreg $0xFFFFFFFF  }
0xad: {  	[dreg:$0x0] =	wrdreg $0x60  }
0xae: {  	[dreg:$0x2] =	wrdreg s24  }
0xaf: {  	[dreg:$0x3] =	wrdreg s2  }
0xb0: {  	[dreg:$0x4] =	wrdreg $0xBF000  }
0xb1: {  	[dreg:$0x5] =	wrdreg $0x15D000  }
0xb2: {  	[dreg:$0x6] =	wrdreg $0x9  }
0xb3: {  	_ =	task.clear_ibuf [dreg:s7], $0x7FFFF;
	_ =	strace $0x9000004C  }
0xb4: {  	s29 =	simm.s32 $0x9;
	_ =	strace $0x8000004E  }
0xb5: {  	_ =	swait.ge [sflag:s29], $0x1  }
0xb6: {  	[sflag:s29] =	ssyncadd.s32 $0xFFFFFFFF  }
0xb7: {  	_ =	strace $0x9000004E  }
0xb8: {  	_ =	sfence  }
0xb9: {  	s30 =	sld [smem:$0x0];
	_ =	sdelay $0x2  }
0xba: {  	s31 =	sshll.u32 s1, $0xD;
	s1 =	sshrl.u32 s1, $0x2  }
0xbb: {  	s3 =	sand.u32 $0x4000, s31;
	s1 =	sadd.s32 s1, s30  }
0xbc: {  	s0 =	sor.u32 s3, s0;
	s1 =	sshll.u32 s1, $0x11  }
0xbd: {  	s0 =	sor.u32 s1, s0  }
0xbe: {  	s0 =	sadd.s32 $0x8F2B, s0  }
0xbf: {  	[sflag:s0] =	ssyncadd.remote.s32 $0x1  }
0xc0: {  	_ =	sfence.sel $0xFFFF  }
0xc1: {  	[dreg:$0x0] =	wrdreg $0xFFFFFFFF;
	(pc) =	sbr.abs _section_cstart, $3  }
0xc2: {  	[dreg:$0x1] =	wrdreg $0xFFFFFFFF  }
0xc3: {  	_ =	task.clear_ibuf [dreg:s7], $0x2FFFF;
	_ =	strace $0x9FFFFFFF  }
0xc4: {  	(tm) =	ssettm $0x7FFFFFFF  }
0xc5: {  	_ =	shalt  }
tec
execute0_lowered:
.L_overlay_start_1:
0x0: {  	(tag) =	ssettag $0x1  }
0x1: {  	s7 =	rddreg [dreg:$0x0]  }
0x2: {  	s15 =	rddreg [dreg:$0x1]  }
0x3: {  	s0 =	srdreg.scid;
	s2 =	rddreg [dreg:$0x2]  }
0x4: {  	s3 =	rddreg [dreg:$0x3];
	s4 =	simm.s32 $0x0;
	s8 =	sand.u32 $0x1, s0  }
0x5: {  	s20 =	simm.s32 $0x2000;
	s0 =	stileid.u32;
	s6 =	smul.u32 $0x27800, s8  }
0x6: {  	s21 =	simm.s32 $0x80;
	s22 =	simm.s32 $0x2080;
	s9 =	smul.u32 $0x2780, s0  }
0x7: {  	s23 =	simm.s32 $0x1;
	[smem:$0x7FF] =	sst s4;
	s10 =	smul.u32 $0x18800, s8  }
0x8: {  	s5 =	sadd.s32 $0x41800, s7;
	s12 =	sadd.s32 $0xE1C00, s7;
	s11 =	smul.u32 $0x1880, s0  }
0x9: {  	s13 =	sadd.s32 $0xB9C00, s7;
	_ =	strace $0x8000004D;
	s25 =	smul.u32 $0x9E00, s0  }
0xa: {  	s26 =	ssub.s32 $0x2, s8;
	s28 =	smul.u32 $0xA0000, s8;
	p0 =	sne.s32 s0, $0xF  }
0xb: {  	s29 =	sshrl.u32 s26, $0x1;
	s9 =	sadd.s32 s9, s6;
	s6 =	sadd.s32 $0x55800, s7  }
0xc: {  	s24 =	sadd.s32 s11, s10;
	s18 =	ssub.s32 s26, s29;
	s30 =	sadd.s32 s25, s28  }
0xd: {  	s8 =	sadd.s32 s25, s3;
	s11 =	sshrl.u32 s28, $0x3;
	s16 =	sshrl.u32 s9, $0x3  }
0xe: {  	s9 =	sshrl.u32 s24, $0x3;
	s31 =	sshrl.u32 s30, $0x3;
	s19 =	sadd.s32 $0x13C00, s11  }
0xf: {  	s24 =	simm.s32 $0x0;
	s14 =	sadd.s32 s16, s7;
	s17 =	sadd.s32 s9, s7  }
0x10: {  	s7 =	sadd.s32 s25, s2;
	s9 =	sadd.s32 s12, s31;
	s10 =	sadd.s32 s13, s31  }
0x11: {  	s11 =	sadd.s32 s12, s19;
	s12 =	sadd.s32 s13, s19;
	s13 =	smax.u32 s18, $0x1  }
0x12: {  	s15 =	sadd.s32 s16, s15;
	s18 =	simm.s32 $0x2100;
	s19 =	simm.s32 $0x2  }
0x13: {  	v0 =	vimm.f32 $0.0e+00;
	s14 =	sadd.s32 $0xFA00, s14;
	s16 =	sadd.s32 $0x3600, s17;
	s17 =	sadd.s32 $0x9800, s17  }
.LBB2_1:
0x14: {  	s26 =	simm.s32 $0x100;
	s25 =	simm.s32 $0x0  }
.LBB2_2:
0x15: {  	p1 =	sne.s32 s26, $0x27700;
	[tilespmem:s25+$0x2130] =	vst v0;
	s28 =	smov.u32 s26;
	s26 =	sadd.s32 $0x100, s26  }
.Ltmp0:
0x16: {  	[tilespmem:s25+$0x2120] =	vst v0;
	(pc) =	sbr.rel @p1 .LBB2_2-.Ltmp0, $3  }
0x17: {  	[tilespmem:s25+$0x2100] =	vst v0  }
0x18: {  	[tilespmem:s25+$0x2110] =	vst v0;
	_ =	sdelay $0x1  }
0x19: {  	s25 =	sshra.s32 s28, $0x2  }
0x1a: {  	[tilespmem:s25+$0x2130] =	vst v0  }
0x1b: {  	[tilespmem:s25+$0x2120] =	vst v0  }
0x1c: {  	[tilespmem:s25+$0x2100] =	vst v0  }
0x1d: {  	[tilespmem:s25+$0x2110] =	vst v0  }
0x1e: {  	[spmem:s7] =	stream.linear.scatter [tilespmem:s18], [sflag:$0x2], $0x9E00, $0x38;
	[tilespmem:$0x1FB00] =	vst v63  }
0x1f: {  	_ =	swait.ge [sflag:s19], $0x9E00  }
0x20: {  	[sflag:s19] =	ssyncset.done $0x0  }
0x21: {  	[sflag:s19] =	ssyncadd.s32 $0xFFFF6200  }
0x22: {  	[spmem:s8] =	stream.linear.scatter [tilespmem:s18], [sflag:$0x2], $0x9E00, $0x38;
	[tilespmem:$0x1FB00] =	vst v63  }
0x23: {  	_ =	swait.ge [sflag:s19], $0x9E00  }
0x24: {  	[sflag:s19] =	ssyncset.done $0x0  }
0x25: {  	[sflag:s19] =	ssyncadd.s32 $0xFFFF6200  }
0x26: {  	s26 =	simm.s32 $0x0;
	s30 =	sadd.s32 $0x0, s15;
	[bflag:$0x0] =	sbarrier.arrive $0xFFFF  }
0x27: {  	[tilespmem:s20], [sflag:$0x2] =	stream.linear.gather [hbm4b:s30+s26], $0x80, $0x38;
	[tilespmem:$0x1FB00] =	vst v63  }
0x28: {  	_ =	swait.ge [sflag:s19], $0x80  }
0x29: {  	[sflag:s19] =	ssyncset.done $0x0  }
0x2a: {  	[sflag:s19] =	ssyncadd.s32 $0xFFFFFF80  }
0x2b: {  	[tilespmem:s26], [sflag:$0x1] =	stream.indirect.gather [hbm4b:s5+s21], $0x40, s20, s21, $0xb8;
	[tilespmem:$0x1FB00] =	vst v63  }
0x2c: {  	s31 =	sadd.s32 $0x0, s14  }
0x2d: {  	[tilespmem:s22], [sflag:$0x2] =	stream.linear.gather [hbm4b:s31+s26], $0x80, $0x38;
	[tilespmem:$0x1FB00] =	vst v63  }
0x2e: {  	_ =	swait.ge [sflag:s19], $0x80  }
0x2f: {  	[sflag:s19] =	ssyncset.done $0x0  }
0x30: {  	[sflag:s19] =	ssyncadd.s32 $0xFFFFFF80  }
0x31: {  	_ =	swait.ge [sflag:s23], $0x2000  }
0x32: {  	[sflag:s23] =	ssyncset.done $0x0  }
0x33: {  	[sflag:s23] =	ssyncadd.s32 $0xFFFFE000  }
0x34: {  	[spmem:s2] =	stream.indirect.scatter.add.f32 [tilespmem:s26], [sflag:$0x2], $0x40, s22, s21, $0xb8;
	[tilespmem:$0x1FB00] =	vst v63  }
0x35: {  	s25 =	simm.s32 $0x10;
	_ =	swait.ge [sflag:s19], $0x2000  }
0x36: {  	s29 =	simm.s32 $0x20;
	s28 =	simm.s32 $0x10;
	[sflag:s19] =	ssyncset.done $0x0  }
.LBB2_4:
0x37: {  	s30 =	sadd.s32 s28, s15  }
0x38: {  	[sflag:s19] =	ssyncadd.s32 $0xFFFFE000;
	s31 =	smov.u32 s29;
	s1 =	sadd.s32 $0x10, s29  }
0x39: {  	[tilespmem:s20], [sflag:$0x2] =	stream.linear.gather [hbm4b:s30+s26], $0x80, $0x38;
	[tilespmem:$0x1FB00] =	vst v63  }
0x3a: {  	p1 =	sne.s32 s29, $0x4E0;
	_ =	swait.ge [sflag:s19], $0x80  }
0x3b: {  	[sflag:s19] =	ssyncset.done $0x0  }
0x3c: {  	[sflag:s19] =	ssyncadd.s32 $0xFFFFFF80  }
0x3d: {  	[tilespmem:s26], [sflag:$0x1] =	stream.indirect.gather [hbm4b:s5+s21], $0x40, s20, s21, $0xb8;
	[tilespmem:$0x1FB00] =	vst v63  }
0x3e: {  	s29 =	sadd.s32 s28, s14;
	s28 =	smov.u32 s31  }
0x3f: {  	[tilespmem:s22], [sflag:$0x2] =	stream.linear.gather [hbm4b:s29+s26], $0x80, $0x38;
	[tilespmem:$0x1FB00] =	vst v63  }
0x40: {  	_ =	swait.ge [sflag:s19], $0x80  }
0x41: {  	[sflag:s19] =	ssyncset.done $0x0  }
0x42: {  	[sflag:s19] =	ssyncadd.s32 $0xFFFFFF80  }
0x43: {  	_ =	swait.ge [sflag:s23], $0x2000  }
.Ltmp1:
0x44: {  	[sflag:s23] =	ssyncset.done $0x0;
	(pc) =	sbr.rel @p1 .LBB2_4-.Ltmp1, $4  }
0x45: {  	[sflag:s23] =	ssyncadd.s32 $0xFFFFE000  }
0x46: {  	[spmem:s2] =	stream.indirect.scatter.add.f32 [tilespmem:s26], [sflag:$0x2], $0x40, s22, s21, $0xb8;
	[tilespmem:$0x1FB00] =	vst v63  }
0x47: {  	_ =	swait.ge [sflag:s19], $0x2000  }
0x48: {  	s29 =	smov.u32 s1;
	[sflag:s19] =	ssyncset.done $0x0  }
0x49: {  	s1 =	sadd.s32 s28, s15;
	[sflag:s19] =	ssyncadd.s32 $0xFFFFE000  }
0x4a: {  	[tilespmem:s20], [sflag:$0x2] =	stream.linear.gather [hbm4b:s1+s26], $0x80, $0x38;
	[tilespmem:$0x1FB00] =	vst v63  }
0x4b: {  	_ =	swait.ge [sflag:s19], $0x80  }
0x4c: {  	[sflag:s19] =	ssyncset.done $0x0  }
0x4d: {  	[sflag:s19] =	ssyncadd.s32 $0xFFFFFF80  }
0x4e: {  	[tilespmem:s26], [sflag:$0x1] =	stream.indirect.gather [hbm4b:s5+s21], $0x40, s20, s21, $0xb8;
	[tilespmem:$0x1FB00] =	vst v63  }
0x4f: {  	s29 =	sadd.s32 s28, s14  }
0x50: {  	[tilespmem:s22], [sflag:$0x2] =	stream.linear.gather [hbm4b:s29+s26], $0x80, $0x38;
	[tilespmem:$0x1FB00] =	vst v63  }
0x51: {  	_ =	swait.ge [sflag:s19], $0x80  }
0x52: {  	[sflag:s19] =	ssyncset.done $0x0  }
0x53: {  	[sflag:s19] =	ssyncadd.s32 $0xFFFFFF80  }
0x54: {  	_ =	swait.ge [sflag:s23], $0x2000  }
0x55: {  	[sflag:s23] =	ssyncset.done $0x0  }
0x56: {  	[sflag:s23] =	ssyncadd.s32 $0xFFFFE000  }
0x57: {  	[spmem:s2] =	stream.indirect.scatter.add.f32 [tilespmem:s26], [sflag:$0x2], $0x40, s22, s21, $0xb8;
	[tilespmem:$0x1FB00] =	vst v63  }
0x58: {  	_ =	swait.ge [sflag:s19], $0x2000  }
0x59: {  	[sflag:s19] =	ssyncset.done $0x0  }
0x5a: {  	s30 =	sadd.s32 $0x0, s17;
	[sflag:s19] =	ssyncadd.s32 $0xFFFFE000  }
0x5b: {  	[tilespmem:s20], [sflag:$0x2] =	stream.linear.gather [hbm4b:s30+s4], $0x80, $0x38;
	[tilespmem:$0x1FB00] =	vst v63  }
0x5c: {  	_ =	swait.ge [sflag:s19], $0x80  }
0x5d: {  	[sflag:s19] =	ssyncset.done $0x0  }
0x5e: {  	[sflag:s19] =	ssyncadd.s32 $0xFFFFFF80  }
0x5f: {  	[tilespmem:s4], [sflag:$0x1] =	stream.indirect.gather [hbm4b:s6+s21], $0x40, s20, s21, $0xb8;
	[tilespmem:$0x1FB00] =	vst v63  }
0x60: {  	s31 =	sadd.s32 $0x0, s16  }
0x61: {  	[tilespmem:s22], [sflag:$0x2] =	stream.linear.gather [hbm4b:s31+s4], $0x80, $0x38;
	[tilespmem:$0x1FB00] =	vst v63  }
0x62: {  	_ =	swait.ge [sflag:s19], $0x80  }
0x63: {  	[sflag:s19] =	ssyncset.done $0x0  }
0x64: {  	[sflag:s19] =	ssyncadd.s32 $0xFFFFFF80  }
0x65: {  	_ =	swait.ge [sflag:s23], $0x2000  }
0x66: {  	[sflag:s23] =	ssyncset.done $0x0  }
0x67: {  	[sflag:s23] =	ssyncadd.s32 $0xFFFFE000  }
0x68: {  	[spmem:s3] =	stream.indirect.scatter.add.f32 [tilespmem:s4], [sflag:$0x2], $0x40, s22, s21, $0xb8;
	[tilespmem:$0x1FB00] =	vst v63  }
0x69: {  	_ =	swait.ge [sflag:s19], $0x2000  }
0x6a: {  	s26 =	simm.s32 $0x20;
	[sflag:s19] =	ssyncset.done $0x0  }
.LBB2_6:
0x6b: {  	s1 =	sadd.s32 s25, s17  }
0x6c: {  	[sflag:s19] =	ssyncadd.s32 $0xFFFFE000;
	s28 =	smov.u32 s26;
	s29 =	sadd.s32 $0x10, s26  }
0x6d: {  	[tilespmem:s20], [sflag:$0x2] =	stream.linear.gather [hbm4b:s1+s4], $0x80, $0x38;
	[tilespmem:$0x1FB00] =	vst v63  }
0x6e: {  	p1 =	sne.s32 s26, $0x300;
	_ =	swait.ge [sflag:s19], $0x80  }
0x6f: {  	[sflag:s19] =	ssyncset.done $0x0  }
0x70: {  	[sflag:s19] =	ssyncadd.s32 $0xFFFFFF80  }
0x71: {  	[tilespmem:s4], [sflag:$0x1] =	stream.indirect.gather [hbm4b:s6+s21], $0x40, s20, s21, $0xb8;
	[tilespmem:$0x1FB00] =	vst v63  }
0x72: {  	s1 =	sadd.s32 s25, s16;
	s25 =	smov.u32 s28  }
0x73: {  	[tilespmem:s22], [sflag:$0x2] =	stream.linear.gather [hbm4b:s1+s4], $0x80, $0x38;
	[tilespmem:$0x1FB00] =	vst v63  }
0x74: {  	_ =	swait.ge [sflag:s19], $0x80  }
0x75: {  	[sflag:s19] =	ssyncset.done $0x0  }
0x76: {  	[sflag:s19] =	ssyncadd.s32 $0xFFFFFF80  }
0x77: {  	_ =	swait.ge [sflag:s23], $0x2000  }
.Ltmp2:
0x78: {  	[sflag:s23] =	ssyncset.done $0x0;
	(pc) =	sbr.rel @p1 .LBB2_6-.Ltmp2, $4  }
0x79: {  	[sflag:s23] =	ssyncadd.s32 $0xFFFFE000  }
0x7a: {  	[spmem:s3] =	stream.indirect.scatter.add.f32 [tilespmem:s4], [sflag:$0x2], $0x40, s22, s21, $0xb8;
	[tilespmem:$0x1FB00] =	vst v63  }
0x7b: {  	_ =	swait.ge [sflag:s19], $0x2000  }
0x7c: {  	s26 =	smov.u32 s29;
	[sflag:s19] =	ssyncset.done $0x0  }
0x7d: {  	s1 =	sadd.s32 s25, s17;
	[sflag:s19] =	ssyncadd.s32 $0xFFFFE000  }
0x7e: {  	[tilespmem:s20], [sflag:$0x2] =	stream.linear.gather [hbm4b:s1+s4], $0x80, $0x38;
	[tilespmem:$0x1FB00] =	vst v63  }
0x7f: {  	_ =	swait.ge [sflag:s19], $0x80  }
0x80: {  	[sflag:s19] =	ssyncset.done $0x0  }
0x81: {  	[sflag:s19] =	ssyncadd.s32 $0xFFFFFF80  }
0x82: {  	[tilespmem:s4], [sflag:$0x1] =	stream.indirect.gather [hbm4b:s6+s21], $0x40, s20, s21, $0xb8;
	[tilespmem:$0x1FB00] =	vst v63  }
0x83: {  	s28 =	sadd.s32 s25, s16  }
0x84: {  	[tilespmem:s22], [sflag:$0x2] =	stream.linear.gather [hbm4b:s28+s4], $0x80, $0x38;
	[tilespmem:$0x1FB00] =	vst v63  }
0x85: {  	_ =	swait.ge [sflag:s19], $0x80  }
0x86: {  	[sflag:s19] =	ssyncset.done $0x0  }
0x87: {  	[sflag:s19] =	ssyncadd.s32 $0xFFFFFF80  }
0x88: {  	_ =	swait.ge [sflag:s23], $0x2000  }
0x89: {  	[sflag:s23] =	ssyncset.done $0x0  }
0x8a: {  	[sflag:s23] =	ssyncadd.s32 $0xFFFFE000  }
0x8b: {  	[spmem:s3] =	stream.indirect.scatter.add.f32 [tilespmem:s4], [sflag:$0x2], $0x40, s22, s21, $0xb8;
	[tilespmem:$0x1FB00] =	vst v63  }
0x8c: {  	_ =	swait.ge [sflag:s19], $0x2000  }
0x8d: {  	[sflag:s19] =	ssyncset.done $0x0  }
0x8e: {  	s29 =	sshll.u32 s0, $0x6;
	[sflag:s19] =	ssyncadd.s32 $0xFFFFE000  }
0x8f: {  	s30 =	sshrl.u32 s7, $0x3;
	s1 =	sor.u32 $0x1C02, s29;
	[bflag:$0x0] =	sbarrier.arrive $0xFFFF  }
0x90: {  	[hbm:s9], [sflag:s1] =	dma.local [spmem:s30], $0x13C0  }
0x91: {  	_ =	swait.ge [sflag:s19], $0x13C0  }
0x92: {  	[sflag:s19] =	ssyncset.done $0x0  }
0x93: {  	s31 =	sshrl.u32 s8, $0x3;
	[sflag:s19] =	ssyncadd.s32 $0xFFFFEC40  }
0x94: {  	[hbm:s10], [sflag:s1] =	dma.local [spmem:s31], $0x13C0  }
0x95: {  	_ =	swait.ge [sflag:s19], $0x13C0  }
0x96: {  	s25 =	simm.s32 @!p0 $0x2100;
	[sflag:s19] =	ssyncset.done $0x0  }
0x97: {  	s26 =	simm.s32 @!p0 $0x2;
	s1 =	simm.s32 @!p0 $0x0;
	[sflag:s19] =	ssyncadd.s32 $0xFFFFEC40  }
0x98: {  	[hbm4b:s11+s1] =	stream.linear.scatter @!p0 [tilespmem:s25], [sflag:$0x2], $0x2000, $0x38;
	[tilespmem:$0x1FB00] =	vst v63  }
0x99: {  	s24 =	sadd.s32 $0x1, s24;
	_ =	swait.ge @!p0 [sflag:s26], $0x2000  }
0x9a: {  	p1 =	sne.s32 s24, s13;
	[sflag:s26] =	ssyncset.done @!p0 $0x0  }
.Ltmp3:
0x9b: {  	[sflag:s26] =	ssyncadd.s32 @!p0 $0xFFFFE000;
	(pc) =	sbr.rel @p1 .LBB2_1-.Ltmp3, $4  }
0x9c: {  	[hbm4b:s12+s1] =	stream.linear.scatter @!p0 [tilespmem:s25], [sflag:$0x2], $0x2000, $0x38;
	[tilespmem:$0x1FB00] =	vst v63  }
0x9d: {  	_ =	swait.ge @!p0 [sflag:s26], $0x2000  }
0x9e: {  	[sflag:s26] =	ssyncset.done @!p0 $0x0  }
0x9f: {  	[sflag:s26] =	ssyncadd.s32 @!p0 $0xFFFFE000  }
0xa0: {  	_ =	sfence.sel $0x180000  }
0xa1: {  	[bflag:$0x0] =	sbarrier.arrive $0xFFFF  }
0xa2: {  	_ =	strace $0x9000004D  }
0xa3: {  	[bflag:$0x2] =	sbarrier.arrive $0xFFFF  }
0xa4: {  	p0 =	sne.s32 s0, $0x0;
	s0 =	rddreg [dreg:$0x4]  }
0xa5: {  	s0 =	sadd.s32 @!p0 $0x100000, s0  }
0xa6: {  	[sflag:s0] =	ssyncadd.tile.s32 @!p0 $0x1;
	_ =	shalt  }
.Lfunc_end2:
_tile_overlayer_lowered:
.L_overlay_start_2:
0xa7: {  	(tag) =	ssettag $0x2  }
0xa8: {  	s0 =	rddreg [dreg:$0x0];
	s2 =	stileid.u32  }
0xa9: {  	s1 =	rddreg [dreg:$0x1];
	p0 =	sne.s32 s2, $0x0  }
0xaa: {  	s3 =	rddreg [dreg:$0x2];
	[bflag:$0x3] =	sbarrier.arrive $0xFFFF;
	s2 =	simm.s32 @!p0 $0x1C02  }
0xab: {  	[timem:s3], [sflag:s2] =	dma.local @!p0 [hbm:s0], s1  }
0xac: {  	s0 =	simm.s32 @!p0 $0x2  }
0xad: {  	_ =	swait.ge @!p0 [sflag:s0], s1  }
0xae: {  	s1 =	ssub.s32 @!p0 $0x0, s1;
	[sflag:s0] =	ssyncset.done @!p0 $0x0  }
0xaf: {  	[sflag:s0] =	ssyncadd.s32 @!p0 s1  }
0xb0: {  	[bflag:$0x3] =	sbarrier.arrive $0xFFFF  }
0xb1: {  	_ =	shalt  }

// kernel: kernel.9.cloned.1.call-start
scs
__scs_entry_jumppad:
0x0: {  	(pc) =	sbr.rel $0x88, $3  }
0x1: {  	(tag) =	ssettag $0x0;
	lr =	simm.s32 $0x1  }
0x2: {  	[smem:$0x3F94] =	sst lr;
	_ =	strace $0xD0000000  }
0x3: {  	_ = 	snop  }
0x4: {  	_ = 	snop  }
0x5: {  	_ = 	snop  }
0x6: {  	_ = 	snop  }
0x7: {  	_ = 	snop  }
__scs_overlays_trampoline_lowered:
0x8: {  	[smem:$0x3FA3] =	sst s0  }
0x9: {  	[smem:$0x3FA4] =	sst s1  }
0xa: {  	[smem:$0x3FA5] =	sst s2  }
0xb: {  	[smem:$0x3FA6] =	sst s3  }
0xc: {  	[smem:$0x3FA7] =	sst s4  }
0xd: {  	[smem:$0x3FA8] =	sst s5  }
0xe: {  	[smem:$0x3FA9] =	sst s6  }
0xf: {  	[smem:$0x3FAA] =	sst s7  }
0x10: {  	[smem:$0x3FAB] =	sst s8  }
0x11: {  	[smem:$0x3FAC] =	sst s9;
	s0 =	simm.s32 @!p0 $0x0  }
0x12: {  	s1 =	sld [smem:$0x3F92];
	s0 =	simm.s32 @p0 $0x1  }
0x13: {  	[smem:$0x3FAD] =	sst s0;
	s0 =	simm.s32 @!p1 $0x0  }
0x14: {  	s2 =	sld [smem:$0x3F91];
	s0 =	simm.s32 @p1 $0x1  }
0x15: {  	[smem:$0x3FAE] =	sst s0;
	s0 =	simm.s32 @!p2 $0x0  }
0x16: {  	s3 =	sld [smem:$0x3FDB];
	s0 =	simm.s32 @p2 $0x1  }
0x17: {  	s4 =	simm.s32 $0x1BF5;
	[smem:$0x3FB0] =	sst s0  }
0x18: {  	s0 =	sld [smem:$0x3F93];
	_ =	swait.ge [sflag:s4], $0x0  }
0x19: {  	s7 =	sld [smem:$0x3F94]  }
0x1a: {  	s8 =	sadd.s32 $0xFFFFE003, lr  }
0x1b: {  	s9 =	sadd.s32 $0xFFFFFEF7, lr;
	s5 =	simm.s32 $0xFFFFFFFF;
	p2 =	slt.u32 s8, $0xFFFFF086  }
0x1c: {  	p1 =	slt.u32 s9, $0xF7A;
	s5 =	simm.s32 @!p2 $0x0  }
0x1d: {  	s5 =	simm.s32 @p1 $0x1;
	p0 =	seq.s32 s7, s2  }
0x1e: {  	s7 =	smul.u32 @!p0 $0xF7A, s2;
	p2 =	seq.s32 @!p0 s5, $0x0  }
0x1f: {  	s9 =	smul.u32 $0xF7A, s1;
	s8 =	simm.s32 @!p0 $0x1BF5;
	p2 =	por !p2, p0  }
0x20: {  	[sflag:s8] =	ssyncset.s32 @!p0 $0xFFFFF086;
	s6 =	sadd.s32 @!p0 s3, s7;
	s7 =	simm.s32 @!p0 $0x108  }
0x21: {  	s3 =	sadd.s32 s3, s9;
	s6 =	sadd.s32 @!p0 $0x88, s6;
	s7 =	simm.s32 @p2 $0x1082  }
0x22: {  	[simem:s7], [sflag:s8] =	dma.local @!p0 [hbm:s6], $0xF7A  }
0x23: {  	s9 =	sor.u32 $0xD0000000, s2;
	s6 =	simm.s32 $0x108;
	_ =	swait.ge @!p0 [sflag:s8], $0x0  }
0x24: {  	s3 =	sadd.s32 $0x88, s3;
	s6 =	simm.s32 @!p1 $0x1082;
	[sflag:s4] =	ssyncset.s32 $0xFFFFF086  }
0x25: {  	[simem:s6], [sflag:s4] =	dma.local [hbm:s3], $0xF7A  }
0x26: {  	[smem:$0x3F94] =	sst s1;
	(tag) =	ssettag s2;
	_ =	strace s9  }
0x27: {  	s1 =	sld [smem:$0x3FA4]  }
0x28: {  	s2 =	sld [smem:$0x3FA5]  }
0x29: {  	s4 =	sld [smem:$0x3FA7]  }
0x2a: {  	p0 =	seq.s32 s5, $0x0;
	s5 =	sld [smem:$0x3FA8]  }
0x2b: {  	s6 =	sld [smem:$0x3FA9]  }
0x2c: {  	s7 =	sld [smem:$0x3FAA]  }
0x2d: {  	s3 =	simm.s32 $0x108;
	s8 =	sld [smem:$0x3FAB]  }
0x2e: {  	s3 =	simm.s32 @!p0 $0x1082;
	s9 =	sld [smem:$0x3FAC]  }
0x2f: {  	lr =	sadd.s32 s0, s3;
	s0 =	sld [smem:$0x3FA3]  }
0x30: {  	s3 =	sld [smem:$0x3FA6]  }
0x31: {  	[smem:$0x3FAF] =	sst s10  }
0x32: {  	s10 =	sld [smem:$0x3FAD];
	_ =	sdelay $0x3  }
0x33: {  	p0 =	seq.s32 s10, $0x1;
	s10 =	sld [smem:$0x3FAF];
	_ =	sdelay $0x3  }
0x34: {  	[smem:$0x3FAF] =	sst s10  }
0x35: {  	s10 =	sld [smem:$0x3FAE];
	_ =	sdelay $0x3  }
0x36: {  	p1 =	seq.s32 s10, $0x1;
	s10 =	sld [smem:$0x3FAF];
	_ =	sdelay $0x3  }
0x37: {  	[smem:$0x3FAF] =	sst s10  }
0x38: {  	s10 =	sld [smem:$0x3FB0]  }
0x39: {  	_ = 	snop;
	(pc) =	sbr.ind lr, $3  }
0x3a: {  	_ = 	snop  }
0x3b: {  	_ = 	snop  }
0x3c: {  	p2 =	seq.s32 s10, $0x1;
	s10 =	sld [smem:$0x3FAF]  }
0x3d: {  	_ =	shalt  }
0x3e: {  	_ =	shalt  }
0x3f: {  	_ =	shalt  }
0x40: {  	_ =	shalt  }
0x41: {  	_ =	shalt  }
0x42: {  	_ =	shalt  }
0x43: {  	_ =	shalt  }
0x44: {  	_ =	shalt  }
0x45: {  	_ =	shalt  }
0x46: {  	_ =	shalt  }
0x47: {  	_ =	shalt  }
0x48: {  	_ =	shalt  }
0x49: {  	_ =	shalt  }
0x4a: {  	_ =	shalt  }
0x4b: {  	_ =	shalt  }
0x4c: {  	_ =	shalt  }
0x4d: {  	_ =	shalt  }
0x4e: {  	_ =	shalt  }
0x4f: {  	_ =	shalt  }
0x50: {  	_ =	shalt  }
0x51: {  	_ =	shalt  }
0x52: {  	_ =	shalt  }
0x53: {  	_ =	shalt  }
0x54: {  	_ =	shalt  }
0x55: {  	_ =	shalt  }
0x56: {  	_ =	shalt  }
0x57: {  	_ =	shalt  }
0x58: {  	_ =	shalt  }
0x59: {  	_ =	shalt  }
0x5a: {  	_ =	shalt  }
0x5b: {  	_ =	shalt  }
0x5c: {  	_ =	shalt  }
0x5d: {  	_ =	shalt  }
0x5e: {  	_ =	shalt  }
0x5f: {  	_ =	shalt  }
0x60: {  	_ =	shalt  }
0x61: {  	_ =	shalt  }
0x62: {  	_ =	shalt  }
0x63: {  	_ =	shalt  }
0x64: {  	_ =	shalt  }
0x65: {  	_ =	shalt  }
0x66: {  	_ =	shalt  }
0x67: {  	_ =	shalt  }
0x68: {  	_ =	shalt  }
0x69: {  	_ =	shalt  }
0x6a: {  	_ =	shalt  }
0x6b: {  	_ =	shalt  }
0x6c: {  	_ =	shalt  }
0x6d: {  	_ =	shalt  }
0x6e: {  	_ =	shalt  }
0x6f: {  	_ =	shalt  }
0x70: {  	_ =	shalt  }
0x71: {  	_ =	shalt  }
0x72: {  	_ =	shalt  }
0x73: {  	_ =	shalt  }
0x74: {  	_ =	shalt  }
0x75: {  	_ =	shalt  }
0x76: {  	_ =	shalt  }
0x77: {  	_ =	shalt  }
0x78: {  	_ =	shalt  }
0x79: {  	_ =	shalt  }
0x7a: {  	_ =	shalt  }
0x7b: {  	_ =	shalt  }
0x7c: {  	_ =	shalt  }
0x7d: {  	_ =	shalt  }
0x7e: {  	_ =	shalt  }
0x7f: {  	_ =	shalt  }
0x80: {  	_ =	shalt  }
0x81: {  	_ =	shalt  }
0x82: {  	_ =	shalt  }
0x83: {  	_ =	shalt  }
0x84: {  	_ =	shalt  }
0x85: {  	_ =	shalt  }
0x86: {  	_ =	shalt  }
0x87: {  	_ =	shalt  }
.Lfunc_end0:
.L_simem_size_0:
called_computation_lowered:
.L_overlay_start_0:
0x88: {  	s2 =	sld [smem:$0x3FD9]  }
0x89: {  	s3 =	sld [smem:$0x3FFE];
	_ =	sdelay $0x1  }
0x8a: {  	s1 =	srdreg.scid  }
0x8b: {  	s0 =	sand.u32 $0x1, s1  }
0x8c: {  	s17 =	sshll.u32 s0, $0xA;
	s2 =	sadd.s32 s3, s2  }
0x8d: {  	s2 =	sadd.s32 s2, s17  }
0x8e: {  	[smem:$0x3FBB] =	sst s2  }
0x8f: {  	_ = 	snop  }
0x90: {  	s2 =	sld [smem:$0x3FD0];
	(tm) =	ssettm $0x1  }
0x91: {  	s18 =	sld [smem:$0x3FFB];
	_ =	sdelay $0x3  }
0x92: {  	_ =	strace s18  }
0x93: {  	s3 =	sld [smem:$0x3FFC];
	_ =	sdelay $0x3  }
0x94: {  	_ =	strace s3  }
0x95: {  	s3 =	sld [smem:$0x3FFD];
	_ =	sdelay $0x3  }
0x96: {  	_ =	strace s3  }
0x97: {  	_ =	strace $0x8FFFFFFF  }
0x98: {  	s19 =	sld [smem:$0x3FDB];
	_ =	sdelay $0x1  }
0x99: {  	s4 =	simm.s32 $_scs_section_size  }
0x9a: {  	s5 =	simm.s32 $_size__tile_overlayer_lowered;
	s6 =	simm.s32 $_tile_overlayer_lowered  }
0x9b: {  	s22 =	simm.s32 $0x1BFF;
	s21 =	sshll.u32 s6, $0x1;
	s3 =	sadd.s32 s4, s19  }
0x9c: {  	s7 =	simm.s32 $0x0;
	s20 =	sshll.u32 s5, $0x1;
	s5 =	sadd.s32 s21, s3  }
0x9d: {  	[timem:s7], [sflag:s22] =	dma.local [hbm:s5], s20  }
0x9e: {  	_ =	swait.ge [sflag:s22], s20  }
0x9f: {  	s4 =	ssub.s32 $0x0, s20;
	[sflag:s22] =	ssyncset.done $0x0  }
0xa0: {  	[sflag:s22] =	ssyncadd.s32 s4;
	_ =	sdelay $0x1  }
0xa1: {  	s23 =	simm.s32 $0x1B8B  }
0xa2: {  	_ =	swait.ge [sflag:s23], $0x1  }
0xa3: {  	[sflag:s23] =	ssyncset.done $0x0  }
0xa4: {  	s25 =	simm.s32 $0x1B8E;
	s24 =	sld [smem:$0x3FFE];
	[sflag:s23] =	ssyncadd.s32 $0xFFFFFFFF  }
0xa5: {  	s26 =	simm.s32 $execute0_lowered;
	[smem:$0x3FD2] =	sst s25  }
0xa6: {  	s5 =	sshll.u32 s26, $0x1;
	_ =	strace $0x80000046;
	[dreg:$0x1] =	wrdreg $0xFFFFFFFF  }
0xa7: {  	s28 =	simm.s32 $_size_execute0_lowered;
	s3 =	sadd.s32 s3, s5;
	[dreg:$0x0] =	wrdreg $0x0  }
0xa8: {  	s5 =	sshll.u32 s28, $0x1;
	[dreg:$0x2] =	wrdreg s3  }
0xa9: {  	[dreg:$0x3] =	wrdreg s5  }
0xaa: {  	[dreg:$0x4] =	wrdreg $0xC0  }
0xab: {  	_ =	task [dreg:s7], $0x5FFFF  }
0xac: {  	[dreg:$0x1] =	wrdreg $0xFFFFFFFF  }
0xad: {  	[dreg:$0x0] =	wrdreg $0x60  }
0xae: {  	[dreg:$0x2] =	wrdreg s2  }
0xaf: {  	[dreg:$0x3] =	wrdreg s24  }
0xb0: {  	[dreg:$0x4] =	wrdreg $0x30000  }
0xb1: {  	[dreg:$0x5] =	wrdreg $0x57800  }
0xb2: {  	[dreg:$0x6] =	wrdreg $0x9  }
0xb3: {  	_ =	task.clear_ibuf [dreg:s7], $0x7FFFF;
	_ =	strace $0x90000046  }
0xb4: {  	s29 =	simm.s32 $0x9;
	_ =	strace $0x80000048  }
0xb5: {  	_ =	swait.ge [sflag:s29], $0x1  }
0xb6: {  	[sflag:s29] =	ssyncadd.s32 $0xFFFFFFFF  }
0xb7: {  	_ =	strace $0x90000048  }
0xb8: {  	_ =	sfence  }
0xb9: {  	s30 =	sld [smem:$0x0];
	_ =	sdelay $0x2  }
0xba: {  	s31 =	sshll.u32 s1, $0xD;
	s1 =	sshrl.u32 s1, $0x2  }
0xbb: {  	s3 =	sand.u32 $0x4000, s31;
	s1 =	sadd.s32 s1, s30  }
0xbc: {  	s0 =	sor.u32 s3, s0;
	s1 =	sshll.u32 s1, $0x11  }
0xbd: {  	s0 =	sor.u32 s1, s0  }
0xbe: {  	s0 =	sadd.s32 $0x8F2B, s0  }
0xbf: {  	[sflag:s0] =	ssyncadd.remote.s32 $0x1  }
0xc0: {  	_ =	sfence.sel $0xFFFF  }
0xc1: {  	[dreg:$0x0] =	wrdreg $0xFFFFFFFF;
	(pc) =	sbr.abs _section_cstart, $3  }
0xc2: {  	[dreg:$0x1] =	wrdreg $0xFFFFFFFF  }
0xc3: {  	_ =	task.clear_ibuf [dreg:s7], $0x2FFFF;
	_ =	strace $0x9FFFFFFF  }
0xc4: {  	(tm) =	ssettm $0x7FFFFFFF  }
0xc5: {  	_ =	shalt  }
tec
execute0_lowered:
.L_overlay_start_1:
0x0: {  	(tag) =	ssettag $0x1  }
0x1: {  	s1 =	rddreg [dreg:$0x0]  }
0x2: {  	s2 =	srdreg.scid;
	s5 =	rddreg [dreg:$0x1]  }
0x3: {  	s0 =	stileid.u32;
	s3 =	rddreg [dreg:$0x3]  }
0x4: {  	s4 =	simm.s32 $0x0;
	s20 =	simm.s32 $0x880;
	s7 =	smul.u32 $0x2780, s0  }
0x5: {  	s21 =	simm.s32 $0x1;
	s6 =	sand.u32 $0x1, s2;
	s10 =	smul.u32 $0x1880, s0  }
0x6: {  	s22 =	simm.s32 $0x80;
	s2 =	rddreg [dreg:$0x2];
	s8 =	smul.u32 $0x27800, s6  }
0x7: {  	s23 =	simm.s32 $0x0;
	[smem:$0x7FF] =	sst s4;
	s9 =	smul.u32 $0x18800, s6  }
0x8: {  	s28 =	sadd.s32 $0x19800, s5;
	s26 =	smul.u32 $0xA0000, s6;
	s6 =	ssub.s32 $0x2, s6  }
0x9: {  	p0 =	sne.s32 s0, $0xF;
	_ =	strace $0x80000047;
	s29 =	sshrl.u32 s6, $0x1  }
0xa: {  	s8 =	sadd.s32 s7, s8;
	s9 =	sadd.s32 s10, s9;
	s30 =	sadd.s32 s7, s26  }
0xb: {  	s15 =	ssub.s32 s6, s29;
	s16 =	sshrl.u32 s8, $0x3;
	s25 =	sshrl.u32 s9, $0x3  }
0xc: {  	s31 =	sshrl.u32 s30, $0x3;
	s9 =	sshrl.u32 s26, $0x3;
	s15 =	smax.u32 s15, $0x1  }
0xd: {  	s17 =	sadd.s32 s16, s5;
	s19 =	sadd.s32 s25, s5;
	s5 =	sadd.s32 s7, s2  }
0xe: {  	s6 =	sadd.s32 s28, s31;
	s14 =	sadd.s32 s28, s9;
	s7 =	sadd.s32 s7, s3  }
0xf: {  	s16 =	sadd.s32 s16, s1;
	s8 =	sadd.s32 $0x5000, s6;
	s9 =	sadd.s32 $0x4F00, s14  }
0x10: {  	s10 =	sadd.s32 $0x9F00, s14;
	s11 =	sadd.s32 $0xA000, s6;
	s12 =	sadd.s32 $0xF000, s6  }
0x11: {  	s13 =	sadd.s32 $0xEF00, s14;
	s14 =	sadd.s32 $0x13F00, s14;
	s17 =	sadd.s32 $0xFA00, s17  }
0x12: {  	v0 =	vimm.f32 $1.000000000e+00;
	v1 =	vimm.f32 $0.0e+00;
	s18 =	sadd.s32 $0x9800, s19;
	s19 =	sadd.s32 $0x3600, s19;
	[dreg:$0x5] =	wrdreg s9  }
.LBB2_1:
0x13: {  	s1 =	simm.s32 $0x0  }
.LBB2_2:
0x14: {  	p1 =	sne.s32 s1, $0x1FC0  }
.Ltmp0:
0x15: {  	_ = 	snop;
	(pc) =	sbr.rel @p1 .LBB2_2-.Ltmp0, $3  }
0x16: {  	_ =	sdelay $0x1  }
0x17: {  	s24 =	sshra.s32 s1, $0x2  }
0x18: {  	s1 =	sadd.s32 $0x40, s1;
	[tilespmem:s24+$0x80] =	vst v0  }
0x19: {  	s24 =	simm.s32 $0x40;
	s1 =	simm.s32 $0x0  }
.LBB2_4:
0x1a: {  	p1 =	sne.s32 s24, $0x9DC0;
	[tilespmem:s1+$0x880] =	vst v1;
	s1 =	smov.u32 s24;
	s24 =	sadd.s32 $0x40, s24  }
.Ltmp1:
0x1b: {  	(pc) =	sbr.rel @p1 .LBB2_4-.Ltmp1, $2  }
0x1c: {  	_ =	sdelay $0x2  }
0x1d: {  	s1 =	sshra.s32 s1, $0x2  }
0x1e: {  	[tilespmem:s1+$0x880] =	vst v1  }
0x1f: {  	[spmem:s5] =	stream.linear.scatter [tilespmem:s20], [sflag:$0x1], $0x2780, $0x38;
	[tilespmem:$0x7F00] =	vst v63  }
0x20: {  	_ =	swait.ge [sflag:s21], $0x2780  }
0x21: {  	[sflag:s21] =	ssyncset.done $0x0  }
0x22: {  	[sflag:s21] =	ssyncadd.s32 $0xFFFFD880  }
0x23: {  	[spmem:s7] =	stream.linear.scatter [tilespmem:s20], [sflag:$0x1], $0x2780, $0x38;
	[tilespmem:$0x7F00] =	vst v63  }
0x24: {  	_ =	swait.ge [sflag:s21], $0x2780  }
0x25: {  	[sflag:s21] =	ssyncset.done $0x0  }
0x26: {  	[sflag:s21] =	ssyncadd.s32 $0xFFFFD880  }
0x27: {  	s25 =	simm.s32 $0x0;
	s31 =	sadd.s32 $0x0, s16;
	[bflag:$0x0] =	sbarrier.arrive $0xFFFF  }
0x28: {  	[tilespmem:s25], [sflag:$0x1] =	stream.linear.gather [hbm4b:s31+s25], $0x80, $0x38;
	[tilespmem:$0x7F00] =	vst v63  }
0x29: {  	_ =	swait.ge [sflag:s21], $0x80  }
0x2a: {  	[sflag:s21] =	ssyncset.done $0x0  }
0x2b: {  	[sflag:s21] =	ssyncadd.s32 $0xFFFFFF80  }
0x2c: {  	[spmem:s2] =	stream.indirect.scatter.add.f32 [tilespmem:s22], [sflag:$0x1], $0x10, s25, s22, $0xb8;
	[tilespmem:$0x7F00] =	vst v63  }
0x2d: {  	s24 =	simm.s32 $0x10;
	_ =	swait.ge [sflag:s21], $0x800  }
0x2e: {  	s28 =	simm.s32 $0x20;
	s26 =	simm.s32 $0x10;
	[sflag:s21] =	ssyncset.done $0x0  }
.LBB2_6:
0x2f: {  	s1 =	sadd.s32 s26, s16  }
0x30: {  	[sflag:s21] =	ssyncadd.s32 $0xFFFFF800;
	s26 =	smov.u32 s28;
	s29 =	sadd.s32 $0x10, s28  }
0x31: {  	[tilespmem:s25], [sflag:$0x1] =	stream.linear.gather [hbm4b:s1+s25], $0x80, $0x38;
	[tilespmem:$0x7F00] =	vst v63  }
0x32: {  	p1 =	sne.s32 s28, $0x4E0;
	_ =	swait.ge [sflag:s21], $0x80  }
.Ltmp2:
0x33: {  	[sflag:s21] =	ssyncset.done $0x0;
	(pc) =	sbr.rel @p1 .LBB2_6-.Ltmp2, $4  }
0x34: {  	[sflag:s21] =	ssyncadd.s32 $0xFFFFFF80  }
0x35: {  	[spmem:s2] =	stream.indirect.scatter.add.f32 [tilespmem:s22], [sflag:$0x1], $0x10, s25, s22, $0xb8;
	[tilespmem:$0x7F00] =	vst v63  }
0x36: {  	_ =	swait.ge [sflag:s21], $0x800  }
0x37: {  	s28 =	smov.u32 s29;
	[sflag:s21] =	ssyncset.done $0x0  }
0x38: {  	s1 =	sadd.s32 s26, s16;
	[sflag:s21] =	ssyncadd.s32 $0xFFFFF800  }
0x39: {  	[tilespmem:s25], [sflag:$0x1] =	stream.linear.gather [hbm4b:s1+s25], $0x80, $0x38;
	[tilespmem:$0x7F00] =	vst v63  }
0x3a: {  	_ =	swait.ge [sflag:s21], $0x80  }
0x3b: {  	[sflag:s21] =	ssyncset.done $0x0  }
0x3c: {  	[sflag:s21] =	ssyncadd.s32 $0xFFFFFF80  }
0x3d: {  	[spmem:s2] =	stream.indirect.scatter.add.f32 [tilespmem:s22], [sflag:$0x1], $0x10, s25, s22, $0xb8;
	[tilespmem:$0x7F00] =	vst v63  }
0x3e: {  	_ =	swait.ge [sflag:s21], $0x800  }
0x3f: {  	[sflag:s21] =	ssyncset.done $0x0  }
0x40: {  	s31 =	sadd.s32 $0x0, s17;
	[sflag:s21] =	ssyncadd.s32 $0xFFFFF800  }
0x41: {  	[tilespmem:s4], [sflag:$0x1] =	stream.linear.gather [hbm4b:s31+s4], $0x80, $0x38;
	[tilespmem:$0x7F00] =	vst v63  }
0x42: {  	_ =	swait.ge [sflag:s21], $0x80  }
0x43: {  	[sflag:s21] =	ssyncset.done $0x0  }
0x44: {  	[sflag:s21] =	ssyncadd.s32 $0xFFFFFF80  }
0x45: {  	[spmem:s3] =	stream.indirect.scatter.add.f32 [tilespmem:s22], [sflag:$0x1], $0x10, s4, s22, $0xb8;
	[tilespmem:$0x7F00] =	vst v63  }
0x46: {  	_ =	swait.ge [sflag:s21], $0x800  }
0x47: {  	s1 =	simm.s32 $0x20;
	[sflag:s21] =	ssyncset.done $0x0  }
.LBB2_8:
0x48: {  	s25 =	sadd.s32 s24, s17  }
0x49: {  	[sflag:s21] =	ssyncadd.s32 $0xFFFFF800;
	s24 =	smov.u32 s1;
	s26 =	sadd.s32 $0x10, s1  }
0x4a: {  	[tilespmem:s4], [sflag:$0x1] =	stream.linear.gather [hbm4b:s25+s4], $0x80, $0x38;
	[tilespmem:$0x7F00] =	vst v63  }
0x4b: {  	p1 =	sne.s32 s1, $0x4E0;
	_ =	swait.ge [sflag:s21], $0x80  }
.Ltmp3:
0x4c: {  	[sflag:s21] =	ssyncset.done $0x0;
	(pc) =	sbr.rel @p1 .LBB2_8-.Ltmp3, $4  }
0x4d: {  	[sflag:s21] =	ssyncadd.s32 $0xFFFFFF80  }
0x4e: {  	[spmem:s3] =	stream.indirect.scatter.add.f32 [tilespmem:s22], [sflag:$0x1], $0x10, s4, s22, $0xb8;
	[tilespmem:$0x7F00] =	vst v63  }
0x4f: {  	_ =	swait.ge [sflag:s21], $0x800  }
0x50: {  	s1 =	smov.u32 s26;
	[sflag:s21] =	ssyncset.done $0x0  }
0x51: {  	s1 =	sadd.s32 s24, s17;
	[sflag:s21] =	ssyncadd.s32 $0xFFFFF800  }
0x52: {  	[tilespmem:s4], [sflag:$0x1] =	stream.linear.gather [hbm4b:s1+s4], $0x80, $0x38;
	[tilespmem:$0x7F00] =	vst v63  }
0x53: {  	_ =	swait.ge [sflag:s21], $0x80  }
0x54: {  	[sflag:s21] =	ssyncset.done $0x0  }
0x55: {  	[sflag:s21] =	ssyncadd.s32 $0xFFFFFF80  }
0x56: {  	[spmem:s3] =	stream.indirect.scatter.add.f32 [tilespmem:s22], [sflag:$0x1], $0x10, s4, s22, $0xb8;
	[tilespmem:$0x7F00] =	vst v63  }
0x57: {  	_ =	swait.ge [sflag:s21], $0x800  }
0x58: {  	s0 =	stileid.u32;
	[sflag:s21] =	ssyncset.done $0x0  }
0x59: {  	s0 =	sshll.u32 s0, $0x6;
	[sflag:s21] =	ssyncadd.s32 $0xFFFFF800  }
0x5a: {  	s25 =	sshrl.u32 s5, $0x3;
	s24 =	sor.u32 $0x1C01, s0;
	[bflag:$0x0] =	sbarrier.arrive $0xFFFF  }
0x5b: {  	[hbm:s6], [sflag:s24] =	dma.local [spmem:s25], $0x4F0  }
0x5c: {  	_ =	swait.ge [sflag:s21], $0x4F0  }
0x5d: {  	[sflag:s21] =	ssyncset.done $0x0  }
0x5e: {  	s26 =	sshrl.u32 @p0 s7, $0x3;
	s1 =	simm.s32 @p0 $0x1;
	[sflag:s21] =	ssyncadd.s32 $0xFFFFFB10  }
0x5f: {  	[hbm:s8], [sflag:s24] =	dma.local @p0 [spmem:s26], $0x4F0  }
0x60: {  	_ =	swait.ge @p0 [sflag:s1], $0x4F0  }
0x61: {  	s29 =	simm.s32 @!p0 $0x880;
	s30 =	simm.s32 @!p0 $0x1;
	[sflag:s1] =	ssyncset.done @p0 $0x0  }
0x62: {  	s0 =	rddreg [dreg:$0x5];
	[sflag:s1] =	ssyncadd.s32 @p0 $0xFFFFFB10;
	s1 =	simm.s32 @!p0 $0x0  }
0x63: {  	[hbm4b:s0+s1] =	stream.linear.scatter @!p0 [tilespmem:s29], [sflag:$0x1], $0x800, $0x38;
	[tilespmem:$0x7F00] =	vst v63  }
0x64: {  	_ =	swait.ge @!p0 [sflag:s30], $0x800  }
0x65: {  	[sflag:s30] =	ssyncset.done @!p0 $0x0  }
0x66: {  	s28 =	sshrl.u32 @!p0 s7, $0x3;
	[sflag:s30] =	ssyncadd.s32 @!p0 $0xFFFFF800  }
0x67: {  	[hbm:s8], [sflag:s24] =	dma.local @!p0 [spmem:s28], $0x4F0  }
0x68: {  	_ =	swait.ge @!p0 [sflag:s30], $0x4F0  }
0x69: {  	[sflag:s30] =	ssyncset.done @!p0 $0x0  }
0x6a: {  	[sflag:s30] =	ssyncadd.s32 @!p0 $0xFFFFFB10  }
0x6b: {  	[hbm4b:s10+s1] =	stream.linear.scatter @!p0 [tilespmem:s29], [sflag:$0x1], $0x800, $0x38;
	[tilespmem:$0x7F00] =	vst v63  }
0x6c: {  	_ =	swait.ge @!p0 [sflag:s30], $0x800  }
0x6d: {  	[sflag:s30] =	ssyncset.done @!p0 $0x0  }
0x6e: {  	[sflag:s30] =	ssyncadd.s32 @!p0 $0xFFFFF800  }
0x6f: {  	[spmem:s5] =	stream.linear.scatter [tilespmem:s20], [sflag:$0x1], $0x2780, $0x38;
	[tilespmem:$0x7F00] =	vst v63  }
0x70: {  	_ =	swait.ge [sflag:s21], $0x2780  }
0x71: {  	[sflag:s21] =	ssyncset.done $0x0  }
0x72: {  	[sflag:s21] =	ssyncadd.s32 $0xFFFFD880  }
0x73: {  	[spmem:s7] =	stream.linear.scatter [tilespmem:s20], [sflag:$0x1], $0x2780, $0x38;
	[tilespmem:$0x7F00] =	vst v63  }
0x74: {  	_ =	swait.ge [sflag:s21], $0x2780  }
0x75: {  	[sflag:s21] =	ssyncset.done $0x0  }
0x76: {  	[sflag:s21] =	ssyncadd.s32 $0xFFFFD880  }
0x77: {  	s9 =	sadd.s32 $0x0, s18;
	s30 =	simm.s32 $0x0;
	[bflag:$0x0] =	sbarrier.arrive $0xFFFF  }
0x78: {  	[tilespmem:s30], [sflag:$0x1] =	stream.linear.gather [hbm4b:s9+s30], $0x80, $0x38;
	[tilespmem:$0x7F00] =	vst v63  }
0x79: {  	_ =	swait.ge [sflag:s21], $0x80  }
0x7a: {  	[sflag:s21] =	ssyncset.done $0x0  }
0x7b: {  	[sflag:s21] =	ssyncadd.s32 $0xFFFFFF80  }
0x7c: {  	[spmem:s2] =	stream.indirect.scatter.add.f32 [tilespmem:s22], [sflag:$0x1], $0x10, s30, s22, $0xb8;
	[tilespmem:$0x7F00] =	vst v63  }
0x7d: {  	s31 =	simm.s32 $0x10;
	_ =	swait.ge [sflag:s21], $0x800  }
0x7e: {  	s29 =	simm.s32 $0x10;
	s1 =	simm.s32 $0x20;
	[sflag:s21] =	ssyncset.done $0x0  }
.LBB2_10:
0x7f: {  	s0 =	sadd.s32 s31, s18  }
0x80: {  	[sflag:s21] =	ssyncadd.s32 $0xFFFFF800;
	s31 =	smov.u32 s1;
	s9 =	sadd.s32 $0x10, s1  }
0x81: {  	[tilespmem:s30], [sflag:$0x1] =	stream.linear.gather [hbm4b:s0+s30], $0x80, $0x38;
	[tilespmem:$0x7F00] =	vst v63  }
0x82: {  	p1 =	sne.s32 s1, $0x300;
	_ =	swait.ge [sflag:s21], $0x80  }
.Ltmp4:
0x83: {  	[sflag:s21] =	ssyncset.done $0x0;
	(pc) =	sbr.rel @p1 .LBB2_10-.Ltmp4, $4  }
0x84: {  	[sflag:s21] =	ssyncadd.s32 $0xFFFFFF80  }
0x85: {  	[spmem:s2] =	stream.indirect.scatter.add.f32 [tilespmem:s22], [sflag:$0x1], $0x10, s30, s22, $0xb8;
	[tilespmem:$0x7F00] =	vst v63  }
0x86: {  	_ =	swait.ge [sflag:s21], $0x800  }
0x87: {  	s1 =	smov.u32 s9;
	[sflag:s21] =	ssyncset.done $0x0  }
0x88: {  	s0 =	sadd.s32 s31, s18;
	[sflag:s21] =	ssyncadd.s32 $0xFFFFF800  }
0x89: {  	[tilespmem:s30], [sflag:$0x1] =	stream.linear.gather [hbm4b:s0+s30], $0x80, $0x38;
	[tilespmem:$0x7F00] =	vst v63  }
0x8a: {  	_ =	swait.ge [sflag:s21], $0x80  }
0x8b: {  	[sflag:s21] =	ssyncset.done $0x0  }
0x8c: {  	[sflag:s21] =	ssyncadd.s32 $0xFFFFFF80  }
0x8d: {  	[spmem:s2] =	stream.indirect.scatter.add.f32 [tilespmem:s22], [sflag:$0x1], $0x10, s30, s22, $0xb8;
	[tilespmem:$0x7F00] =	vst v63  }
0x8e: {  	_ =	swait.ge [sflag:s21], $0x800  }
0x8f: {  	[sflag:s21] =	ssyncset.done $0x0  }
0x90: {  	s31 =	sadd.s32 $0x0, s19;
	[sflag:s21] =	ssyncadd.s32 $0xFFFFF800  }
0x91: {  	[tilespmem:s4], [sflag:$0x1] =	stream.linear.gather [hbm4b:s31+s4], $0x80, $0x38;
	[tilespmem:$0x7F00] =	vst v63  }
0x92: {  	_ =	swait.ge [sflag:s21], $0x80  }
0x93: {  	[sflag:s21] =	ssyncset.done $0x0  }
0x94: {  	[sflag:s21] =	ssyncadd.s32 $0xFFFFFF80  }
0x95: {  	[spmem:s3] =	stream.indirect.scatter.add.f32 [tilespmem:s22], [sflag:$0x1], $0x10, s4, s22, $0xb8;
	[tilespmem:$0x7F00] =	vst v63  }
0x96: {  	_ =	swait.ge [sflag:s21], $0x800  }
0x97: {  	s1 =	simm.s32 $0x20;
	[sflag:s21] =	ssyncset.done $0x0  }
.LBB2_12:
0x98: {  	s0 =	sadd.s32 s29, s19  }
0x99: {  	[sflag:s21] =	ssyncadd.s32 $0xFFFFF800;
	s29 =	smov.u32 s1;
	s9 =	sadd.s32 $0x10, s1  }
0x9a: {  	[tilespmem:s4], [sflag:$0x1] =	stream.linear.gather [hbm4b:s0+s4], $0x80, $0x38;
	[tilespmem:$0x7F00] =	vst v63  }
0x9b: {  	p1 =	sne.s32 s1, $0x300;
	_ =	swait.ge [sflag:s21], $0x80  }
.Ltmp5:
0x9c: {  	[sflag:s21] =	ssyncset.done $0x0;
	(pc) =	sbr.rel @p1 .LBB2_12-.Ltmp5, $4  }
0x9d: {  	[sflag:s21] =	ssyncadd.s32 $0xFFFFFF80  }
0x9e: {  	[spmem:s3] =	stream.indirect.scatter.add.f32 [tilespmem:s22], [sflag:$0x1], $0x10, s4, s22, $0xb8;
	[tilespmem:$0x7F00] =	vst v63  }
0x9f: {  	_ =	swait.ge [sflag:s21], $0x800  }
0xa0: {  	s1 =	smov.u32 s9;
	[sflag:s21] =	ssyncset.done $0x0  }
0xa1: {  	s0 =	sadd.s32 s29, s19;
	[sflag:s21] =	ssyncadd.s32 $0xFFFFF800  }
0xa2: {  	[tilespmem:s4], [sflag:$0x1] =	stream.linear.gather [hbm4b:s0+s4], $0x80, $0x38;
	[tilespmem:$0x7F00] =	vst v63  }
0xa3: {  	_ =	swait.ge [sflag:s21], $0x80  }
0xa4: {  	[sflag:s21] =	ssyncset.done $0x0  }
0xa5: {  	[sflag:s21] =	ssyncadd.s32 $0xFFFFFF80  }
0xa6: {  	[spmem:s3] =	stream.indirect.scatter.add.f32 [tilespmem:s22], [sflag:$0x1], $0x10, s4, s22, $0xb8;
	[tilespmem:$0x7F00] =	vst v63  }
0xa7: {  	_ =	swait.ge [sflag:s21], $0x800  }
0xa8: {  	[sflag:s21] =	ssyncset.done $0x0  }
0xa9: {  	[sflag:s21] =	ssyncadd.s32 $0xFFFFF800  }
0xaa: {  	[bflag:$0x0] =	sbarrier.arrive $0xFFFF  }
0xab: {  	[hbm:s11], [sflag:s24] =	dma.local [spmem:s25], $0x4F0  }
0xac: {  	_ =	swait.ge [sflag:s21], $0x4F0  }
0xad: {  	[sflag:s21] =	ssyncset.done $0x0  }
0xae: {  	s0 =	simm.s32 @p0 $0x1;
	[sflag:s21] =	ssyncadd.s32 $0xFFFFFB10  }
0xaf: {  	[hbm:s12], [sflag:s24] =	dma.local @p0 [spmem:s26], $0x4F0  }
0xb0: {  	_ =	swait.ge @p0 [sflag:s0], $0x4F0  }
0xb1: {  	s1 =	simm.s32 @!p0 $0x880;
	[sflag:s0] =	ssyncset.done @p0 $0x0  }
0xb2: {  	s9 =	simm.s32 @!p0 $0x1;
	[sflag:s0] =	ssyncadd.s32 @p0 $0xFFFFFB10;
	s0 =	simm.s32 @!p0 $0x0  }
0xb3: {  	[hbm4b:s13+s0] =	stream.linear.scatter @!p0 [tilespmem:s1], [sflag:$0x1], $0x800, $0x38;
	[tilespmem:$0x7F00] =	vst v63  }
0xb4: {  	_ =	swait.ge @!p0 [sflag:s9], $0x800  }
0xb5: {  	[sflag:s9] =	ssyncset.done @!p0 $0x0  }
0xb6: {  	[sflag:s9] =	ssyncadd.s32 @!p0 $0xFFFFF800  }
0xb7: {  	[hbm:s12], [sflag:s24] =	dma.local @!p0 [spmem:s28], $0x4F0  }
0xb8: {  	s23 =	sadd.s32 $0x1, s23;
	_ =	swait.ge @!p0 [sflag:s9], $0x4F0  }
0xb9: {  	p1 =	sne.s32 s23, s15;
	[sflag:s9] =	ssyncset.done @!p0 $0x0  }
.Ltmp6:
0xba: {  	[sflag:s9] =	ssyncadd.s32 @!p0 $0xFFFFFB10;
	(pc) =	sbr.rel @p1 .LBB2_1-.Ltmp6, $4  }
0xbb: {  	[hbm4b:s14+s0] =	stream.linear.scatter @!p0 [tilespmem:s1], [sflag:$0x1], $0x800, $0x38;
	[tilespmem:$0x7F00] =	vst v63  }
0xbc: {  	_ =	swait.ge @!p0 [sflag:s9], $0x800  }
0xbd: {  	[sflag:s9] =	ssyncset.done @!p0 $0x0  }
0xbe: {  	[sflag:s9] =	ssyncadd.s32 @!p0 $0xFFFFF800  }
0xbf: {  	_ =	sfence.sel $0x180000  }
0xc0: {  	[bflag:$0x0] =	sbarrier.arrive $0xFFFF  }
0xc1: {  	_ =	strace $0x90000047  }
0xc2: {  	s0 =	stileid.u32;
	[bflag:$0x2] =	sbarrier.arrive $0xFFFF  }
0xc3: {  	p0 =	sne.s32 s0, $0x0;
	s0 =	rddreg [dreg:$0x4]  }
0xc4: {  	s0 =	sadd.s32 @!p0 $0x100000, s0  }
0xc5: {  	[sflag:s0] =	ssyncadd.tile.s32 @!p0 $0x1;
	_ =	shalt  }
.Lfunc_end2:
_tile_overlayer_lowered:
.L_overlay_start_2:
0xc6: {  	(tag) =	ssettag $0x2  }
0xc7: {  	s0 =	rddreg [dreg:$0x0];
	s2 =	stileid.u32  }
0xc8: {  	s1 =	rddreg [dreg:$0x1];
	p0 =	sne.s32 s2, $0x0  }
0xc9: {  	s3 =	rddreg [dreg:$0x2];
	[bflag:$0x3] =	sbarrier.arrive $0xFFFF;
	s2 =	simm.s32 @!p0 $0x1C01  }
0xca: {  	[timem:s3], [sflag:s2] =	dma.local @!p0 [hbm:s0], s1  }
0xcb: {  	s0 =	simm.s32 @!p0 $0x1  }
0xcc: {  	_ =	swait.ge @!p0 [sflag:s0], s1  }
0xcd: {  	s1 =	ssub.s32 @!p0 $0x0, s1;
	[sflag:s0] =	ssyncset.done @!p0 $0x0  }
0xce: {  	[sflag:s0] =	ssyncadd.s32 @!p0 s1  }
0xcf: {  	[bflag:$0x3] =	sbarrier.arrive $0xFFFF  }
0xd0: {  	_ =	shalt  }

</sc_bundles>
